<compile_context>
chip_gen: v7x
topology: tpu7x:2x2x1
jax: 0.10.2.dev20260603
libtpu: 0.0.44.dev20260713+nightly
codegen_flags: <defaults>
</compile_context>

<pallas_src>
import functools

import jax
import jax.numpy as jnp
from jax import lax
from jax.experimental import pallas as pl
from jax.experimental.pallas import tpu as pltpu
from jax.experimental.pallas import tpu_sc as plsc

DIM = 64
LANES = 16
NSL = DIM // LANES
NBUF = 5
LEAD = 3


def kernel(x, tok_table, pos_table):
    B, S = x.shape
    NW = 32
    BW = B // NW
    ST = S // 8
    BT = B // 128
    DT = DIM // 8

    xview = x.astype(jnp.int32).T.reshape(ST, 8, BT, 128).transpose(0, 2, 1, 3)
    pos = pos_table[:S]

    mesh = plsc.VectorSubcoreMesh(core_axis_name="c", subcore_axis_name="s")

    @functools.partial(
        pl.kernel,
        mesh=mesh,
        out_type=jax.ShapeDtypeStruct((S, DT, BT, 8, 128), jnp.float32),
        compiler_params=pltpu.CompilerParams(
            use_tc_tiling_on_sc=False, needs_layout_passes=False,
            disable_bounds_checks=True),
        scratch_types=[
            pltpu.VMEM((ST, 8, 128), jnp.int32),
            pltpu.VMEM((NBUF, BW, DIM), jnp.float32),
            pltpu.VMEM((NBUF, DT, 8, 129), jnp.float32),
            pltpu.VMEM((S, DIM), jnp.float32),
            [pltpu.SemaphoreType.DMA for _ in range(NBUF)],
            [pltpu.SemaphoreType.DMA for _ in range(NBUF)],
        ],
    )
    def sc_kernel(x_hbm, tok_hbm, pos_hbm, out_hbm,
                  idx_v, rows_b, plane_b, pos_v, gsems, ssems):
        wid = lax.axis_index("s") * 2 + lax.axis_index("c")
        pltpu.sync_copy(pos_hbm.at[pl.ds(0, S)], pos_v)
        pltpu.sync_copy(x_hbm.at[pl.ds(0, ST), wid], idx_v)

        iota = lax.iota(jnp.int32, LANES)
        dt_sel = [(iota + k * LANES) >> 3 for k in range(NSL)]
        d8_sel = [(iota + k * LANES) & 7 for k in range(NSL)]

        def gather_cp(p, b):
            return pltpu.make_async_copy(
                tok_hbm.at[idx_v.at[p // 8, p % 8]], rows_b.at[b], gsems[b])

        def scatter_cp(p, b):
            return pltpu.make_async_copy(
                plane_b.at[b, :, :, pl.ds(0, 128)],
                out_hbm.at[p, pl.ds(0, DT), wid], ssems[b])

        for q in range(LEAD):
            gather_cp(q, q).start()

        def outer(pp, carry):
            for u in range(NBUF):
                p = pp * NBUF + u
                b2 = (u + LEAD) % NBUF

                @pl.when(p >= NBUF - LEAD)
                def _():
                    scatter_cp(p - (NBUF - LEAD), b2).wait()

                @pl.when(p + LEAD < S)
                def _():
                    gather_cp(p + LEAD, b2).start()

                gather_cp(p, u).wait()
                pregs = [pos_v[p, pl.ds(k * LANES, LANES)] for k in range(NSL)]
                rows = rows_b.at[u]
                plane = plane_b.at[u]

                @plsc.parallel_loop(0, BW, unroll=4)
                def _(r):
                    bspl = jnp.full((LANES,), r, jnp.int32)
                    for k in range(NSL):
                        v = rows[r, pl.ds(k * LANES, LANES)] + pregs[k]
                        plsc.store_scatter(
                            plane, [dt_sel[k], d8_sel[k], bspl], v)

                scatter_cp(p, u).start()
            return carry

        lax.fori_loop(0, S // NBUF, outer, 0)
        for q in range(NBUF - LEAD):
            pq = S - (NBUF - LEAD) + q
            scatter_cp(pq, pq % NBUF).wait()

    out5 = sc_kernel(xview, tok_table, pos)
    return out5.transpose(2, 4, 0, 1, 3).reshape(B, S, DIM)

# --- scband reference (transcript-rebuilt; emitter-appended) ---
"""Pipeline reference for scband-embedding-70085276336762 (READ-ONLY COPY).

The authoritative reference and input builder live on the scoring server;
editing this copy changes nothing except your own understanding.
"""

import jax, jax.numpy as jnp
import numpy as np

DIM = 64
NUM_TOKENS = 1000000
NUM_POSITIONS = 512
PAD_IX = 0
BATCH = 4096
SEQ_LEN = 200


def setup_inputs(seed: int = 0) -> dict:
    key = jax.random.key(seed)
    k1, k2, k3 = jax.random.split(key, 3)
    x = jax.random.randint(k1, (BATCH, SEQ_LEN), 0, NUM_TOKENS, dtype=jnp.int64 if jax.config.jax_enable_x64 else jnp.int32)
    tok_table = jax.random.normal(k2, (NUM_TOKENS, DIM), dtype=jnp.float32)
    pos_table = jax.random.normal(k3, (NUM_POSITIONS, DIM), dtype=jnp.float32)
    # padding_idx rows are zero-initialized semantics in torch (after zeroing)
    tok_table = tok_table.at[PAD_IX].set(0.0)
    pos_table = pos_table.at[PAD_IX].set(0.0)
    return {"x": x, "tok_table": tok_table, "pos_table": pos_table}


def reference(x, tok_table, pos_table):
    batch_size, seq_len = x.shape
    xt = jnp.take(tok_table, x, axis=0)
    xp_idx = jnp.tile(jnp.arange(seq_len)[None, :], (batch_size, 1))
    xp = jnp.take(pos_table, xp_idx, axis=0)
    return xt + xp

if __name__ == "__main__":
    import jax
    _d = setup_inputs()
    print(jax.jit(kernel)(*tuple(_d.values())))

</pallas_src>

<mosaic_0001>
#map = affine_map<(d0, d1) -> (0, 0, 0, 0)>
#map1 = affine_map<(d0, d1) -> (0, 0)>
#map2 = affine_map<(d0, d1) -> (0, 0, 0, 0, 0)>
module attributes {stable_mosaic.version = 14 : i64} {
  func.func @sc_kernel(%arg0: i32, %arg1: i32, %arg2: memref<25x32x8x128xi32, #tpu.memory_space<hbm>>, %arg3: memref<1000000x64xf32, #tpu.memory_space<hbm>>, %arg4: memref<200x64xf32, #tpu.memory_space<hbm>>, %arg5: memref<200x8x32x8x128xf32, #tpu.memory_space<hbm>>, %arg6: memref<25x8x128xi32, #tpu.memory_space<vmem>>, %arg7: memref<5x128x64xf32, #tpu.memory_space<vmem>>, %arg8: memref<5x8x8x129xf32, #tpu.memory_space<vmem>>, %arg9: memref<200x64xf32, #tpu.memory_space<vmem>>, %arg10: memref<!tpu.dma_semaphore, #tpu.memory_space<semaphore_mem>>, %arg11: memref<!tpu.dma_semaphore, #tpu.memory_space<semaphore_mem>>, %arg12: memref<!tpu.dma_semaphore, #tpu.memory_space<semaphore_mem>>, %arg13: memref<!tpu.dma_semaphore, #tpu.memory_space<semaphore_mem>>, %arg14: memref<!tpu.dma_semaphore, #tpu.memory_space<semaphore_mem>>, %arg15: memref<!tpu.dma_semaphore, #tpu.memory_space<semaphore_mem>>, %arg16: memref<!tpu.dma_semaphore, #tpu.memory_space<semaphore_mem>>, %arg17: memref<!tpu.dma_semaphore, #tpu.memory_space<semaphore_mem>>, %arg18: memref<!tpu.dma_semaphore, #tpu.memory_space<semaphore_mem>>, %arg19: memref<!tpu.dma_semaphore, #tpu.memory_space<semaphore_mem>>) attributes {dimension_semantics = [#tpu.dimension_semantics<core_parallel>, #tpu.dimension_semantics<subcore_parallel>], iteration_bounds = array<i64: 2, 16>, scalar_prefetch = 0 : i64, scratch_operands = 14 : i64, tpu.core_type = #tpu.core_type<sc_vector_subcore>, window_params = [{transform_indices = #map}, {transform_indices = #map1}, {transform_indices = #map1}, {transform_indices = #map2}]} {
    %mul3A = arith.constant 2 : i32
    %mul3A_0 = arith.muli %arg1, %mul3A : i32
    %add3A = arith.addi %mul3A_0, %arg0 : i32
    "tpu.region"() ({
      %run_scoped3A = tpu.sem_alloc : memref<!tpu.dma_semaphore, #tpu.memory_space<semaphore_mem>>
      %dma_start3A_133 = arith.constant 0 : i32
      %dma_start3A_134 = arith.constant 0 : i32
      %dma_start3A_135 = tpu.memref_slice %arg4[%dma_start3A_133, %dma_start3A_134] : memref<200x64xf32, #tpu.memory_space<hbm>> -> memref<200x64xf32, #tpu.memory_space<hbm>>
      %dma_start3A_136 = arith.constant 0 : i32
      %dma_start3A_137 = arith.constant 0 : i32
      %dma_start3A_138 = tpu.memref_slice %arg4[%dma_start3A_136, %dma_start3A_137] : memref<200x64xf32, #tpu.memory_space<hbm>> -> memref<200x64xf32, #tpu.memory_space<hbm>>
      tpu.enqueue_dma source(%dma_start3A_138 : memref<200x64xf32, #tpu.memory_space<hbm>>) target(%arg9 : memref<200x64xf32, #tpu.memory_space<vmem>>) target_semaphore(%run_scoped3A : memref<!tpu.dma_semaphore, #tpu.memory_space<semaphore_mem>>)
      %dma_wait3A_139 = arith.constant 0 : i32
      %dma_wait3A_140 = arith.constant 0 : i32
      %dma_wait3A_141 = tpu.memref_slice %arg4[%dma_wait3A_139, %dma_wait3A_140] : memref<200x64xf32, #tpu.memory_space<hbm>> -> memref<200x64xf32, #tpu.memory_space<hbm>>
      %dma_wait3A_142 = arith.constant 0 : i32
      %dma_wait3A_143 = arith.constant 0 : i32
      %dma_wait3A_144 = tpu.memref_slice %arg4[%dma_wait3A_142, %dma_wait3A_143] : memref<200x64xf32, #tpu.memory_space<hbm>> -> memref<200x64xf32, #tpu.memory_space<hbm>>
      tpu.wait_dma2 semaphore(%run_scoped3A : memref<!tpu.dma_semaphore, #tpu.memory_space<semaphore_mem>>) src(%dma_wait3A_144 : memref<200x64xf32, #tpu.memory_space<hbm>>) dst(%arg9 : memref<200x64xf32, #tpu.memory_space<vmem>>)
      tpu.yield
    }) : () -> ()
    "tpu.region"() ({
      %run_scoped3A = tpu.sem_alloc : memref<!tpu.dma_semaphore, #tpu.memory_space<semaphore_mem>>
      %dma_start3A_133 = arith.constant 0 : i32
      %dma_start3A_134 = arith.constant 0 : i32
      %dma_start3A_135 = arith.constant 0 : i32
      %dma_start3A_136 = tpu.memref_slice %arg2[%dma_start3A_133, %add3A, %dma_start3A_134, %dma_start3A_135] : memref<25x32x8x128xi32, #tpu.memory_space<hbm>> -> memref<25x1x8x128xi32, #tpu.memory_space<hbm>>
      %dma_start3A_137 = tpu.memref_squeeze %dma_start3A_136 : memref<25x1x8x128xi32, #tpu.memory_space<hbm>> -> memref<25x8x128xi32, #tpu.memory_space<hbm>>
      %dma_start3A_138 = arith.constant 0 : i32
      %dma_start3A_139 = arith.constant 0 : i32
      %dma_start3A_140 = arith.constant 0 : i32
      %dma_start3A_141 = tpu.memref_slice %arg2[%dma_start3A_138, %add3A, %dma_start3A_139, %dma_start3A_140] : memref<25x32x8x128xi32, #tpu.memory_space<hbm>> -> memref<25x1x8x128xi32, #tpu.memory_space<hbm>>
      %dma_start3A_142 = tpu.memref_squeeze %dma_start3A_141 : memref<25x1x8x128xi32, #tpu.memory_space<hbm>> -> memref<25x8x128xi32, #tpu.memory_space<hbm>>
      tpu.enqueue_dma source(%dma_start3A_142 : memref<25x8x128xi32, #tpu.memory_space<hbm>>) target(%arg6 : memref<25x8x128xi32, #tpu.memory_space<vmem>>) target_semaphore(%run_scoped3A : memref<!tpu.dma_semaphore, #tpu.memory_space<semaphore_mem>>)
      %dma_wait3A_143 = arith.constant 0 : i32
      %dma_wait3A_144 = arith.constant 0 : i32
      %dma_wait3A_145 = arith.constant 0 : i32
      %dma_wait3A_146 = tpu.memref_slice %arg2[%dma_wait3A_143, %add3A, %dma_wait3A_144, %dma_wait3A_145] : memref<25x32x8x128xi32, #tpu.memory_space<hbm>> -> memref<25x1x8x128xi32, #tpu.memory_space<hbm>>
      %dma_wait3A_147 = tpu.memref_squeeze %dma_wait3A_146 : memref<25x1x8x128xi32, #tpu.memory_space<hbm>> -> memref<25x8x128xi32, #tpu.memory_space<hbm>>
      %dma_wait3A_148 = arith.constant 0 : i32
      %dma_wait3A_149 = arith.constant 0 : i32
      %dma_wait3A_150 = arith.constant 0 : i32
      %dma_wait3A_151 = tpu.memref_slice %arg2[%dma_wait3A_148, %add3A, %dma_wait3A_149, %dma_wait3A_150] : memref<25x32x8x128xi32, #tpu.memory_space<hbm>> -> memref<25x1x8x128xi32, #tpu.memory_space<hbm>>
      %dma_wait3A_152 = tpu.memref_squeeze %dma_wait3A_151 : memref<25x1x8x128xi32, #tpu.memory_space<hbm>> -> memref<25x8x128xi32, #tpu.memory_space<hbm>>
      tpu.wait_dma2 semaphore(%run_scoped3A : memref<!tpu.dma_semaphore, #tpu.memory_space<semaphore_mem>>) src(%dma_wait3A_152 : memref<25x8x128xi32, #tpu.memory_space<hbm>>) dst(%arg6 : memref<25x8x128xi32, #tpu.memory_space<vmem>>)
      tpu.yield
    }) : () -> ()
    %iota3A = tpu.iota {dimensions = array<i32: 0>} : vector<16xi32>
    %add3A_1 = arith.constant 0 : i32
    %add3A_2 = vector.broadcast %add3A_1 : i32 to vector<16xi32>
    %add3A_3 = arith.addi %iota3A, %add3A_2 : vector<16xi32>
    %shift_right_arithmetic3A = arith.constant 3 : i32
    %shift_right_arithmetic3A_4 = vector.broadcast %shift_right_arithmetic3A : i32 to vector<16xi32>
    %shift_right_arithmetic3A_5 = arith.shrsi %add3A_3, %shift_right_arithmetic3A_4 : vector<16xi32>
    %add3A_6 = arith.constant 16 : i32
    %add3A_7 = vector.broadcast %add3A_6 : i32 to vector<16xi32>
    %add3A_8 = arith.addi %iota3A, %add3A_7 : vector<16xi32>
    %shift_right_arithmetic3A_9 = arith.constant 3 : i32
    %shift_right_arithmetic3A_10 = vector.broadcast %shift_right_arithmetic3A_9 : i32 to vector<16xi32>
    %shift_right_arithmetic3A_11 = arith.shrsi %add3A_8, %shift_right_arithmetic3A_10 : vector<16xi32>
    %add3A_12 = arith.constant 32 : i32
    %add3A_13 = vector.broadcast %add3A_12 : i32 to vector<16xi32>
    %add3A_14 = arith.addi %iota3A, %add3A_13 : vector<16xi32>
    %shift_right_arithmetic3A_15 = arith.constant 3 : i32
    %shift_right_arithmetic3A_16 = vector.broadcast %shift_right_arithmetic3A_15 : i32 to vector<16xi32>
    %shift_right_arithmetic3A_17 = arith.shrsi %add3A_14, %shift_right_arithmetic3A_16 : vector<16xi32>
    %add3A_18 = arith.constant 48 : i32
    %add3A_19 = vector.broadcast %add3A_18 : i32 to vector<16xi32>
    %add3A_20 = arith.addi %iota3A, %add3A_19 : vector<16xi32>
    %shift_right_arithmetic3A_21 = arith.constant 3 : i32
    %shift_right_arithmetic3A_22 = vector.broadcast %shift_right_arithmetic3A_21 : i32 to vector<16xi32>
    %shift_right_arithmetic3A_23 = arith.shrsi %add3A_20, %shift_right_arithmetic3A_22 : vector<16xi32>
    %add3A_24 = arith.constant 0 : i32
    %add3A_25 = vector.broadcast %add3A_24 : i32 to vector<16xi32>
    %add3A_26 = arith.addi %iota3A, %add3A_25 : vector<16xi32>
    %and3A = arith.constant 7 : i32
    %and3A_27 = vector.broadcast %and3A : i32 to vector<16xi32>
    %and3A_28 = arith.andi %add3A_26, %and3A_27 : vector<16xi32>
    %add3A_29 = arith.constant 16 : i32
    %add3A_30 = vector.broadcast %add3A_29 : i32 to vector<16xi32>
    %add3A_31 = arith.addi %iota3A, %add3A_30 : vector<16xi32>
    %and3A_32 = arith.constant 7 : i32
    %and3A_33 = vector.broadcast %and3A_32 : i32 to vector<16xi32>
    %and3A_34 = arith.andi %add3A_31, %and3A_33 : vector<16xi32>
    %add3A_35 = arith.constant 32 : i32
    %add3A_36 = vector.broadcast %add3A_35 : i32 to vector<16xi32>
    %add3A_37 = arith.addi %iota3A, %add3A_36 : vector<16xi32>
    %and3A_38 = arith.constant 7 : i32
    %and3A_39 = vector.broadcast %and3A_38 : i32 to vector<16xi32>
    %and3A_40 = arith.andi %add3A_37, %and3A_39 : vector<16xi32>
    %add3A_41 = arith.constant 48 : i32
    %add3A_42 = vector.broadcast %add3A_41 : i32 to vector<16xi32>
    %add3A_43 = arith.addi %iota3A, %add3A_42 : vector<16xi32>
    %and3A_44 = arith.constant 7 : i32
    %and3A_45 = vector.broadcast %and3A_44 : i32 to vector<16xi32>
    %and3A_46 = arith.andi %add3A_43, %and3A_45 : vector<16xi32>
    %dma_start3A = arith.constant 0 : i32
    %dma_start3A_47 = arith.constant 0 : i32
    %dma_start3A_48 = arith.constant 0 : i32
    %dma_start3A_49 = arith.constant 0 : i32
    %dma_start3A_50 = arith.constant 0 : i32
    %dma_start3A_51 = tpu.memref_slice %arg7[%dma_start3A_48, %dma_start3A_49, %dma_start3A_50] : memref<5x128x64xf32, #tpu.memory_space<vmem>> -> memref<1x128x64xf32, #tpu.memory_space<vmem>>
    %dma_start3A_52 = tpu.memref_squeeze %dma_start3A_51 : memref<1x128x64xf32, #tpu.memory_space<vmem>> -> memref<128x64xf32, #tpu.memory_space<vmem>>
    %dma_start3A_53 = arith.constant 0 : i32
    %dma_start3A_54 = tpu.memref_slice %arg6[%dma_start3A, %dma_start3A_47, %dma_start3A_53] : memref<25x8x128xi32, #tpu.memory_space<vmem>> -> memref<1x1x128xi32, #tpu.memory_space<vmem>>
    %dma_start3A_55 = tpu.memref_squeeze %dma_start3A_54 : memref<1x1x128xi32, #tpu.memory_space<vmem>> -> memref<128xi32, #tpu.memory_space<vmem>>
    %dma_start3A_56 = arith.constant 0 : i32
    %dma_start3A_57 = arith.constant 0 : i32
    %dma_start3A_58 = tpu.memref_slice %arg3[%dma_start3A_56, %dma_start3A_57] : memref<1000000x64xf32, #tpu.memory_space<hbm>> -> memref<1000000x64xf32, #tpu.memory_space<hbm>>
    tpu.enqueue_indirect_dma source(%dma_start3A_58 : memref<1000000x64xf32, #tpu.memory_space<hbm>>) target(%dma_start3A_52 : memref<128x64xf32, #tpu.memory_space<vmem>>) offsets(%dma_start3A_55 : memref<128xi32, #tpu.memory_space<vmem>>) semaphore(%arg10 : memref<!tpu.dma_semaphore, #tpu.memory_space<semaphore_mem>>)
    %dma_start3A_59 = arith.constant 0 : i32
    %dma_start3A_60 = arith.constant 1 : i32
    %dma_start3A_61 = arith.constant 1 : i32
    %dma_start3A_62 = arith.constant 0 : i32
    %dma_start3A_63 = arith.constant 0 : i32
    %dma_start3A_64 = tpu.memref_slice %arg7[%dma_start3A_61, %dma_start3A_62, %dma_start3A_63] : memref<5x128x64xf32, #tpu.memory_space<vmem>> -> memref<1x128x64xf32, #tpu.memory_space<vmem>>
    %dma_start3A_65 = tpu.memref_squeeze %dma_start3A_64 : memref<1x128x64xf32, #tpu.memory_space<vmem>> -> memref<128x64xf32, #tpu.memory_space<vmem>>
    %dma_start3A_66 = arith.constant 0 : i32
    %dma_start3A_67 = tpu.memref_slice %arg6[%dma_start3A_59, %dma_start3A_60, %dma_start3A_66] : memref<25x8x128xi32, #tpu.memory_space<vmem>> -> memref<1x1x128xi32, #tpu.memory_space<vmem>>
    %dma_start3A_68 = tpu.memref_squeeze %dma_start3A_67 : memref<1x1x128xi32, #tpu.memory_space<vmem>> -> memref<128xi32, #tpu.memory_space<vmem>>
    %dma_start3A_69 = arith.constant 0 : i32
    %dma_start3A_70 = arith.constant 0 : i32
    %dma_start3A_71 = tpu.memref_slice %arg3[%dma_start3A_69, %dma_start3A_70] : memref<1000000x64xf32, #tpu.memory_space<hbm>> -> memref<1000000x64xf32, #tpu.memory_space<hbm>>
    tpu.enqueue_indirect_dma source(%dma_start3A_71 : memref<1000000x64xf32, #tpu.memory_space<hbm>>) target(%dma_start3A_65 : memref<128x64xf32, #tpu.memory_space<vmem>>) offsets(%dma_start3A_68 : memref<128xi32, #tpu.memory_space<vmem>>) semaphore(%arg11 : memref<!tpu.dma_semaphore, #tpu.memory_space<semaphore_mem>>)
    %dma_start3A_72 = arith.constant 0 : i32
    %dma_start3A_73 = arith.constant 2 : i32
    %dma_start3A_74 = arith.constant 2 : i32
    %dma_start3A_75 = arith.constant 0 : i32
    %dma_start3A_76 = arith.constant 0 : i32
    %dma_start3A_77 = tpu.memref_slice %arg7[%dma_start3A_74, %dma_start3A_75, %dma_start3A_76] : memref<5x128x64xf32, #tpu.memory_space<vmem>> -> memref<1x128x64xf32, #tpu.memory_space<vmem>>
    %dma_start3A_78 = tpu.memref_squeeze %dma_start3A_77 : memref<1x128x64xf32, #tpu.memory_space<vmem>> -> memref<128x64xf32, #tpu.memory_space<vmem>>
    %dma_start3A_79 = arith.constant 0 : i32
    %dma_start3A_80 = tpu.memref_slice %arg6[%dma_start3A_72, %dma_start3A_73, %dma_start3A_79] : memref<25x8x128xi32, #tpu.memory_space<vmem>> -> memref<1x1x128xi32, #tpu.memory_space<vmem>>
    %dma_start3A_81 = tpu.memref_squeeze %dma_start3A_80 : memref<1x1x128xi32, #tpu.memory_space<vmem>> -> memref<128xi32, #tpu.memory_space<vmem>>
    %dma_start3A_82 = arith.constant 0 : i32
    %dma_start3A_83 = arith.constant 0 : i32
    %dma_start3A_84 = tpu.memref_slice %arg3[%dma_start3A_82, %dma_start3A_83] : memref<1000000x64xf32, #tpu.memory_space<hbm>> -> memref<1000000x64xf32, #tpu.memory_space<hbm>>
    tpu.enqueue_indirect_dma source(%dma_start3A_84 : memref<1000000x64xf32, #tpu.memory_space<hbm>>) target(%dma_start3A_78 : memref<128x64xf32, #tpu.memory_space<vmem>>) offsets(%dma_start3A_81 : memref<128xi32, #tpu.memory_space<vmem>>) semaphore(%arg12 : memref<!tpu.dma_semaphore, #tpu.memory_space<semaphore_mem>>)
    %scan3A = arith.constant 0 : i32
    %scan3A_85 = arith.constant 0 : i32
    %scan3A_86 = arith.constant 40 : i32
    %scan3A_87 = arith.addi %scan3A_85, %scan3A_86 : i32
    %scan3A_88 = arith.constant 1 : i32
    scf.for %scan3A_133 = %scan3A_85 to %scan3A_87 step %scan3A_88  : i32 {
      %mul3A_134 = arith.constant 5 : i32
      %mul3A_135 = arith.muli %scan3A_133, %mul3A_134 : i32
      %add3A_136 = arith.constant 0 : i32
      %add3A_137 = arith.addi %mul3A_135, %add3A_136 : i32
      %ge3A = arith.constant 2 : i32
      %ge3A_138 = arith.cmpi sge, %add3A_137, %ge3A : i32
      %convert_element_type3A = arith.extui %ge3A_138 : i1 to i32
      %cond3A = arith.constant 0 : i32
      %cond3A_139 = arith.cmpi ne, %convert_element_type3A, %cond3A : i32
      scf.if %cond3A_139 {
        %sub3A_645 = arith.constant 2 : i32
        %sub3A_646 = arith.subi %add3A_137, %sub3A_645 : i32
        %dma_wait3A_647 = arith.constant 3 : i32
        %dma_wait3A_648 = arith.constant 0 : i32
        %dma_wait3A_649 = arith.constant 0 : i32
        %dma_wait3A_650 = arith.constant 0 : i32
        %dma_wait3A_651 = tpu.memref_slice %arg8[%dma_wait3A_647, %dma_wait3A_648, %dma_wait3A_649, %dma_wait3A_650] : memref<5x8x8x129xf32, #tpu.memory_space<vmem>> -> memref<1x8x8x128xf32, #tpu.memory_space<vmem>>
        %dma_wait3A_652 = tpu.memref_squeeze %dma_wait3A_651 : memref<1x8x8x128xf32, #tpu.memory_space<vmem>> -> memref<8x8x128xf32, #tpu.memory_space<vmem>>
        %dma_wait3A_653 = arith.constant 0 : i32
        %dma_wait3A_654 = arith.constant 0 : i32
        %dma_wait3A_655 = arith.constant 0 : i32
        %dma_wait3A_656 = tpu.memref_slice %arg5[%sub3A_646, %dma_wait3A_653, %add3A, %dma_wait3A_654, %dma_wait3A_655] : memref<200x8x32x8x128xf32, #tpu.memory_space<hbm>> -> memref<1x8x1x8x128xf32, #tpu.memory_space<hbm>>
        %dma_wait3A_657 = tpu.memref_squeeze %dma_wait3A_656 : memref<1x8x1x8x128xf32, #tpu.memory_space<hbm>> -> memref<8x8x128xf32, #tpu.memory_space<hbm>>
        %dma_wait3A_658 = arith.constant 0 : i32
        %dma_wait3A_659 = arith.constant 0 : i32
        %dma_wait3A_660 = arith.constant 0 : i32
        %dma_wait3A_661 = tpu.memref_slice %arg5[%sub3A_646, %dma_wait3A_658, %add3A, %dma_wait3A_659, %dma_wait3A_660] : memref<200x8x32x8x128xf32, #tpu.memory_space<hbm>> -> memref<1x8x1x8x128xf32, #tpu.memory_space<hbm>>
        %dma_wait3A_662 = tpu.memref_squeeze %dma_wait3A_661 : memref<1x8x1x8x128xf32, #tpu.memory_space<hbm>> -> memref<8x8x128xf32, #tpu.memory_space<hbm>>
        %dma_wait3A_663 = arith.constant 0 : i32
        %dma_wait3A_664 = arith.constant 0 : i32
        %dma_wait3A_665 = arith.constant 0 : i32
        %dma_wait3A_666 = tpu.memref_slice %arg8[%dma_wait3A_647, %dma_wait3A_663, %dma_wait3A_664, %dma_wait3A_665] : memref<5x8x8x129xf32, #tpu.memory_space<vmem>> -> memref<1x8x8x128xf32, #tpu.memory_space<vmem>>
        %dma_wait3A_667 = tpu.memref_squeeze %dma_wait3A_666 : memref<1x8x8x128xf32, #tpu.memory_space<vmem>> -> memref<8x8x128xf32, #tpu.memory_space<vmem>>
        tpu.wait_dma2 semaphore(%arg18 : memref<!tpu.dma_semaphore, #tpu.memory_space<semaphore_mem>>) src(%dma_wait3A_667 : memref<8x8x128xf32, #tpu.memory_space<vmem>>) dst(%dma_wait3A_662 : memref<8x8x128xf32, #tpu.memory_space<hbm>>)
      } else {
      }
      %add3A_140 = arith.constant 3 : i32
      %add3A_141 = arith.addi %add3A_137, %add3A_140 : i32
      %lt3A = arith.constant 200 : i32
      %lt3A_142 = arith.cmpi slt, %add3A_141, %lt3A : i32
      %convert_element_type3A_143 = arith.extui %lt3A_142 : i1 to i32
      %cond3A_144 = arith.constant 0 : i32
      %cond3A_145 = arith.cmpi ne, %convert_element_type3A_143, %cond3A_144 : i32
      scf.if %cond3A_145 {
        %add3A_645 = arith.constant 3 : i32
        %add3A_646 = arith.addi %add3A_137, %add3A_645 : i32
        %jit3A_647 = arith.constant 8 : i32
        %div3A_648 = arith.divsi %add3A_646, %jit3A_647 : i32
        %sign3A_649 = arith.constant 0 : i32
        %sign3A_650 = arith.cmpi sgt, %add3A_646, %sign3A_649 : i32
        %sign3A_651 = arith.extui %sign3A_650 : i1 to i32
        %sign3A_652 = arith.constant 0 : i32
        %sign3A_653 = arith.cmpi slt, %add3A_646, %sign3A_652 : i32
        %sign3A_654 = arith.extui %sign3A_653 : i1 to i32
        %sign3A_655 = arith.subi %sign3A_651, %sign3A_654 : i32
        %sign3A_656 = arith.constant 0 : i32
        %sign3A_657 = arith.cmpi sgt, %jit3A_647, %sign3A_656 : i32
        %sign3A_658 = arith.extui %sign3A_657 : i1 to i32
        %sign3A_659 = arith.constant 0 : i32
        %sign3A_660 = arith.cmpi slt, %jit3A_647, %sign3A_659 : i32
        %sign3A_661 = arith.extui %sign3A_660 : i1 to i32
        %sign3A_662 = arith.subi %sign3A_658, %sign3A_661 : i32
        %ne3A_663 = arith.cmpi ne, %sign3A_655, %sign3A_662 : i32
        %rem3A_664 = arith.remsi %add3A_646, %jit3A_647 : i32
        %ne3A_665 = arith.constant 0 : i32
        %ne3A_666 = arith.cmpi ne, %rem3A_664, %ne3A_665 : i32
        %and3A_667 = arith.andi %ne3A_663, %ne3A_666 : i1
        %sub3A_668 = arith.constant 1 : i32
        %sub3A_669 = arith.subi %div3A_648, %sub3A_668 : i32
        %select_n3A_670 = arith.select %and3A_667, %sub3A_669, %div3A_648 : i32
        %jit3A_671 = arith.constant 8 : i32
        %eq3A_672 = arith.constant 0 : i32
        %eq3A_673 = arith.cmpi eq, %jit3A_671, %eq3A_672 : i32
        %jit3A_674 = arith.constant 1 : i32
        %select_n3A_675 = arith.select %eq3A_673, %jit3A_674, %jit3A_671 : i32
        %rem3A_676 = arith.remsi %add3A_646, %select_n3A_675 : i32
        %ne3A_677 = arith.constant 0 : i32
        %ne3A_678 = arith.cmpi ne, %rem3A_676, %ne3A_677 : i32
        %lt3A_679 = arith.constant 0 : i32
        %lt3A_680 = arith.cmpi slt, %rem3A_676, %lt3A_679 : i32
        %lt3A_681 = arith.constant 0 : i32
        %lt3A_682 = arith.cmpi slt, %select_n3A_675, %lt3A_681 : i32
        %ne3A_683 = arith.xori %lt3A_680, %lt3A_682 : i1
        %and3A_684 = arith.andi %ne3A_683, %ne3A_678 : i1
        %add3A_685 = arith.addi %rem3A_676, %select_n3A_675 : i32
        %select_n3A_686 = arith.select %and3A_684, %add3A_685, %rem3A_676 : i32
        %dma_start3A_687 = arith.constant 3 : i32
        %dma_start3A_688 = arith.constant 0 : i32
        %dma_start3A_689 = arith.constant 0 : i32
        %dma_start3A_690 = tpu.memref_slice %arg7[%dma_start3A_687, %dma_start3A_688, %dma_start3A_689] : memref<5x128x64xf32, #tpu.memory_space<vmem>> -> memref<1x128x64xf32, #tpu.memory_space<vmem>>
        %dma_start3A_691 = tpu.memref_squeeze %dma_start3A_690 : memref<1x128x64xf32, #tpu.memory_space<vmem>> -> memref<128x64xf32, #tpu.memory_space<vmem>>
        %dma_start3A_692 = arith.constant 0 : i32
        %dma_start3A_693 = tpu.memref_slice %arg6[%select_n3A_670, %select_n3A_686, %dma_start3A_692] : memref<25x8x128xi32, #tpu.memory_space<vmem>> -> memref<1x1x128xi32, #tpu.memory_space<vmem>>
        %dma_start3A_694 = tpu.memref_squeeze %dma_start3A_693 : memref<1x1x128xi32, #tpu.memory_space<vmem>> -> memref<128xi32, #tpu.memory_space<vmem>>
        %dma_start3A_695 = arith.constant 0 : i32
        %dma_start3A_696 = arith.constant 0 : i32
        %dma_start3A_697 = tpu.memref_slice %arg3[%dma_start3A_695, %dma_start3A_696] : memref<1000000x64xf32, #tpu.memory_space<hbm>> -> memref<1000000x64xf32, #tpu.memory_space<hbm>>
        tpu.enqueue_indirect_dma source(%dma_start3A_697 : memref<1000000x64xf32, #tpu.memory_space<hbm>>) target(%dma_start3A_691 : memref<128x64xf32, #tpu.memory_space<vmem>>) offsets(%dma_start3A_694 : memref<128xi32, #tpu.memory_space<vmem>>) semaphore(%arg13 : memref<!tpu.dma_semaphore, #tpu.memory_space<semaphore_mem>>)
      } else {
      }
      %jit3A = arith.constant 8 : i32
      %div3A = arith.divsi %add3A_137, %jit3A : i32
      %sign3A = arith.constant 0 : i32
      %sign3A_146 = arith.cmpi sgt, %add3A_137, %sign3A : i32
      %sign3A_147 = arith.extui %sign3A_146 : i1 to i32
      %sign3A_148 = arith.constant 0 : i32
      %sign3A_149 = arith.cmpi slt, %add3A_137, %sign3A_148 : i32
      %sign3A_150 = arith.extui %sign3A_149 : i1 to i32
      %sign3A_151 = arith.subi %sign3A_147, %sign3A_150 : i32
      %sign3A_152 = arith.constant 0 : i32
      %sign3A_153 = arith.cmpi sgt, %jit3A, %sign3A_152 : i32
      %sign3A_154 = arith.extui %sign3A_153 : i1 to i32
      %sign3A_155 = arith.constant 0 : i32
      %sign3A_156 = arith.cmpi slt, %jit3A, %sign3A_155 : i32
      %sign3A_157 = arith.extui %sign3A_156 : i1 to i32
      %sign3A_158 = arith.subi %sign3A_154, %sign3A_157 : i32
      %ne3A = arith.cmpi ne, %sign3A_151, %sign3A_158 : i32
      %rem3A = arith.remsi %add3A_137, %jit3A : i32
      %ne3A_159 = arith.constant 0 : i32
      %ne3A_160 = arith.cmpi ne, %rem3A, %ne3A_159 : i32
      %and3A_161 = arith.andi %ne3A, %ne3A_160 : i1
      %sub3A = arith.constant 1 : i32
      %sub3A_162 = arith.subi %div3A, %sub3A : i32
      %select_n3A = arith.select %and3A_161, %sub3A_162, %div3A : i32
      %jit3A_163 = arith.constant 8 : i32
      %eq3A = arith.constant 0 : i32
      %eq3A_164 = arith.cmpi eq, %jit3A_163, %eq3A : i32
      %jit3A_165 = arith.constant 1 : i32
      %select_n3A_166 = arith.select %eq3A_164, %jit3A_165, %jit3A_163 : i32
      %rem3A_167 = arith.remsi %add3A_137, %select_n3A_166 : i32
      %ne3A_168 = arith.constant 0 : i32
      %ne3A_169 = arith.cmpi ne, %rem3A_167, %ne3A_168 : i32
      %lt3A_170 = arith.constant 0 : i32
      %lt3A_171 = arith.cmpi slt, %rem3A_167, %lt3A_170 : i32
      %lt3A_172 = arith.constant 0 : i32
      %lt3A_173 = arith.cmpi slt, %select_n3A_166, %lt3A_172 : i32
      %ne3A_174 = arith.xori %lt3A_171, %lt3A_173 : i1
      %and3A_175 = arith.andi %ne3A_174, %ne3A_169 : i1
      %add3A_176 = arith.addi %rem3A_167, %select_n3A_166 : i32
      %select_n3A_177 = arith.select %and3A_175, %add3A_176, %rem3A_167 : i32
      %dma_wait3A_178 = arith.constant 0 : i32
      %dma_wait3A_179 = arith.constant 0 : i32
      %dma_wait3A_180 = arith.constant 0 : i32
      %dma_wait3A_181 = tpu.memref_slice %arg7[%dma_wait3A_178, %dma_wait3A_179, %dma_wait3A_180] : memref<5x128x64xf32, #tpu.memory_space<vmem>> -> memref<1x128x64xf32, #tpu.memory_space<vmem>>
      %dma_wait3A_182 = tpu.memref_squeeze %dma_wait3A_181 : memref<1x128x64xf32, #tpu.memory_space<vmem>> -> memref<128x64xf32, #tpu.memory_space<vmem>>
      %dma_wait3A_183 = arith.constant 0 : i32
      %dma_wait3A_184 = tpu.memref_slice %arg6[%select_n3A, %select_n3A_177, %dma_wait3A_183] : memref<25x8x128xi32, #tpu.memory_space<vmem>> -> memref<1x1x128xi32, #tpu.memory_space<vmem>>
      %dma_wait3A_185 = tpu.memref_squeeze %dma_wait3A_184 : memref<1x1x128xi32, #tpu.memory_space<vmem>> -> memref<128xi32, #tpu.memory_space<vmem>>
      %dma_wait3A_186 = arith.constant 0 : i32
      %dma_wait3A_187 = arith.constant 0 : i32
      %dma_wait3A_188 = tpu.memref_slice %arg3[%dma_wait3A_186, %dma_wait3A_187] : memref<1000000x64xf32, #tpu.memory_space<hbm>> -> memref<1000000x64xf32, #tpu.memory_space<hbm>>
      tpu.wait_indirect_dma semaphore(%arg10 : memref<!tpu.dma_semaphore, #tpu.memory_space<semaphore_mem>>) src(%dma_wait3A_188 : memref<1000000x64xf32, #tpu.memory_space<hbm>>) dst(%dma_wait3A_182 : memref<128x64xf32, #tpu.memory_space<vmem>>)
      %get3A = arith.index_cast %add3A_137 : i32 to index
      %get3A_189 = arith.constant 0 : index
      %get3A_190 = tpu.vector_load %arg9[%get3A, %get3A_189] {strides = array<i32>} : memref<200x64xf32, #tpu.memory_space<vmem>>, vector<16xf32>,
      %get3A_191 = arith.index_cast %add3A_137 : i32 to index
      %get3A_192 = arith.constant 16 : index
      %get3A_193 = tpu.vector_load %arg9[%get3A_191, %get3A_192] {strides = array<i32>} : memref<200x64xf32, #tpu.memory_space<vmem>>, vector<16xf32>,
      %get3A_194 = arith.index_cast %add3A_137 : i32 to index
      %get3A_195 = arith.constant 32 : index
      %get3A_196 = tpu.vector_load %arg9[%get3A_194, %get3A_195] {strides = array<i32>} : memref<200x64xf32, #tpu.memory_space<vmem>>, vector<16xf32>,
      %get3A_197 = arith.index_cast %add3A_137 : i32 to index
      %get3A_198 = arith.constant 48 : index
      %get3A_199 = tpu.vector_load %arg9[%get3A_197, %get3A_198] {strides = array<i32>} : memref<200x64xf32, #tpu.memory_space<vmem>>, vector<16xf32>,
      %parallel_loop3A = arith.constant 0 : i32
      %parallel_loop3A_200 = arith.constant 128 : i32
      %parallel_loop3A_201 = arith.constant 1 : i32
      %parallel_loop3A_202 = arith.constant 0 : i32
      %parallel_loop3A_203 = arith.constant 0 : i32
      scf.for %parallel_loop3A_645 = %parallel_loop3A to %parallel_loop3A_200 step %parallel_loop3A_201  : i32 {
        %parallel_loop3A_646 = vector.broadcast %parallel_loop3A_645 : i32 to vector<16xi32>
        %parallel_loop3A_647 = arith.constant 0 : i32
        %parallel_loop3A_648 = arith.constant 0 : i32
        %parallel_loop3A_649 = tpu.memref_slice %arg7[%parallel_loop3A_202, %parallel_loop3A_647, %parallel_loop3A_648] : memref<5x128x64xf32, #tpu.memory_space<vmem>> -> memref<1x128x64xf32, #tpu.memory_space<vmem>>
        %parallel_loop3A_650 = tpu.memref_squeeze %parallel_loop3A_649 : memref<1x128x64xf32, #tpu.memory_space<vmem>> -> memref<128x64xf32, #tpu.memory_space<vmem>>
        %parallel_loop3A_651 = arith.index_cast %parallel_loop3A_645 : i32 to index
        %parallel_loop3A_652 = arith.constant 0 : index
        %parallel_loop3A_653 = tpu.vector_load %parallel_loop3A_650[%parallel_loop3A_651, %parallel_loop3A_652] {strides = array<i32>} : memref<128x64xf32, #tpu.memory_space<vmem>>, vector<16xf32>,
        %parallel_loop3A_654 = arith.addf %parallel_loop3A_653, %get3A_190 : vector<16xf32>
        %parallel_loop3A_655 = arith.constant 0 : i32
        %parallel_loop3A_656 = arith.constant 0 : i32
        %parallel_loop3A_657 = arith.constant 0 : i32
        %parallel_loop3A_658 = tpu.memref_slice %arg8[%parallel_loop3A_203, %parallel_loop3A_655, %parallel_loop3A_656, %parallel_loop3A_657] : memref<5x8x8x129xf32, #tpu.memory_space<vmem>> -> memref<1x8x8x129xf32, #tpu.memory_space<vmem>>
        %parallel_loop3A_659 = tpu.memref_squeeze %parallel_loop3A_658 : memref<1x8x8x129xf32, #tpu.memory_space<vmem>> -> memref<8x8x129xf32, #tpu.memory_space<vmem>>
        tpu.vector_store_idx %parallel_loop3A_659[%shift_right_arithmetic3A_5, %and3A_28, %parallel_loop3A_646], %parallel_loop3A_654 : memref<8x8x129xf32, #tpu.memory_space<vmem>>[vector<16xi32>, vector<16xi32>, vector<16xi32>], vector<16xf32>,
        %parallel_loop3A_660 = arith.constant 0 : i32
        %parallel_loop3A_661 = arith.constant 0 : i32
        %parallel_loop3A_662 = tpu.memref_slice %arg7[%parallel_loop3A_202, %parallel_loop3A_660, %parallel_loop3A_661] : memref<5x128x64xf32, #tpu.memory_space<vmem>> -> memref<1x128x64xf32, #tpu.memory_space<vmem>>
        %parallel_loop3A_663 = tpu.memref_squeeze %parallel_loop3A_662 : memref<1x128x64xf32, #tpu.memory_space<vmem>> -> memref<128x64xf32, #tpu.memory_space<vmem>>
        %parallel_loop3A_664 = arith.index_cast %parallel_loop3A_645 : i32 to index
        %parallel_loop3A_665 = arith.constant 16 : index
        %parallel_loop3A_666 = tpu.vector_load %parallel_loop3A_663[%parallel_loop3A_664, %parallel_loop3A_665] {strides = array<i32>} : memref<128x64xf32, #tpu.memory_space<vmem>>, vector<16xf32>,
        %parallel_loop3A_667 = arith.addf %parallel_loop3A_666, %get3A_193 : vector<16xf32>
        %parallel_loop3A_668 = arith.constant 0 : i32
        %parallel_loop3A_669 = arith.constant 0 : i32
        %parallel_loop3A_670 = arith.constant 0 : i32
        %parallel_loop3A_671 = tpu.memref_slice %arg8[%parallel_loop3A_203, %parallel_loop3A_668, %parallel_loop3A_669, %parallel_loop3A_670] : memref<5x8x8x129xf32, #tpu.memory_space<vmem>> -> memref<1x8x8x129xf32, #tpu.memory_space<vmem>>
        %parallel_loop3A_672 = tpu.memref_squeeze %parallel_loop3A_671 : memref<1x8x8x129xf32, #tpu.memory_space<vmem>> -> memref<8x8x129xf32, #tpu.memory_space<vmem>>
        tpu.vector_store_idx %parallel_loop3A_672[%shift_right_arithmetic3A_11, %and3A_34, %parallel_loop3A_646], %parallel_loop3A_667 : memref<8x8x129xf32, #tpu.memory_space<vmem>>[vector<16xi32>, vector<16xi32>, vector<16xi32>], vector<16xf32>,
        %parallel_loop3A_673 = arith.constant 0 : i32
        %parallel_loop3A_674 = arith.constant 0 : i32
        %parallel_loop3A_675 = tpu.memref_slice %arg7[%parallel_loop3A_202, %parallel_loop3A_673, %parallel_loop3A_674] : memref<5x128x64xf32, #tpu.memory_space<vmem>> -> memref<1x128x64xf32, #tpu.memory_space<vmem>>
        %parallel_loop3A_676 = tpu.memref_squeeze %parallel_loop3A_675 : memref<1x128x64xf32, #tpu.memory_space<vmem>> -> memref<128x64xf32, #tpu.memory_space<vmem>>
        %parallel_loop3A_677 = arith.index_cast %parallel_loop3A_645 : i32 to index
        %parallel_loop3A_678 = arith.constant 32 : index
        %parallel_loop3A_679 = tpu.vector_load %parallel_loop3A_676[%parallel_loop3A_677, %parallel_loop3A_678] {strides = array<i32>} : memref<128x64xf32, #tpu.memory_space<vmem>>, vector<16xf32>,
        %parallel_loop3A_680 = arith.addf %parallel_loop3A_679, %get3A_196 : vector<16xf32>
        %parallel_loop3A_681 = arith.constant 0 : i32
        %parallel_loop3A_682 = arith.constant 0 : i32
        %parallel_loop3A_683 = arith.constant 0 : i32
        %parallel_loop3A_684 = tpu.memref_slice %arg8[%parallel_loop3A_203, %parallel_loop3A_681, %parallel_loop3A_682, %parallel_loop3A_683] : memref<5x8x8x129xf32, #tpu.memory_space<vmem>> -> memref<1x8x8x129xf32, #tpu.memory_space<vmem>>
        %parallel_loop3A_685 = tpu.memref_squeeze %parallel_loop3A_684 : memref<1x8x8x129xf32, #tpu.memory_space<vmem>> -> memref<8x8x129xf32, #tpu.memory_space<vmem>>
        tpu.vector_store_idx %parallel_loop3A_685[%shift_right_arithmetic3A_17, %and3A_40, %parallel_loop3A_646], %parallel_loop3A_680 : memref<8x8x129xf32, #tpu.memory_space<vmem>>[vector<16xi32>, vector<16xi32>, vector<16xi32>], vector<16xf32>,
        %parallel_loop3A_686 = arith.constant 0 : i32
        %parallel_loop3A_687 = arith.constant 0 : i32
        %parallel_loop3A_688 = tpu.memref_slice %arg7[%parallel_loop3A_202, %parallel_loop3A_686, %parallel_loop3A_687] : memref<5x128x64xf32, #tpu.memory_space<vmem>> -> memref<1x128x64xf32, #tpu.memory_space<vmem>>
        %parallel_loop3A_689 = tpu.memref_squeeze %parallel_loop3A_688 : memref<1x128x64xf32, #tpu.memory_space<vmem>> -> memref<128x64xf32, #tpu.memory_space<vmem>>
        %parallel_loop3A_690 = arith.index_cast %parallel_loop3A_645 : i32 to index
        %parallel_loop3A_691 = arith.constant 48 : index
        %parallel_loop3A_692 = tpu.vector_load %parallel_loop3A_689[%parallel_loop3A_690, %parallel_loop3A_691] {strides = array<i32>} : memref<128x64xf32, #tpu.memory_space<vmem>>, vector<16xf32>,
        %parallel_loop3A_693 = arith.addf %parallel_loop3A_692, %get3A_199 : vector<16xf32>
        %parallel_loop3A_694 = arith.constant 0 : i32
        %parallel_loop3A_695 = arith.constant 0 : i32
        %parallel_loop3A_696 = arith.constant 0 : i32
        %parallel_loop3A_697 = tpu.memref_slice %arg8[%parallel_loop3A_203, %parallel_loop3A_694, %parallel_loop3A_695, %parallel_loop3A_696] : memref<5x8x8x129xf32, #tpu.memory_space<vmem>> -> memref<1x8x8x129xf32, #tpu.memory_space<vmem>>
        %parallel_loop3A_698 = tpu.memref_squeeze %parallel_loop3A_697 : memref<1x8x8x129xf32, #tpu.memory_space<vmem>> -> memref<8x8x129xf32, #tpu.memory_space<vmem>>
        tpu.vector_store_idx %parallel_loop3A_698[%shift_right_arithmetic3A_23, %and3A_46, %parallel_loop3A_646], %parallel_loop3A_693 : memref<8x8x129xf32, #tpu.memory_space<vmem>>[vector<16xi32>, vector<16xi32>, vector<16xi32>], vector<16xf32>,
      } {sc.loop_unroll_factor = 4 : i64, sc.parallel_access}
      %dma_start3A_204 = arith.constant 0 : i32
      %dma_start3A_205 = arith.constant 0 : i32
      %dma_start3A_206 = arith.constant 0 : i32
      %dma_start3A_207 = arith.constant 0 : i32
      %dma_start3A_208 = tpu.memref_slice %arg8[%dma_start3A_204, %dma_start3A_205, %dma_start3A_206, %dma_start3A_207] : memref<5x8x8x129xf32, #tpu.memory_space<vmem>> -> memref<1x8x8x128xf32, #tpu.memory_space<vmem>>
      %dma_start3A_209 = tpu.memref_squeeze %dma_start3A_208 : memref<1x8x8x128xf32, #tpu.memory_space<vmem>> -> memref<8x8x128xf32, #tpu.memory_space<vmem>>
      %dma_start3A_210 = arith.constant 0 : i32
      %dma_start3A_211 = arith.constant 0 : i32
      %dma_start3A_212 = arith.constant 0 : i32
      %dma_start3A_213 = tpu.memref_slice %arg5[%add3A_137, %dma_start3A_210, %add3A, %dma_start3A_211, %dma_start3A_212] : memref<200x8x32x8x128xf32, #tpu.memory_space<hbm>> -> memref<1x8x1x8x128xf32, #tpu.memory_space<hbm>>
      %dma_start3A_214 = tpu.memref_squeeze %dma_start3A_213 : memref<1x8x1x8x128xf32, #tpu.memory_space<hbm>> -> memref<8x8x128xf32, #tpu.memory_space<hbm>>
      %dma_start3A_215 = arith.constant 0 : i32
      %dma_start3A_216 = arith.constant 0 : i32
      %dma_start3A_217 = arith.constant 0 : i32
      %dma_start3A_218 = tpu.memref_slice %arg5[%add3A_137, %dma_start3A_215, %add3A, %dma_start3A_216, %dma_start3A_217] : memref<200x8x32x8x128xf32, #tpu.memory_space<hbm>> -> memref<1x8x1x8x128xf32, #tpu.memory_space<hbm>>
      %dma_start3A_219 = tpu.memref_squeeze %dma_start3A_218 : memref<1x8x1x8x128xf32, #tpu.memory_space<hbm>> -> memref<8x8x128xf32, #tpu.memory_space<hbm>>
      %dma_start3A_220 = arith.constant 0 : i32
      %dma_start3A_221 = arith.constant 0 : i32
      %dma_start3A_222 = arith.constant 0 : i32
      %dma_start3A_223 = tpu.memref_slice %arg8[%dma_start3A_204, %dma_start3A_220, %dma_start3A_221, %dma_start3A_222] : memref<5x8x8x129xf32, #tpu.memory_space<vmem>> -> memref<1x8x8x128xf32, #tpu.memory_space<vmem>>
      %dma_start3A_224 = tpu.memref_squeeze %dma_start3A_223 : memref<1x8x8x128xf32, #tpu.memory_space<vmem>> -> memref<8x8x128xf32, #tpu.memory_space<vmem>>
      tpu.enqueue_dma source(%dma_start3A_224 : memref<8x8x128xf32, #tpu.memory_space<vmem>>) target(%dma_start3A_219 : memref<8x8x128xf32, #tpu.memory_space<hbm>>) target_semaphore(%arg15 : memref<!tpu.dma_semaphore, #tpu.memory_space<semaphore_mem>>)
      %mul3A_225 = arith.constant 5 : i32
      %mul3A_226 = arith.muli %scan3A_133, %mul3A_225 : i32
      %add3A_227 = arith.constant 1 : i32
      %add3A_228 = arith.addi %mul3A_226, %add3A_227 : i32
      %ge3A_229 = arith.constant 2 : i32
      %ge3A_230 = arith.cmpi sge, %add3A_228, %ge3A_229 : i32
      %convert_element_type3A_231 = arith.extui %ge3A_230 : i1 to i32
      %cond3A_232 = arith.constant 0 : i32
      %cond3A_233 = arith.cmpi ne, %convert_element_type3A_231, %cond3A_232 : i32
      scf.if %cond3A_233 {
        %sub3A_645 = arith.constant 2 : i32
        %sub3A_646 = arith.subi %add3A_228, %sub3A_645 : i32
        %dma_wait3A_647 = arith.constant 4 : i32
        %dma_wait3A_648 = arith.constant 0 : i32
        %dma_wait3A_649 = arith.constant 0 : i32
        %dma_wait3A_650 = arith.constant 0 : i32
        %dma_wait3A_651 = tpu.memref_slice %arg8[%dma_wait3A_647, %dma_wait3A_648, %dma_wait3A_649, %dma_wait3A_650] : memref<5x8x8x129xf32, #tpu.memory_space<vmem>> -> memref<1x8x8x128xf32, #tpu.memory_space<vmem>>
        %dma_wait3A_652 = tpu.memref_squeeze %dma_wait3A_651 : memref<1x8x8x128xf32, #tpu.memory_space<vmem>> -> memref<8x8x128xf32, #tpu.memory_space<vmem>>
        %dma_wait3A_653 = arith.constant 0 : i32
        %dma_wait3A_654 = arith.constant 0 : i32
        %dma_wait3A_655 = arith.constant 0 : i32
        %dma_wait3A_656 = tpu.memref_slice %arg5[%sub3A_646, %dma_wait3A_653, %add3A, %dma_wait3A_654, %dma_wait3A_655] : memref<200x8x32x8x128xf32, #tpu.memory_space<hbm>> -> memref<1x8x1x8x128xf32, #tpu.memory_space<hbm>>
        %dma_wait3A_657 = tpu.memref_squeeze %dma_wait3A_656 : memref<1x8x1x8x128xf32, #tpu.memory_space<hbm>> -> memref<8x8x128xf32, #tpu.memory_space<hbm>>
        %dma_wait3A_658 = arith.constant 0 : i32
        %dma_wait3A_659 = arith.constant 0 : i32
        %dma_wait3A_660 = arith.constant 0 : i32
        %dma_wait3A_661 = tpu.memref_slice %arg5[%sub3A_646, %dma_wait3A_658, %add3A, %dma_wait3A_659, %dma_wait3A_660] : memref<200x8x32x8x128xf32, #tpu.memory_space<hbm>> -> memref<1x8x1x8x128xf32, #tpu.memory_space<hbm>>
        %dma_wait3A_662 = tpu.memref_squeeze %dma_wait3A_661 : memref<1x8x1x8x128xf32, #tpu.memory_space<hbm>> -> memref<8x8x128xf32, #tpu.memory_space<hbm>>
        %dma_wait3A_663 = arith.constant 0 : i32
        %dma_wait3A_664 = arith.constant 0 : i32
        %dma_wait3A_665 = arith.constant 0 : i32
        %dma_wait3A_666 = tpu.memref_slice %arg8[%dma_wait3A_647, %dma_wait3A_663, %dma_wait3A_664, %dma_wait3A_665] : memref<5x8x8x129xf32, #tpu.memory_space<vmem>> -> memref<1x8x8x128xf32, #tpu.memory_space<vmem>>
        %dma_wait3A_667 = tpu.memref_squeeze %dma_wait3A_666 : memref<1x8x8x128xf32, #tpu.memory_space<vmem>> -> memref<8x8x128xf32, #tpu.memory_space<vmem>>
        tpu.wait_dma2 semaphore(%arg19 : memref<!tpu.dma_semaphore, #tpu.memory_space<semaphore_mem>>) src(%dma_wait3A_667 : memref<8x8x128xf32, #tpu.memory_space<vmem>>) dst(%dma_wait3A_662 : memref<8x8x128xf32, #tpu.memory_space<hbm>>)
      } else {
      }
      %add3A_234 = arith.constant 3 : i32
      %add3A_235 = arith.addi %add3A_228, %add3A_234 : i32
      %lt3A_236 = arith.constant 200 : i32
      %lt3A_237 = arith.cmpi slt, %add3A_235, %lt3A_236 : i32
      %convert_element_type3A_238 = arith.extui %lt3A_237 : i1 to i32
      %cond3A_239 = arith.constant 0 : i32
      %cond3A_240 = arith.cmpi ne, %convert_element_type3A_238, %cond3A_239 : i32
      scf.if %cond3A_240 {
        %add3A_645 = arith.constant 3 : i32
        %add3A_646 = arith.addi %add3A_228, %add3A_645 : i32
        %jit3A_647 = arith.constant 8 : i32
        %div3A_648 = arith.divsi %add3A_646, %jit3A_647 : i32
        %sign3A_649 = arith.constant 0 : i32
        %sign3A_650 = arith.cmpi sgt, %add3A_646, %sign3A_649 : i32
        %sign3A_651 = arith.extui %sign3A_650 : i1 to i32
        %sign3A_652 = arith.constant 0 : i32
        %sign3A_653 = arith.cmpi slt, %add3A_646, %sign3A_652 : i32
        %sign3A_654 = arith.extui %sign3A_653 : i1 to i32
        %sign3A_655 = arith.subi %sign3A_651, %sign3A_654 : i32
        %sign3A_656 = arith.constant 0 : i32
        %sign3A_657 = arith.cmpi sgt, %jit3A_647, %sign3A_656 : i32
        %sign3A_658 = arith.extui %sign3A_657 : i1 to i32
        %sign3A_659 = arith.constant 0 : i32
        %sign3A_660 = arith.cmpi slt, %jit3A_647, %sign3A_659 : i32
        %sign3A_661 = arith.extui %sign3A_660 : i1 to i32
        %sign3A_662 = arith.subi %sign3A_658, %sign3A_661 : i32
        %ne3A_663 = arith.cmpi ne, %sign3A_655, %sign3A_662 : i32
        %rem3A_664 = arith.remsi %add3A_646, %jit3A_647 : i32
        %ne3A_665 = arith.constant 0 : i32
        %ne3A_666 = arith.cmpi ne, %rem3A_664, %ne3A_665 : i32
        %and3A_667 = arith.andi %ne3A_663, %ne3A_666 : i1
        %sub3A_668 = arith.constant 1 : i32
        %sub3A_669 = arith.subi %div3A_648, %sub3A_668 : i32
        %select_n3A_670 = arith.select %and3A_667, %sub3A_669, %div3A_648 : i32
        %jit3A_671 = arith.constant 8 : i32
        %eq3A_672 = arith.constant 0 : i32
        %eq3A_673 = arith.cmpi eq, %jit3A_671, %eq3A_672 : i32
        %jit3A_674 = arith.constant 1 : i32
        %select_n3A_675 = arith.select %eq3A_673, %jit3A_674, %jit3A_671 : i32
        %rem3A_676 = arith.remsi %add3A_646, %select_n3A_675 : i32
        %ne3A_677 = arith.constant 0 : i32
        %ne3A_678 = arith.cmpi ne, %rem3A_676, %ne3A_677 : i32
        %lt3A_679 = arith.constant 0 : i32
        %lt3A_680 = arith.cmpi slt, %rem3A_676, %lt3A_679 : i32
        %lt3A_681 = arith.constant 0 : i32
        %lt3A_682 = arith.cmpi slt, %select_n3A_675, %lt3A_681 : i32
        %ne3A_683 = arith.xori %lt3A_680, %lt3A_682 : i1
        %and3A_684 = arith.andi %ne3A_683, %ne3A_678 : i1
        %add3A_685 = arith.addi %rem3A_676, %select_n3A_675 : i32
        %select_n3A_686 = arith.select %and3A_684, %add3A_685, %rem3A_676 : i32
        %dma_start3A_687 = arith.constant 4 : i32
        %dma_start3A_688 = arith.constant 0 : i32
        %dma_start3A_689 = arith.constant 0 : i32
        %dma_start3A_690 = tpu.memref_slice %arg7[%dma_start3A_687, %dma_start3A_688, %dma_start3A_689] : memref<5x128x64xf32, #tpu.memory_space<vmem>> -> memref<1x128x64xf32, #tpu.memory_space<vmem>>
        %dma_start3A_691 = tpu.memref_squeeze %dma_start3A_690 : memref<1x128x64xf32, #tpu.memory_space<vmem>> -> memref<128x64xf32, #tpu.memory_space<vmem>>
        %dma_start3A_692 = arith.constant 0 : i32
        %dma_start3A_693 = tpu.memref_slice %arg6[%select_n3A_670, %select_n3A_686, %dma_start3A_692] : memref<25x8x128xi32, #tpu.memory_space<vmem>> -> memref<1x1x128xi32, #tpu.memory_space<vmem>>
        %dma_start3A_694 = tpu.memref_squeeze %dma_start3A_693 : memref<1x1x128xi32, #tpu.memory_space<vmem>> -> memref<128xi32, #tpu.memory_space<vmem>>
        %dma_start3A_695 = arith.constant 0 : i32
        %dma_start3A_696 = arith.constant 0 : i32
        %dma_start3A_697 = tpu.memref_slice %arg3[%dma_start3A_695, %dma_start3A_696] : memref<1000000x64xf32, #tpu.memory_space<hbm>> -> memref<1000000x64xf32, #tpu.memory_space<hbm>>
        tpu.enqueue_indirect_dma source(%dma_start3A_697 : memref<1000000x64xf32, #tpu.memory_space<hbm>>) target(%dma_start3A_691 : memref<128x64xf32, #tpu.memory_space<vmem>>) offsets(%dma_start3A_694 : memref<128xi32, #tpu.memory_space<vmem>>) semaphore(%arg14 : memref<!tpu.dma_semaphore, #tpu.memory_space<semaphore_mem>>)
      } else {
      }
      %jit3A_241 = arith.constant 8 : i32
      %div3A_242 = arith.divsi %add3A_228, %jit3A_241 : i32
      %sign3A_243 = arith.constant 0 : i32
      %sign3A_244 = arith.cmpi sgt, %add3A_228, %sign3A_243 : i32
      %sign3A_245 = arith.extui %sign3A_244 : i1 to i32
      %sign3A_246 = arith.constant 0 : i32
      %sign3A_247 = arith.cmpi slt, %add3A_228, %sign3A_246 : i32
      %sign3A_248 = arith.extui %sign3A_247 : i1 to i32
      %sign3A_249 = arith.subi %sign3A_245, %sign3A_248 : i32
      %sign3A_250 = arith.constant 0 : i32
      %sign3A_251 = arith.cmpi sgt, %jit3A_241, %sign3A_250 : i32
      %sign3A_252 = arith.extui %sign3A_251 : i1 to i32
      %sign3A_253 = arith.constant 0 : i32
      %sign3A_254 = arith.cmpi slt, %jit3A_241, %sign3A_253 : i32
      %sign3A_255 = arith.extui %sign3A_254 : i1 to i32
      %sign3A_256 = arith.subi %sign3A_252, %sign3A_255 : i32
      %ne3A_257 = arith.cmpi ne, %sign3A_249, %sign3A_256 : i32
      %rem3A_258 = arith.remsi %add3A_228, %jit3A_241 : i32
      %ne3A_259 = arith.constant 0 : i32
      %ne3A_260 = arith.cmpi ne, %rem3A_258, %ne3A_259 : i32
      %and3A_261 = arith.andi %ne3A_257, %ne3A_260 : i1
      %sub3A_262 = arith.constant 1 : i32
      %sub3A_263 = arith.subi %div3A_242, %sub3A_262 : i32
      %select_n3A_264 = arith.select %and3A_261, %sub3A_263, %div3A_242 : i32
      %jit3A_265 = arith.constant 8 : i32
      %eq3A_266 = arith.constant 0 : i32
      %eq3A_267 = arith.cmpi eq, %jit3A_265, %eq3A_266 : i32
      %jit3A_268 = arith.constant 1 : i32
      %select_n3A_269 = arith.select %eq3A_267, %jit3A_268, %jit3A_265 : i32
      %rem3A_270 = arith.remsi %add3A_228, %select_n3A_269 : i32
      %ne3A_271 = arith.constant 0 : i32
      %ne3A_272 = arith.cmpi ne, %rem3A_270, %ne3A_271 : i32
      %lt3A_273 = arith.constant 0 : i32
      %lt3A_274 = arith.cmpi slt, %rem3A_270, %lt3A_273 : i32
      %lt3A_275 = arith.constant 0 : i32
      %lt3A_276 = arith.cmpi slt, %select_n3A_269, %lt3A_275 : i32
      %ne3A_277 = arith.xori %lt3A_274, %lt3A_276 : i1
      %and3A_278 = arith.andi %ne3A_277, %ne3A_272 : i1
      %add3A_279 = arith.addi %rem3A_270, %select_n3A_269 : i32
      %select_n3A_280 = arith.select %and3A_278, %add3A_279, %rem3A_270 : i32
      %dma_wait3A_281 = arith.constant 1 : i32
      %dma_wait3A_282 = arith.constant 0 : i32
      %dma_wait3A_283 = arith.constant 0 : i32
      %dma_wait3A_284 = tpu.memref_slice %arg7[%dma_wait3A_281, %dma_wait3A_282, %dma_wait3A_283] : memref<5x128x64xf32, #tpu.memory_space<vmem>> -> memref<1x128x64xf32, #tpu.memory_space<vmem>>
      %dma_wait3A_285 = tpu.memref_squeeze %dma_wait3A_284 : memref<1x128x64xf32, #tpu.memory_space<vmem>> -> memref<128x64xf32, #tpu.memory_space<vmem>>
      %dma_wait3A_286 = arith.constant 0 : i32
      %dma_wait3A_287 = tpu.memref_slice %arg6[%select_n3A_264, %select_n3A_280, %dma_wait3A_286] : memref<25x8x128xi32, #tpu.memory_space<vmem>> -> memref<1x1x128xi32, #tpu.memory_space<vmem>>
      %dma_wait3A_288 = tpu.memref_squeeze %dma_wait3A_287 : memref<1x1x128xi32, #tpu.memory_space<vmem>> -> memref<128xi32, #tpu.memory_space<vmem>>
      %dma_wait3A_289 = arith.constant 0 : i32
      %dma_wait3A_290 = arith.constant 0 : i32
      %dma_wait3A_291 = tpu.memref_slice %arg3[%dma_wait3A_289, %dma_wait3A_290] : memref<1000000x64xf32, #tpu.memory_space<hbm>> -> memref<1000000x64xf32, #tpu.memory_space<hbm>>
      tpu.wait_indirect_dma semaphore(%arg11 : memref<!tpu.dma_semaphore, #tpu.memory_space<semaphore_mem>>) src(%dma_wait3A_291 : memref<1000000x64xf32, #tpu.memory_space<hbm>>) dst(%dma_wait3A_285 : memref<128x64xf32, #tpu.memory_space<vmem>>)
      %get3A_292 = arith.index_cast %add3A_228 : i32 to index
      %get3A_293 = arith.constant 0 : index
      %get3A_294 = tpu.vector_load %arg9[%get3A_292, %get3A_293] {strides = array<i32>} : memref<200x64xf32, #tpu.memory_space<vmem>>, vector<16xf32>,
      %get3A_295 = arith.index_cast %add3A_228 : i32 to index
      %get3A_296 = arith.constant 16 : index
      %get3A_297 = tpu.vector_load %arg9[%get3A_295, %get3A_296] {strides = array<i32>} : memref<200x64xf32, #tpu.memory_space<vmem>>, vector<16xf32>,
      %get3A_298 = arith.index_cast %add3A_228 : i32 to index
      %get3A_299 = arith.constant 32 : index
      %get3A_300 = tpu.vector_load %arg9[%get3A_298, %get3A_299] {strides = array<i32>} : memref<200x64xf32, #tpu.memory_space<vmem>>, vector<16xf32>,
      %get3A_301 = arith.index_cast %add3A_228 : i32 to index
      %get3A_302 = arith.constant 48 : index
      %get3A_303 = tpu.vector_load %arg9[%get3A_301, %get3A_302] {strides = array<i32>} : memref<200x64xf32, #tpu.memory_space<vmem>>, vector<16xf32>,
      %parallel_loop3A_304 = arith.constant 0 : i32
      %parallel_loop3A_305 = arith.constant 128 : i32
      %parallel_loop3A_306 = arith.constant 1 : i32
      %parallel_loop3A_307 = arith.constant 1 : i32
      %parallel_loop3A_308 = arith.constant 1 : i32
      scf.for %parallel_loop3A_645 = %parallel_loop3A_304 to %parallel_loop3A_305 step %parallel_loop3A_306  : i32 {
        %parallel_loop3A_646 = vector.broadcast %parallel_loop3A_645 : i32 to vector<16xi32>
        %parallel_loop3A_647 = arith.constant 0 : i32
        %parallel_loop3A_648 = arith.constant 0 : i32
        %parallel_loop3A_649 = tpu.memref_slice %arg7[%parallel_loop3A_307, %parallel_loop3A_647, %parallel_loop3A_648] : memref<5x128x64xf32, #tpu.memory_space<vmem>> -> memref<1x128x64xf32, #tpu.memory_space<vmem>>
        %parallel_loop3A_650 = tpu.memref_squeeze %parallel_loop3A_649 : memref<1x128x64xf32, #tpu.memory_space<vmem>> -> memref<128x64xf32, #tpu.memory_space<vmem>>
        %parallel_loop3A_651 = arith.index_cast %parallel_loop3A_645 : i32 to index
        %parallel_loop3A_652 = arith.constant 0 : index
        %parallel_loop3A_653 = tpu.vector_load %parallel_loop3A_650[%parallel_loop3A_651, %parallel_loop3A_652] {strides = array<i32>} : memref<128x64xf32, #tpu.memory_space<vmem>>, vector<16xf32>,
        %parallel_loop3A_654 = arith.addf %parallel_loop3A_653, %get3A_294 : vector<16xf32>
        %parallel_loop3A_655 = arith.constant 0 : i32
        %parallel_loop3A_656 = arith.constant 0 : i32
        %parallel_loop3A_657 = arith.constant 0 : i32
        %parallel_loop3A_658 = tpu.memref_slice %arg8[%parallel_loop3A_308, %parallel_loop3A_655, %parallel_loop3A_656, %parallel_loop3A_657] : memref<5x8x8x129xf32, #tpu.memory_space<vmem>> -> memref<1x8x8x129xf32, #tpu.memory_space<vmem>>
        %parallel_loop3A_659 = tpu.memref_squeeze %parallel_loop3A_658 : memref<1x8x8x129xf32, #tpu.memory_space<vmem>> -> memref<8x8x129xf32, #tpu.memory_space<vmem>>
        tpu.vector_store_idx %parallel_loop3A_659[%shift_right_arithmetic3A_5, %and3A_28, %parallel_loop3A_646], %parallel_loop3A_654 : memref<8x8x129xf32, #tpu.memory_space<vmem>>[vector<16xi32>, vector<16xi32>, vector<16xi32>], vector<16xf32>,
        %parallel_loop3A_660 = arith.constant 0 : i32
        %parallel_loop3A_661 = arith.constant 0 : i32
        %parallel_loop3A_662 = tpu.memref_slice %arg7[%parallel_loop3A_307, %parallel_loop3A_660, %parallel_loop3A_661] : memref<5x128x64xf32, #tpu.memory_space<vmem>> -> memref<1x128x64xf32, #tpu.memory_space<vmem>>
        %parallel_loop3A_663 = tpu.memref_squeeze %parallel_loop3A_662 : memref<1x128x64xf32, #tpu.memory_space<vmem>> -> memref<128x64xf32, #tpu.memory_space<vmem>>
        %parallel_loop3A_664 = arith.index_cast %parallel_loop3A_645 : i32 to index
        %parallel_loop3A_665 = arith.constant 16 : index
        %parallel_loop3A_666 = tpu.vector_load %parallel_loop3A_663[%parallel_loop3A_664, %parallel_loop3A_665] {strides = array<i32>} : memref<128x64xf32, #tpu.memory_space<vmem>>, vector<16xf32>,
        %parallel_loop3A_667 = arith.addf %parallel_loop3A_666, %get3A_297 : vector<16xf32>
        %parallel_loop3A_668 = arith.constant 0 : i32
        %parallel_loop3A_669 = arith.constant 0 : i32
        %parallel_loop3A_670 = arith.constant 0 : i32
        %parallel_loop3A_671 = tpu.memref_slice %arg8[%parallel_loop3A_308, %parallel_loop3A_668, %parallel_loop3A_669, %parallel_loop3A_670] : memref<5x8x8x129xf32, #tpu.memory_space<vmem>> -> memref<1x8x8x129xf32, #tpu.memory_space<vmem>>
        %parallel_loop3A_672 = tpu.memref_squeeze %parallel_loop3A_671 : memref<1x8x8x129xf32, #tpu.memory_space<vmem>> -> memref<8x8x129xf32, #tpu.memory_space<vmem>>
        tpu.vector_store_idx %parallel_loop3A_672[%shift_right_arithmetic3A_11, %and3A_34, %parallel_loop3A_646], %parallel_loop3A_667 : memref<8x8x129xf32, #tpu.memory_space<vmem>>[vector<16xi32>, vector<16xi32>, vector<16xi32>], vector<16xf32>,
        %parallel_loop3A_673 = arith.constant 0 : i32
        %parallel_loop3A_674 = arith.constant 0 : i32
        %parallel_loop3A_675 = tpu.memref_slice %arg7[%parallel_loop3A_307, %parallel_loop3A_673, %parallel_loop3A_674] : memref<5x128x64xf32, #tpu.memory_space<vmem>> -> memref<1x128x64xf32, #tpu.memory_space<vmem>>
        %parallel_loop3A_676 = tpu.memref_squeeze %parallel_loop3A_675 : memref<1x128x64xf32, #tpu.memory_space<vmem>> -> memref<128x64xf32, #tpu.memory_space<vmem>>
        %parallel_loop3A_677 = arith.index_cast %parallel_loop3A_645 : i32 to index
        %parallel_loop3A_678 = arith.constant 32 : index
        %parallel_loop3A_679 = tpu.vector_load %parallel_loop3A_676[%parallel_loop3A_677, %parallel_loop3A_678] {strides = array<i32>} : memref<128x64xf32, #tpu.memory_space<vmem>>, vector<16xf32>,
        %parallel_loop3A_680 = arith.addf %parallel_loop3A_679, %get3A_300 : vector<16xf32>
        %parallel_loop3A_681 = arith.constant 0 : i32
        %parallel_loop3A_682 = arith.constant 0 : i32
        %parallel_loop3A_683 = arith.constant 0 : i32
        %parallel_loop3A_684 = tpu.memref_slice %arg8[%parallel_loop3A_308, %parallel_loop3A_681, %parallel_loop3A_682, %parallel_loop3A_683] : memref<5x8x8x129xf32, #tpu.memory_space<vmem>> -> memref<1x8x8x129xf32, #tpu.memory_space<vmem>>
        %parallel_loop3A_685 = tpu.memref_squeeze %parallel_loop3A_684 : memref<1x8x8x129xf32, #tpu.memory_space<vmem>> -> memref<8x8x129xf32, #tpu.memory_space<vmem>>
        tpu.vector_store_idx %parallel_loop3A_685[%shift_right_arithmetic3A_17, %and3A_40, %parallel_loop3A_646], %parallel_loop3A_680 : memref<8x8x129xf32, #tpu.memory_space<vmem>>[vector<16xi32>, vector<16xi32>, vector<16xi32>], vector<16xf32>,
        %parallel_loop3A_686 = arith.constant 0 : i32
        %parallel_loop3A_687 = arith.constant 0 : i32
        %parallel_loop3A_688 = tpu.memref_slice %arg7[%parallel_loop3A_307, %parallel_loop3A_686, %parallel_loop3A_687] : memref<5x128x64xf32, #tpu.memory_space<vmem>> -> memref<1x128x64xf32, #tpu.memory_space<vmem>>
        %parallel_loop3A_689 = tpu.memref_squeeze %parallel_loop3A_688 : memref<1x128x64xf32, #tpu.memory_space<vmem>> -> memref<128x64xf32, #tpu.memory_space<vmem>>
        %parallel_loop3A_690 = arith.index_cast %parallel_loop3A_645 : i32 to index
        %parallel_loop3A_691 = arith.constant 48 : index
        %parallel_loop3A_692 = tpu.vector_load %parallel_loop3A_689[%parallel_loop3A_690, %parallel_loop3A_691] {strides = array<i32>} : memref<128x64xf32, #tpu.memory_space<vmem>>, vector<16xf32>,
        %parallel_loop3A_693 = arith.addf %parallel_loop3A_692, %get3A_303 : vector<16xf32>
        %parallel_loop3A_694 = arith.constant 0 : i32
        %parallel_loop3A_695 = arith.constant 0 : i32
        %parallel_loop3A_696 = arith.constant 0 : i32
        %parallel_loop3A_697 = tpu.memref_slice %arg8[%parallel_loop3A_308, %parallel_loop3A_694, %parallel_loop3A_695, %parallel_loop3A_696] : memref<5x8x8x129xf32, #tpu.memory_space<vmem>> -> memref<1x8x8x129xf32, #tpu.memory_space<vmem>>
        %parallel_loop3A_698 = tpu.memref_squeeze %parallel_loop3A_697 : memref<1x8x8x129xf32, #tpu.memory_space<vmem>> -> memref<8x8x129xf32, #tpu.memory_space<vmem>>
        tpu.vector_store_idx %parallel_loop3A_698[%shift_right_arithmetic3A_23, %and3A_46, %parallel_loop3A_646], %parallel_loop3A_693 : memref<8x8x129xf32, #tpu.memory_space<vmem>>[vector<16xi32>, vector<16xi32>, vector<16xi32>], vector<16xf32>,
      } {sc.loop_unroll_factor = 4 : i64, sc.parallel_access}
      %dma_start3A_309 = arith.constant 1 : i32
      %dma_start3A_310 = arith.constant 0 : i32
      %dma_start3A_311 = arith.constant 0 : i32
      %dma_start3A_312 = arith.constant 0 : i32
      %dma_start3A_313 = tpu.memref_slice %arg8[%dma_start3A_309, %dma_start3A_310, %dma_start3A_311, %dma_start3A_312] : memref<5x8x8x129xf32, #tpu.memory_space<vmem>> -> memref<1x8x8x128xf32, #tpu.memory_space<vmem>>
      %dma_start3A_314 = tpu.memref_squeeze %dma_start3A_313 : memref<1x8x8x128xf32, #tpu.memory_space<vmem>> -> memref<8x8x128xf32, #tpu.memory_space<vmem>>
      %dma_start3A_315 = arith.constant 0 : i32
      %dma_start3A_316 = arith.constant 0 : i32
      %dma_start3A_317 = arith.constant 0 : i32
      %dma_start3A_318 = tpu.memref_slice %arg5[%add3A_228, %dma_start3A_315, %add3A, %dma_start3A_316, %dma_start3A_317] : memref<200x8x32x8x128xf32, #tpu.memory_space<hbm>> -> memref<1x8x1x8x128xf32, #tpu.memory_space<hbm>>
      %dma_start3A_319 = tpu.memref_squeeze %dma_start3A_318 : memref<1x8x1x8x128xf32, #tpu.memory_space<hbm>> -> memref<8x8x128xf32, #tpu.memory_space<hbm>>
      %dma_start3A_320 = arith.constant 0 : i32
      %dma_start3A_321 = arith.constant 0 : i32
      %dma_start3A_322 = arith.constant 0 : i32
      %dma_start3A_323 = tpu.memref_slice %arg5[%add3A_228, %dma_start3A_320, %add3A, %dma_start3A_321, %dma_start3A_322] : memref<200x8x32x8x128xf32, #tpu.memory_space<hbm>> -> memref<1x8x1x8x128xf32, #tpu.memory_space<hbm>>
      %dma_start3A_324 = tpu.memref_squeeze %dma_start3A_323 : memref<1x8x1x8x128xf32, #tpu.memory_space<hbm>> -> memref<8x8x128xf32, #tpu.memory_space<hbm>>
      %dma_start3A_325 = arith.constant 0 : i32
      %dma_start3A_326 = arith.constant 0 : i32
      %dma_start3A_327 = arith.constant 0 : i32
      %dma_start3A_328 = tpu.memref_slice %arg8[%dma_start3A_309, %dma_start3A_325, %dma_start3A_326, %dma_start3A_327] : memref<5x8x8x129xf32, #tpu.memory_space<vmem>> -> memref<1x8x8x128xf32, #tpu.memory_space<vmem>>
      %dma_start3A_329 = tpu.memref_squeeze %dma_start3A_328 : memref<1x8x8x128xf32, #tpu.memory_space<vmem>> -> memref<8x8x128xf32, #tpu.memory_space<vmem>>
      tpu.enqueue_dma source(%dma_start3A_329 : memref<8x8x128xf32, #tpu.memory_space<vmem>>) target(%dma_start3A_324 : memref<8x8x128xf32, #tpu.memory_space<hbm>>) target_semaphore(%arg16 : memref<!tpu.dma_semaphore, #tpu.memory_space<semaphore_mem>>)
      %mul3A_330 = arith.constant 5 : i32
      %mul3A_331 = arith.muli %scan3A_133, %mul3A_330 : i32
      %add3A_332 = arith.constant 2 : i32
      %add3A_333 = arith.addi %mul3A_331, %add3A_332 : i32
      %ge3A_334 = arith.constant 2 : i32
      %ge3A_335 = arith.cmpi sge, %add3A_333, %ge3A_334 : i32
      %convert_element_type3A_336 = arith.extui %ge3A_335 : i1 to i32
      %cond3A_337 = arith.constant 0 : i32
      %cond3A_338 = arith.cmpi ne, %convert_element_type3A_336, %cond3A_337 : i32
      scf.if %cond3A_338 {
        %sub3A_645 = arith.constant 2 : i32
        %sub3A_646 = arith.subi %add3A_333, %sub3A_645 : i32
        %dma_wait3A_647 = arith.constant 0 : i32
        %dma_wait3A_648 = arith.constant 0 : i32
        %dma_wait3A_649 = arith.constant 0 : i32
        %dma_wait3A_650 = arith.constant 0 : i32
        %dma_wait3A_651 = tpu.memref_slice %arg8[%dma_wait3A_647, %dma_wait3A_648, %dma_wait3A_649, %dma_wait3A_650] : memref<5x8x8x129xf32, #tpu.memory_space<vmem>> -> memref<1x8x8x128xf32, #tpu.memory_space<vmem>>
        %dma_wait3A_652 = tpu.memref_squeeze %dma_wait3A_651 : memref<1x8x8x128xf32, #tpu.memory_space<vmem>> -> memref<8x8x128xf32, #tpu.memory_space<vmem>>
        %dma_wait3A_653 = arith.constant 0 : i32
        %dma_wait3A_654 = arith.constant 0 : i32
        %dma_wait3A_655 = arith.constant 0 : i32
        %dma_wait3A_656 = tpu.memref_slice %arg5[%sub3A_646, %dma_wait3A_653, %add3A, %dma_wait3A_654, %dma_wait3A_655] : memref<200x8x32x8x128xf32, #tpu.memory_space<hbm>> -> memref<1x8x1x8x128xf32, #tpu.memory_space<hbm>>
        %dma_wait3A_657 = tpu.memref_squeeze %dma_wait3A_656 : memref<1x8x1x8x128xf32, #tpu.memory_space<hbm>> -> memref<8x8x128xf32, #tpu.memory_space<hbm>>
        %dma_wait3A_658 = arith.constant 0 : i32
        %dma_wait3A_659 = arith.constant 0 : i32
        %dma_wait3A_660 = arith.constant 0 : i32
        %dma_wait3A_661 = tpu.memref_slice %arg5[%sub3A_646, %dma_wait3A_658, %add3A, %dma_wait3A_659, %dma_wait3A_660] : memref<200x8x32x8x128xf32, #tpu.memory_space<hbm>> -> memref<1x8x1x8x128xf32, #tpu.memory_space<hbm>>
        %dma_wait3A_662 = tpu.memref_squeeze %dma_wait3A_661 : memref<1x8x1x8x128xf32, #tpu.memory_space<hbm>> -> memref<8x8x128xf32, #tpu.memory_space<hbm>>
        %dma_wait3A_663 = arith.constant 0 : i32
        %dma_wait3A_664 = arith.constant 0 : i32
        %dma_wait3A_665 = arith.constant 0 : i32
        %dma_wait3A_666 = tpu.memref_slice %arg8[%dma_wait3A_647, %dma_wait3A_663, %dma_wait3A_664, %dma_wait3A_665] : memref<5x8x8x129xf32, #tpu.memory_space<vmem>> -> memref<1x8x8x128xf32, #tpu.memory_space<vmem>>
        %dma_wait3A_667 = tpu.memref_squeeze %dma_wait3A_666 : memref<1x8x8x128xf32, #tpu.memory_space<vmem>> -> memref<8x8x128xf32, #tpu.memory_space<vmem>>
        tpu.wait_dma2 semaphore(%arg15 : memref<!tpu.dma_semaphore, #tpu.memory_space<semaphore_mem>>) src(%dma_wait3A_667 : memref<8x8x128xf32, #tpu.memory_space<vmem>>) dst(%dma_wait3A_662 : memref<8x8x128xf32, #tpu.memory_space<hbm>>)
      } else {
      }
      %add3A_339 = arith.constant 3 : i32
      %add3A_340 = arith.addi %add3A_333, %add3A_339 : i32
      %lt3A_341 = arith.constant 200 : i32
      %lt3A_342 = arith.cmpi slt, %add3A_340, %lt3A_341 : i32
      %convert_element_type3A_343 = arith.extui %lt3A_342 : i1 to i32
      %cond3A_344 = arith.constant 0 : i32
      %cond3A_345 = arith.cmpi ne, %convert_element_type3A_343, %cond3A_344 : i32
      scf.if %cond3A_345 {
        %add3A_645 = arith.constant 3 : i32
        %add3A_646 = arith.addi %add3A_333, %add3A_645 : i32
        %jit3A_647 = arith.constant 8 : i32
        %div3A_648 = arith.divsi %add3A_646, %jit3A_647 : i32
        %sign3A_649 = arith.constant 0 : i32
        %sign3A_650 = arith.cmpi sgt, %add3A_646, %sign3A_649 : i32
        %sign3A_651 = arith.extui %sign3A_650 : i1 to i32
        %sign3A_652 = arith.constant 0 : i32
        %sign3A_653 = arith.cmpi slt, %add3A_646, %sign3A_652 : i32
        %sign3A_654 = arith.extui %sign3A_653 : i1 to i32
        %sign3A_655 = arith.subi %sign3A_651, %sign3A_654 : i32
        %sign3A_656 = arith.constant 0 : i32
        %sign3A_657 = arith.cmpi sgt, %jit3A_647, %sign3A_656 : i32
        %sign3A_658 = arith.extui %sign3A_657 : i1 to i32
        %sign3A_659 = arith.constant 0 : i32
        %sign3A_660 = arith.cmpi slt, %jit3A_647, %sign3A_659 : i32
        %sign3A_661 = arith.extui %sign3A_660 : i1 to i32
        %sign3A_662 = arith.subi %sign3A_658, %sign3A_661 : i32
        %ne3A_663 = arith.cmpi ne, %sign3A_655, %sign3A_662 : i32
        %rem3A_664 = arith.remsi %add3A_646, %jit3A_647 : i32
        %ne3A_665 = arith.constant 0 : i32
        %ne3A_666 = arith.cmpi ne, %rem3A_664, %ne3A_665 : i32
        %and3A_667 = arith.andi %ne3A_663, %ne3A_666 : i1
        %sub3A_668 = arith.constant 1 : i32
        %sub3A_669 = arith.subi %div3A_648, %sub3A_668 : i32
        %select_n3A_670 = arith.select %and3A_667, %sub3A_669, %div3A_648 : i32
        %jit3A_671 = arith.constant 8 : i32
        %eq3A_672 = arith.constant 0 : i32
        %eq3A_673 = arith.cmpi eq, %jit3A_671, %eq3A_672 : i32
        %jit3A_674 = arith.constant 1 : i32
        %select_n3A_675 = arith.select %eq3A_673, %jit3A_674, %jit3A_671 : i32
        %rem3A_676 = arith.remsi %add3A_646, %select_n3A_675 : i32
        %ne3A_677 = arith.constant 0 : i32
        %ne3A_678 = arith.cmpi ne, %rem3A_676, %ne3A_677 : i32
        %lt3A_679 = arith.constant 0 : i32
        %lt3A_680 = arith.cmpi slt, %rem3A_676, %lt3A_679 : i32
        %lt3A_681 = arith.constant 0 : i32
        %lt3A_682 = arith.cmpi slt, %select_n3A_675, %lt3A_681 : i32
        %ne3A_683 = arith.xori %lt3A_680, %lt3A_682 : i1
        %and3A_684 = arith.andi %ne3A_683, %ne3A_678 : i1
        %add3A_685 = arith.addi %rem3A_676, %select_n3A_675 : i32
        %select_n3A_686 = arith.select %and3A_684, %add3A_685, %rem3A_676 : i32
        %dma_start3A_687 = arith.constant 0 : i32
        %dma_start3A_688 = arith.constant 0 : i32
        %dma_start3A_689 = arith.constant 0 : i32
        %dma_start3A_690 = tpu.memref_slice %arg7[%dma_start3A_687, %dma_start3A_688, %dma_start3A_689] : memref<5x128x64xf32, #tpu.memory_space<vmem>> -> memref<1x128x64xf32, #tpu.memory_space<vmem>>
        %dma_start3A_691 = tpu.memref_squeeze %dma_start3A_690 : memref<1x128x64xf32, #tpu.memory_space<vmem>> -> memref<128x64xf32, #tpu.memory_space<vmem>>
        %dma_start3A_692 = arith.constant 0 : i32
        %dma_start3A_693 = tpu.memref_slice %arg6[%select_n3A_670, %select_n3A_686, %dma_start3A_692] : memref<25x8x128xi32, #tpu.memory_space<vmem>> -> memref<1x1x128xi32, #tpu.memory_space<vmem>>
        %dma_start3A_694 = tpu.memref_squeeze %dma_start3A_693 : memref<1x1x128xi32, #tpu.memory_space<vmem>> -> memref<128xi32, #tpu.memory_space<vmem>>
        %dma_start3A_695 = arith.constant 0 : i32
        %dma_start3A_696 = arith.constant 0 : i32
        %dma_start3A_697 = tpu.memref_slice %arg3[%dma_start3A_695, %dma_start3A_696] : memref<1000000x64xf32, #tpu.memory_space<hbm>> -> memref<1000000x64xf32, #tpu.memory_space<hbm>>
        tpu.enqueue_indirect_dma source(%dma_start3A_697 : memref<1000000x64xf32, #tpu.memory_space<hbm>>) target(%dma_start3A_691 : memref<128x64xf32, #tpu.memory_space<vmem>>) offsets(%dma_start3A_694 : memref<128xi32, #tpu.memory_space<vmem>>) semaphore(%arg10 : memref<!tpu.dma_semaphore, #tpu.memory_space<semaphore_mem>>)
      } else {
      }
      %jit3A_346 = arith.constant 8 : i32
      %div3A_347 = arith.divsi %add3A_333, %jit3A_346 : i32
      %sign3A_348 = arith.constant 0 : i32
      %sign3A_349 = arith.cmpi sgt, %add3A_333, %sign3A_348 : i32
      %sign3A_350 = arith.extui %sign3A_349 : i1 to i32
      %sign3A_351 = arith.constant 0 : i32
      %sign3A_352 = arith.cmpi slt, %add3A_333, %sign3A_351 : i32
      %sign3A_353 = arith.extui %sign3A_352 : i1 to i32
      %sign3A_354 = arith.subi %sign3A_350, %sign3A_353 : i32
      %sign3A_355 = arith.constant 0 : i32
      %sign3A_356 = arith.cmpi sgt, %jit3A_346, %sign3A_355 : i32
      %sign3A_357 = arith.extui %sign3A_356 : i1 to i32
      %sign3A_358 = arith.constant 0 : i32
      %sign3A_359 = arith.cmpi slt, %jit3A_346, %sign3A_358 : i32
      %sign3A_360 = arith.extui %sign3A_359 : i1 to i32
      %sign3A_361 = arith.subi %sign3A_357, %sign3A_360 : i32
      %ne3A_362 = arith.cmpi ne, %sign3A_354, %sign3A_361 : i32
      %rem3A_363 = arith.remsi %add3A_333, %jit3A_346 : i32
      %ne3A_364 = arith.constant 0 : i32
      %ne3A_365 = arith.cmpi ne, %rem3A_363, %ne3A_364 : i32
      %and3A_366 = arith.andi %ne3A_362, %ne3A_365 : i1
      %sub3A_367 = arith.constant 1 : i32
      %sub3A_368 = arith.subi %div3A_347, %sub3A_367 : i32
      %select_n3A_369 = arith.select %and3A_366, %sub3A_368, %div3A_347 : i32
      %jit3A_370 = arith.constant 8 : i32
      %eq3A_371 = arith.constant 0 : i32
      %eq3A_372 = arith.cmpi eq, %jit3A_370, %eq3A_371 : i32
      %jit3A_373 = arith.constant 1 : i32
      %select_n3A_374 = arith.select %eq3A_372, %jit3A_373, %jit3A_370 : i32
      %rem3A_375 = arith.remsi %add3A_333, %select_n3A_374 : i32
      %ne3A_376 = arith.constant 0 : i32
      %ne3A_377 = arith.cmpi ne, %rem3A_375, %ne3A_376 : i32
      %lt3A_378 = arith.constant 0 : i32
      %lt3A_379 = arith.cmpi slt, %rem3A_375, %lt3A_378 : i32
      %lt3A_380 = arith.constant 0 : i32
      %lt3A_381 = arith.cmpi slt, %select_n3A_374, %lt3A_380 : i32
      %ne3A_382 = arith.xori %lt3A_379, %lt3A_381 : i1
      %and3A_383 = arith.andi %ne3A_382, %ne3A_377 : i1
      %add3A_384 = arith.addi %rem3A_375, %select_n3A_374 : i32
      %select_n3A_385 = arith.select %and3A_383, %add3A_384, %rem3A_375 : i32
      %dma_wait3A_386 = arith.constant 2 : i32
      %dma_wait3A_387 = arith.constant 0 : i32
      %dma_wait3A_388 = arith.constant 0 : i32
      %dma_wait3A_389 = tpu.memref_slice %arg7[%dma_wait3A_386, %dma_wait3A_387, %dma_wait3A_388] : memref<5x128x64xf32, #tpu.memory_space<vmem>> -> memref<1x128x64xf32, #tpu.memory_space<vmem>>
      %dma_wait3A_390 = tpu.memref_squeeze %dma_wait3A_389 : memref<1x128x64xf32, #tpu.memory_space<vmem>> -> memref<128x64xf32, #tpu.memory_space<vmem>>
      %dma_wait3A_391 = arith.constant 0 : i32
      %dma_wait3A_392 = tpu.memref_slice %arg6[%select_n3A_369, %select_n3A_385, %dma_wait3A_391] : memref<25x8x128xi32, #tpu.memory_space<vmem>> -> memref<1x1x128xi32, #tpu.memory_space<vmem>>
      %dma_wait3A_393 = tpu.memref_squeeze %dma_wait3A_392 : memref<1x1x128xi32, #tpu.memory_space<vmem>> -> memref<128xi32, #tpu.memory_space<vmem>>
      %dma_wait3A_394 = arith.constant 0 : i32
      %dma_wait3A_395 = arith.constant 0 : i32
      %dma_wait3A_396 = tpu.memref_slice %arg3[%dma_wait3A_394, %dma_wait3A_395] : memref<1000000x64xf32, #tpu.memory_space<hbm>> -> memref<1000000x64xf32, #tpu.memory_space<hbm>>
      tpu.wait_indirect_dma semaphore(%arg12 : memref<!tpu.dma_semaphore, #tpu.memory_space<semaphore_mem>>) src(%dma_wait3A_396 : memref<1000000x64xf32, #tpu.memory_space<hbm>>) dst(%dma_wait3A_390 : memref<128x64xf32, #tpu.memory_space<vmem>>)
      %get3A_397 = arith.index_cast %add3A_333 : i32 to index
      %get3A_398 = arith.constant 0 : index
      %get3A_399 = tpu.vector_load %arg9[%get3A_397, %get3A_398] {strides = array<i32>} : memref<200x64xf32, #tpu.memory_space<vmem>>, vector<16xf32>,
      %get3A_400 = arith.index_cast %add3A_333 : i32 to index
      %get3A_401 = arith.constant 16 : index
      %get3A_402 = tpu.vector_load %arg9[%get3A_400, %get3A_401] {strides = array<i32>} : memref<200x64xf32, #tpu.memory_space<vmem>>, vector<16xf32>,
      %get3A_403 = arith.index_cast %add3A_333 : i32 to index
      %get3A_404 = arith.constant 32 : index
      %get3A_405 = tpu.vector_load %arg9[%get3A_403, %get3A_404] {strides = array<i32>} : memref<200x64xf32, #tpu.memory_space<vmem>>, vector<16xf32>,
      %get3A_406 = arith.index_cast %add3A_333 : i32 to index
      %get3A_407 = arith.constant 48 : index
      %get3A_408 = tpu.vector_load %arg9[%get3A_406, %get3A_407] {strides = array<i32>} : memref<200x64xf32, #tpu.memory_space<vmem>>, vector<16xf32>,
      %parallel_loop3A_409 = arith.constant 0 : i32
      %parallel_loop3A_410 = arith.constant 128 : i32
      %parallel_loop3A_411 = arith.constant 1 : i32
      %parallel_loop3A_412 = arith.constant 2 : i32
      %parallel_loop3A_413 = arith.constant 2 : i32
      scf.for %parallel_loop3A_645 = %parallel_loop3A_409 to %parallel_loop3A_410 step %parallel_loop3A_411  : i32 {
        %parallel_loop3A_646 = vector.broadcast %parallel_loop3A_645 : i32 to vector<16xi32>
        %parallel_loop3A_647 = arith.constant 0 : i32
        %parallel_loop3A_648 = arith.constant 0 : i32
        %parallel_loop3A_649 = tpu.memref_slice %arg7[%parallel_loop3A_412, %parallel_loop3A_647, %parallel_loop3A_648] : memref<5x128x64xf32, #tpu.memory_space<vmem>> -> memref<1x128x64xf32, #tpu.memory_space<vmem>>
        %parallel_loop3A_650 = tpu.memref_squeeze %parallel_loop3A_649 : memref<1x128x64xf32, #tpu.memory_space<vmem>> -> memref<128x64xf32, #tpu.memory_space<vmem>>
        %parallel_loop3A_651 = arith.index_cast %parallel_loop3A_645 : i32 to index
        %parallel_loop3A_652 = arith.constant 0 : index
        %parallel_loop3A_653 = tpu.vector_load %parallel_loop3A_650[%parallel_loop3A_651, %parallel_loop3A_652] {strides = array<i32>} : memref<128x64xf32, #tpu.memory_space<vmem>>, vector<16xf32>,
        %parallel_loop3A_654 = arith.addf %parallel_loop3A_653, %get3A_399 : vector<16xf32>
        %parallel_loop3A_655 = arith.constant 0 : i32
        %parallel_loop3A_656 = arith.constant 0 : i32
        %parallel_loop3A_657 = arith.constant 0 : i32
        %parallel_loop3A_658 = tpu.memref_slice %arg8[%parallel_loop3A_413, %parallel_loop3A_655, %parallel_loop3A_656, %parallel_loop3A_657] : memref<5x8x8x129xf32, #tpu.memory_space<vmem>> -> memref<1x8x8x129xf32, #tpu.memory_space<vmem>>
        %parallel_loop3A_659 = tpu.memref_squeeze %parallel_loop3A_658 : memref<1x8x8x129xf32, #tpu.memory_space<vmem>> -> memref<8x8x129xf32, #tpu.memory_space<vmem>>
        tpu.vector_store_idx %parallel_loop3A_659[%shift_right_arithmetic3A_5, %and3A_28, %parallel_loop3A_646], %parallel_loop3A_654 : memref<8x8x129xf32, #tpu.memory_space<vmem>>[vector<16xi32>, vector<16xi32>, vector<16xi32>], vector<16xf32>,
        %parallel_loop3A_660 = arith.constant 0 : i32
        %parallel_loop3A_661 = arith.constant 0 : i32
        %parallel_loop3A_662 = tpu.memref_slice %arg7[%parallel_loop3A_412, %parallel_loop3A_660, %parallel_loop3A_661] : memref<5x128x64xf32, #tpu.memory_space<vmem>> -> memref<1x128x64xf32, #tpu.memory_space<vmem>>
        %parallel_loop3A_663 = tpu.memref_squeeze %parallel_loop3A_662 : memref<1x128x64xf32, #tpu.memory_space<vmem>> -> memref<128x64xf32, #tpu.memory_space<vmem>>
        %parallel_loop3A_664 = arith.index_cast %parallel_loop3A_645 : i32 to index
        %parallel_loop3A_665 = arith.constant 16 : index
        %parallel_loop3A_666 = tpu.vector_load %parallel_loop3A_663[%parallel_loop3A_664, %parallel_loop3A_665] {strides = array<i32>} : memref<128x64xf32, #tpu.memory_space<vmem>>, vector<16xf32>,
        %parallel_loop3A_667 = arith.addf %parallel_loop3A_666, %get3A_402 : vector<16xf32>
        %parallel_loop3A_668 = arith.constant 0 : i32
        %parallel_loop3A_669 = arith.constant 0 : i32
        %parallel_loop3A_670 = arith.constant 0 : i32
        %parallel_loop3A_671 = tpu.memref_slice %arg8[%parallel_loop3A_413, %parallel_loop3A_668, %parallel_loop3A_669, %parallel_loop3A_670] : memref<5x8x8x129xf32, #tpu.memory_space<vmem>> -> memref<1x8x8x129xf32, #tpu.memory_space<vmem>>
        %parallel_loop3A_672 = tpu.memref_squeeze %parallel_loop3A_671 : memref<1x8x8x129xf32, #tpu.memory_space<vmem>> -> memref<8x8x129xf32, #tpu.memory_space<vmem>>
        tpu.vector_store_idx %parallel_loop3A_672[%shift_right_arithmetic3A_11, %and3A_34, %parallel_loop3A_646], %parallel_loop3A_667 : memref<8x8x129xf32, #tpu.memory_space<vmem>>[vector<16xi32>, vector<16xi32>, vector<16xi32>], vector<16xf32>,
        %parallel_loop3A_673 = arith.constant 0 : i32
        %parallel_loop3A_674 = arith.constant 0 : i32
        %parallel_loop3A_675 = tpu.memref_slice %arg7[%parallel_loop3A_412, %parallel_loop3A_673, %parallel_loop3A_674] : memref<5x128x64xf32, #tpu.memory_space<vmem>> -> memref<1x128x64xf32, #tpu.memory_space<vmem>>
        %parallel_loop3A_676 = tpu.memref_squeeze %parallel_loop3A_675 : memref<1x128x64xf32, #tpu.memory_space<vmem>> -> memref<128x64xf32, #tpu.memory_space<vmem>>
        %parallel_loop3A_677 = arith.index_cast %parallel_loop3A_645 : i32 to index
        %parallel_loop3A_678 = arith.constant 32 : index
        %parallel_loop3A_679 = tpu.vector_load %parallel_loop3A_676[%parallel_loop3A_677, %parallel_loop3A_678] {strides = array<i32>} : memref<128x64xf32, #tpu.memory_space<vmem>>, vector<16xf32>,
        %parallel_loop3A_680 = arith.addf %parallel_loop3A_679, %get3A_405 : vector<16xf32>
        %parallel_loop3A_681 = arith.constant 0 : i32
        %parallel_loop3A_682 = arith.constant 0 : i32
        %parallel_loop3A_683 = arith.constant 0 : i32
        %parallel_loop3A_684 = tpu.memref_slice %arg8[%parallel_loop3A_413, %parallel_loop3A_681, %parallel_loop3A_682, %parallel_loop3A_683] : memref<5x8x8x129xf32, #tpu.memory_space<vmem>> -> memref<1x8x8x129xf32, #tpu.memory_space<vmem>>
        %parallel_loop3A_685 = tpu.memref_squeeze %parallel_loop3A_684 : memref<1x8x8x129xf32, #tpu.memory_space<vmem>> -> memref<8x8x129xf32, #tpu.memory_space<vmem>>
        tpu.vector_store_idx %parallel_loop3A_685[%shift_right_arithmetic3A_17, %and3A_40, %parallel_loop3A_646], %parallel_loop3A_680 : memref<8x8x129xf32, #tpu.memory_space<vmem>>[vector<16xi32>, vector<16xi32>, vector<16xi32>], vector<16xf32>,
        %parallel_loop3A_686 = arith.constant 0 : i32
        %parallel_loop3A_687 = arith.constant 0 : i32
        %parallel_loop3A_688 = tpu.memref_slice %arg7[%parallel_loop3A_412, %parallel_loop3A_686, %parallel_loop3A_687] : memref<5x128x64xf32, #tpu.memory_space<vmem>> -> memref<1x128x64xf32, #tpu.memory_space<vmem>>
        %parallel_loop3A_689 = tpu.memref_squeeze %parallel_loop3A_688 : memref<1x128x64xf32, #tpu.memory_space<vmem>> -> memref<128x64xf32, #tpu.memory_space<vmem>>
        %parallel_loop3A_690 = arith.index_cast %parallel_loop3A_645 : i32 to index
        %parallel_loop3A_691 = arith.constant 48 : index
        %parallel_loop3A_692 = tpu.vector_load %parallel_loop3A_689[%parallel_loop3A_690, %parallel_loop3A_691] {strides = array<i32>} : memref<128x64xf32, #tpu.memory_space<vmem>>, vector<16xf32>,
        %parallel_loop3A_693 = arith.addf %parallel_loop3A_692, %get3A_408 : vector<16xf32>
        %parallel_loop3A_694 = arith.constant 0 : i32
        %parallel_loop3A_695 = arith.constant 0 : i32
        %parallel_loop3A_696 = arith.constant 0 : i32
        %parallel_loop3A_697 = tpu.memref_slice %arg8[%parallel_loop3A_413, %parallel_loop3A_694, %parallel_loop3A_695, %parallel_loop3A_696] : memref<5x8x8x129xf32, #tpu.memory_space<vmem>> -> memref<1x8x8x129xf32, #tpu.memory_space<vmem>>
        %parallel_loop3A_698 = tpu.memref_squeeze %parallel_loop3A_697 : memref<1x8x8x129xf32, #tpu.memory_space<vmem>> -> memref<8x8x129xf32, #tpu.memory_space<vmem>>
        tpu.vector_store_idx %parallel_loop3A_698[%shift_right_arithmetic3A_23, %and3A_46, %parallel_loop3A_646], %parallel_loop3A_693 : memref<8x8x129xf32, #tpu.memory_space<vmem>>[vector<16xi32>, vector<16xi32>, vector<16xi32>], vector<16xf32>,
      } {sc.loop_unroll_factor = 4 : i64, sc.parallel_access}
      %dma_start3A_414 = arith.constant 2 : i32
      %dma_start3A_415 = arith.constant 0 : i32
      %dma_start3A_416 = arith.constant 0 : i32
      %dma_start3A_417 = arith.constant 0 : i32
      %dma_start3A_418 = tpu.memref_slice %arg8[%dma_start3A_414, %dma_start3A_415, %dma_start3A_416, %dma_start3A_417] : memref<5x8x8x129xf32, #tpu.memory_space<vmem>> -> memref<1x8x8x128xf32, #tpu.memory_space<vmem>>
      %dma_start3A_419 = tpu.memref_squeeze %dma_start3A_418 : memref<1x8x8x128xf32, #tpu.memory_space<vmem>> -> memref<8x8x128xf32, #tpu.memory_space<vmem>>
      %dma_start3A_420 = arith.constant 0 : i32
      %dma_start3A_421 = arith.constant 0 : i32
      %dma_start3A_422 = arith.constant 0 : i32
      %dma_start3A_423 = tpu.memref_slice %arg5[%add3A_333, %dma_start3A_420, %add3A, %dma_start3A_421, %dma_start3A_422] : memref<200x8x32x8x128xf32, #tpu.memory_space<hbm>> -> memref<1x8x1x8x128xf32, #tpu.memory_space<hbm>>
      %dma_start3A_424 = tpu.memref_squeeze %dma_start3A_423 : memref<1x8x1x8x128xf32, #tpu.memory_space<hbm>> -> memref<8x8x128xf32, #tpu.memory_space<hbm>>
      %dma_start3A_425 = arith.constant 0 : i32
      %dma_start3A_426 = arith.constant 0 : i32
      %dma_start3A_427 = arith.constant 0 : i32
      %dma_start3A_428 = tpu.memref_slice %arg5[%add3A_333, %dma_start3A_425, %add3A, %dma_start3A_426, %dma_start3A_427] : memref<200x8x32x8x128xf32, #tpu.memory_space<hbm>> -> memref<1x8x1x8x128xf32, #tpu.memory_space<hbm>>
      %dma_start3A_429 = tpu.memref_squeeze %dma_start3A_428 : memref<1x8x1x8x128xf32, #tpu.memory_space<hbm>> -> memref<8x8x128xf32, #tpu.memory_space<hbm>>
      %dma_start3A_430 = arith.constant 0 : i32
      %dma_start3A_431 = arith.constant 0 : i32
      %dma_start3A_432 = arith.constant 0 : i32
      %dma_start3A_433 = tpu.memref_slice %arg8[%dma_start3A_414, %dma_start3A_430, %dma_start3A_431, %dma_start3A_432] : memref<5x8x8x129xf32, #tpu.memory_space<vmem>> -> memref<1x8x8x128xf32, #tpu.memory_space<vmem>>
      %dma_start3A_434 = tpu.memref_squeeze %dma_start3A_433 : memref<1x8x8x128xf32, #tpu.memory_space<vmem>> -> memref<8x8x128xf32, #tpu.memory_space<vmem>>
      tpu.enqueue_dma source(%dma_start3A_434 : memref<8x8x128xf32, #tpu.memory_space<vmem>>) target(%dma_start3A_429 : memref<8x8x128xf32, #tpu.memory_space<hbm>>) target_semaphore(%arg17 : memref<!tpu.dma_semaphore, #tpu.memory_space<semaphore_mem>>)
      %mul3A_435 = arith.constant 5 : i32
      %mul3A_436 = arith.muli %scan3A_133, %mul3A_435 : i32
      %add3A_437 = arith.constant 3 : i32
      %add3A_438 = arith.addi %mul3A_436, %add3A_437 : i32
      %ge3A_439 = arith.constant 2 : i32
      %ge3A_440 = arith.cmpi sge, %add3A_438, %ge3A_439 : i32
      %convert_element_type3A_441 = arith.extui %ge3A_440 : i1 to i32
      %cond3A_442 = arith.constant 0 : i32
      %cond3A_443 = arith.cmpi ne, %convert_element_type3A_441, %cond3A_442 : i32
      scf.if %cond3A_443 {
        %sub3A_645 = arith.constant 2 : i32
        %sub3A_646 = arith.subi %add3A_438, %sub3A_645 : i32
        %dma_wait3A_647 = arith.constant 1 : i32
        %dma_wait3A_648 = arith.constant 0 : i32
        %dma_wait3A_649 = arith.constant 0 : i32
        %dma_wait3A_650 = arith.constant 0 : i32
        %dma_wait3A_651 = tpu.memref_slice %arg8[%dma_wait3A_647, %dma_wait3A_648, %dma_wait3A_649, %dma_wait3A_650] : memref<5x8x8x129xf32, #tpu.memory_space<vmem>> -> memref<1x8x8x128xf32, #tpu.memory_space<vmem>>
        %dma_wait3A_652 = tpu.memref_squeeze %dma_wait3A_651 : memref<1x8x8x128xf32, #tpu.memory_space<vmem>> -> memref<8x8x128xf32, #tpu.memory_space<vmem>>
        %dma_wait3A_653 = arith.constant 0 : i32
        %dma_wait3A_654 = arith.constant 0 : i32
        %dma_wait3A_655 = arith.constant 0 : i32
        %dma_wait3A_656 = tpu.memref_slice %arg5[%sub3A_646, %dma_wait3A_653, %add3A, %dma_wait3A_654, %dma_wait3A_655] : memref<200x8x32x8x128xf32, #tpu.memory_space<hbm>> -> memref<1x8x1x8x128xf32, #tpu.memory_space<hbm>>
        %dma_wait3A_657 = tpu.memref_squeeze %dma_wait3A_656 : memref<1x8x1x8x128xf32, #tpu.memory_space<hbm>> -> memref<8x8x128xf32, #tpu.memory_space<hbm>>
        %dma_wait3A_658 = arith.constant 0 : i32
        %dma_wait3A_659 = arith.constant 0 : i32
        %dma_wait3A_660 = arith.constant 0 : i32
        %dma_wait3A_661 = tpu.memref_slice %arg5[%sub3A_646, %dma_wait3A_658, %add3A, %dma_wait3A_659, %dma_wait3A_660] : memref<200x8x32x8x128xf32, #tpu.memory_space<hbm>> -> memref<1x8x1x8x128xf32, #tpu.memory_space<hbm>>
        %dma_wait3A_662 = tpu.memref_squeeze %dma_wait3A_661 : memref<1x8x1x8x128xf32, #tpu.memory_space<hbm>> -> memref<8x8x128xf32, #tpu.memory_space<hbm>>
        %dma_wait3A_663 = arith.constant 0 : i32
        %dma_wait3A_664 = arith.constant 0 : i32
        %dma_wait3A_665 = arith.constant 0 : i32
        %dma_wait3A_666 = tpu.memref_slice %arg8[%dma_wait3A_647, %dma_wait3A_663, %dma_wait3A_664, %dma_wait3A_665] : memref<5x8x8x129xf32, #tpu.memory_space<vmem>> -> memref<1x8x8x128xf32, #tpu.memory_space<vmem>>
        %dma_wait3A_667 = tpu.memref_squeeze %dma_wait3A_666 : memref<1x8x8x128xf32, #tpu.memory_space<vmem>> -> memref<8x8x128xf32, #tpu.memory_space<vmem>>
        tpu.wait_dma2 semaphore(%arg16 : memref<!tpu.dma_semaphore, #tpu.memory_space<semaphore_mem>>) src(%dma_wait3A_667 : memref<8x8x128xf32, #tpu.memory_space<vmem>>) dst(%dma_wait3A_662 : memref<8x8x128xf32, #tpu.memory_space<hbm>>)
      } else {
      }
      %add3A_444 = arith.constant 3 : i32
      %add3A_445 = arith.addi %add3A_438, %add3A_444 : i32
      %lt3A_446 = arith.constant 200 : i32
      %lt3A_447 = arith.cmpi slt, %add3A_445, %lt3A_446 : i32
      %convert_element_type3A_448 = arith.extui %lt3A_447 : i1 to i32
      %cond3A_449 = arith.constant 0 : i32
      %cond3A_450 = arith.cmpi ne, %convert_element_type3A_448, %cond3A_449 : i32
      scf.if %cond3A_450 {
        %add3A_645 = arith.constant 3 : i32
        %add3A_646 = arith.addi %add3A_438, %add3A_645 : i32
        %jit3A_647 = arith.constant 8 : i32
        %div3A_648 = arith.divsi %add3A_646, %jit3A_647 : i32
        %sign3A_649 = arith.constant 0 : i32
        %sign3A_650 = arith.cmpi sgt, %add3A_646, %sign3A_649 : i32
        %sign3A_651 = arith.extui %sign3A_650 : i1 to i32
        %sign3A_652 = arith.constant 0 : i32
        %sign3A_653 = arith.cmpi slt, %add3A_646, %sign3A_652 : i32
        %sign3A_654 = arith.extui %sign3A_653 : i1 to i32
        %sign3A_655 = arith.subi %sign3A_651, %sign3A_654 : i32
        %sign3A_656 = arith.constant 0 : i32
        %sign3A_657 = arith.cmpi sgt, %jit3A_647, %sign3A_656 : i32
        %sign3A_658 = arith.extui %sign3A_657 : i1 to i32
        %sign3A_659 = arith.constant 0 : i32
        %sign3A_660 = arith.cmpi slt, %jit3A_647, %sign3A_659 : i32
        %sign3A_661 = arith.extui %sign3A_660 : i1 to i32
        %sign3A_662 = arith.subi %sign3A_658, %sign3A_661 : i32
        %ne3A_663 = arith.cmpi ne, %sign3A_655, %sign3A_662 : i32
        %rem3A_664 = arith.remsi %add3A_646, %jit3A_647 : i32
        %ne3A_665 = arith.constant 0 : i32
        %ne3A_666 = arith.cmpi ne, %rem3A_664, %ne3A_665 : i32
        %and3A_667 = arith.andi %ne3A_663, %ne3A_666 : i1
        %sub3A_668 = arith.constant 1 : i32
        %sub3A_669 = arith.subi %div3A_648, %sub3A_668 : i32
        %select_n3A_670 = arith.select %and3A_667, %sub3A_669, %div3A_648 : i32
        %jit3A_671 = arith.constant 8 : i32
        %eq3A_672 = arith.constant 0 : i32
        %eq3A_673 = arith.cmpi eq, %jit3A_671, %eq3A_672 : i32
        %jit3A_674 = arith.constant 1 : i32
        %select_n3A_675 = arith.select %eq3A_673, %jit3A_674, %jit3A_671 : i32
        %rem3A_676 = arith.remsi %add3A_646, %select_n3A_675 : i32
        %ne3A_677 = arith.constant 0 : i32
        %ne3A_678 = arith.cmpi ne, %rem3A_676, %ne3A_677 : i32
        %lt3A_679 = arith.constant 0 : i32
        %lt3A_680 = arith.cmpi slt, %rem3A_676, %lt3A_679 : i32
        %lt3A_681 = arith.constant 0 : i32
        %lt3A_682 = arith.cmpi slt, %select_n3A_675, %lt3A_681 : i32
        %ne3A_683 = arith.xori %lt3A_680, %lt3A_682 : i1
        %and3A_684 = arith.andi %ne3A_683, %ne3A_678 : i1
        %add3A_685 = arith.addi %rem3A_676, %select_n3A_675 : i32
        %select_n3A_686 = arith.select %and3A_684, %add3A_685, %rem3A_676 : i32
        %dma_start3A_687 = arith.constant 1 : i32
        %dma_start3A_688 = arith.constant 0 : i32
        %dma_start3A_689 = arith.constant 0 : i32
        %dma_start3A_690 = tpu.memref_slice %arg7[%dma_start3A_687, %dma_start3A_688, %dma_start3A_689] : memref<5x128x64xf32, #tpu.memory_space<vmem>> -> memref<1x128x64xf32, #tpu.memory_space<vmem>>
        %dma_start3A_691 = tpu.memref_squeeze %dma_start3A_690 : memref<1x128x64xf32, #tpu.memory_space<vmem>> -> memref<128x64xf32, #tpu.memory_space<vmem>>
        %dma_start3A_692 = arith.constant 0 : i32
        %dma_start3A_693 = tpu.memref_slice %arg6[%select_n3A_670, %select_n3A_686, %dma_start3A_692] : memref<25x8x128xi32, #tpu.memory_space<vmem>> -> memref<1x1x128xi32, #tpu.memory_space<vmem>>
        %dma_start3A_694 = tpu.memref_squeeze %dma_start3A_693 : memref<1x1x128xi32, #tpu.memory_space<vmem>> -> memref<128xi32, #tpu.memory_space<vmem>>
        %dma_start3A_695 = arith.constant 0 : i32
        %dma_start3A_696 = arith.constant 0 : i32
        %dma_start3A_697 = tpu.memref_slice %arg3[%dma_start3A_695, %dma_start3A_696] : memref<1000000x64xf32, #tpu.memory_space<hbm>> -> memref<1000000x64xf32, #tpu.memory_space<hbm>>
        tpu.enqueue_indirect_dma source(%dma_start3A_697 : memref<1000000x64xf32, #tpu.memory_space<hbm>>) target(%dma_start3A_691 : memref<128x64xf32, #tpu.memory_space<vmem>>) offsets(%dma_start3A_694 : memref<128xi32, #tpu.memory_space<vmem>>) semaphore(%arg11 : memref<!tpu.dma_semaphore, #tpu.memory_space<semaphore_mem>>)
      } else {
      }
      %jit3A_451 = arith.constant 8 : i32
      %div3A_452 = arith.divsi %add3A_438, %jit3A_451 : i32
      %sign3A_453 = arith.constant 0 : i32
      %sign3A_454 = arith.cmpi sgt, %add3A_438, %sign3A_453 : i32
      %sign3A_455 = arith.extui %sign3A_454 : i1 to i32
      %sign3A_456 = arith.constant 0 : i32
      %sign3A_457 = arith.cmpi slt, %add3A_438, %sign3A_456 : i32
      %sign3A_458 = arith.extui %sign3A_457 : i1 to i32
      %sign3A_459 = arith.subi %sign3A_455, %sign3A_458 : i32
      %sign3A_460 = arith.constant 0 : i32
      %sign3A_461 = arith.cmpi sgt, %jit3A_451, %sign3A_460 : i32
      %sign3A_462 = arith.extui %sign3A_461 : i1 to i32
      %sign3A_463 = arith.constant 0 : i32
      %sign3A_464 = arith.cmpi slt, %jit3A_451, %sign3A_463 : i32
      %sign3A_465 = arith.extui %sign3A_464 : i1 to i32
      %sign3A_466 = arith.subi %sign3A_462, %sign3A_465 : i32
      %ne3A_467 = arith.cmpi ne, %sign3A_459, %sign3A_466 : i32
      %rem3A_468 = arith.remsi %add3A_438, %jit3A_451 : i32
      %ne3A_469 = arith.constant 0 : i32
      %ne3A_470 = arith.cmpi ne, %rem3A_468, %ne3A_469 : i32
      %and3A_471 = arith.andi %ne3A_467, %ne3A_470 : i1
      %sub3A_472 = arith.constant 1 : i32
      %sub3A_473 = arith.subi %div3A_452, %sub3A_472 : i32
      %select_n3A_474 = arith.select %and3A_471, %sub3A_473, %div3A_452 : i32
      %jit3A_475 = arith.constant 8 : i32
      %eq3A_476 = arith.constant 0 : i32
      %eq3A_477 = arith.cmpi eq, %jit3A_475, %eq3A_476 : i32
      %jit3A_478 = arith.constant 1 : i32
      %select_n3A_479 = arith.select %eq3A_477, %jit3A_478, %jit3A_475 : i32
      %rem3A_480 = arith.remsi %add3A_438, %select_n3A_479 : i32
      %ne3A_481 = arith.constant 0 : i32
      %ne3A_482 = arith.cmpi ne, %rem3A_480, %ne3A_481 : i32
      %lt3A_483 = arith.constant 0 : i32
      %lt3A_484 = arith.cmpi slt, %rem3A_480, %lt3A_483 : i32
      %lt3A_485 = arith.constant 0 : i32
      %lt3A_486 = arith.cmpi slt, %select_n3A_479, %lt3A_485 : i32
      %ne3A_487 = arith.xori %lt3A_484, %lt3A_486 : i1
      %and3A_488 = arith.andi %ne3A_487, %ne3A_482 : i1
      %add3A_489 = arith.addi %rem3A_480, %select_n3A_479 : i32
      %select_n3A_490 = arith.select %and3A_488, %add3A_489, %rem3A_480 : i32
      %dma_wait3A_491 = arith.constant 3 : i32
      %dma_wait3A_492 = arith.constant 0 : i32
      %dma_wait3A_493 = arith.constant 0 : i32
      %dma_wait3A_494 = tpu.memref_slice %arg7[%dma_wait3A_491, %dma_wait3A_492, %dma_wait3A_493] : memref<5x128x64xf32, #tpu.memory_space<vmem>> -> memref<1x128x64xf32, #tpu.memory_space<vmem>>
      %dma_wait3A_495 = tpu.memref_squeeze %dma_wait3A_494 : memref<1x128x64xf32, #tpu.memory_space<vmem>> -> memref<128x64xf32, #tpu.memory_space<vmem>>
      %dma_wait3A_496 = arith.constant 0 : i32
      %dma_wait3A_497 = tpu.memref_slice %arg6[%select_n3A_474, %select_n3A_490, %dma_wait3A_496] : memref<25x8x128xi32, #tpu.memory_space<vmem>> -> memref<1x1x128xi32, #tpu.memory_space<vmem>>
      %dma_wait3A_498 = tpu.memref_squeeze %dma_wait3A_497 : memref<1x1x128xi32, #tpu.memory_space<vmem>> -> memref<128xi32, #tpu.memory_space<vmem>>
      %dma_wait3A_499 = arith.constant 0 : i32
      %dma_wait3A_500 = arith.constant 0 : i32
      %dma_wait3A_501 = tpu.memref_slice %arg3[%dma_wait3A_499, %dma_wait3A_500] : memref<1000000x64xf32, #tpu.memory_space<hbm>> -> memref<1000000x64xf32, #tpu.memory_space<hbm>>
      tpu.wait_indirect_dma semaphore(%arg13 : memref<!tpu.dma_semaphore, #tpu.memory_space<semaphore_mem>>) src(%dma_wait3A_501 : memref<1000000x64xf32, #tpu.memory_space<hbm>>) dst(%dma_wait3A_495 : memref<128x64xf32, #tpu.memory_space<vmem>>)
      %get3A_502 = arith.index_cast %add3A_438 : i32 to index
      %get3A_503 = arith.constant 0 : index
      %get3A_504 = tpu.vector_load %arg9[%get3A_502, %get3A_503] {strides = array<i32>} : memref<200x64xf32, #tpu.memory_space<vmem>>, vector<16xf32>,
      %get3A_505 = arith.index_cast %add3A_438 : i32 to index
      %get3A_506 = arith.constant 16 : index
      %get3A_507 = tpu.vector_load %arg9[%get3A_505, %get3A_506] {strides = array<i32>} : memref<200x64xf32, #tpu.memory_space<vmem>>, vector<16xf32>,
      %get3A_508 = arith.index_cast %add3A_438 : i32 to index
      %get3A_509 = arith.constant 32 : index
      %get3A_510 = tpu.vector_load %arg9[%get3A_508, %get3A_509] {strides = array<i32>} : memref<200x64xf32, #tpu.memory_space<vmem>>, vector<16xf32>,
      %get3A_511 = arith.index_cast %add3A_438 : i32 to index
      %get3A_512 = arith.constant 48 : index
      %get3A_513 = tpu.vector_load %arg9[%get3A_511, %get3A_512] {strides = array<i32>} : memref<200x64xf32, #tpu.memory_space<vmem>>, vector<16xf32>,
      %parallel_loop3A_514 = arith.constant 0 : i32
      %parallel_loop3A_515 = arith.constant 128 : i32
      %parallel_loop3A_516 = arith.constant 1 : i32
      %parallel_loop3A_517 = arith.constant 3 : i32
      %parallel_loop3A_518 = arith.constant 3 : i32
      scf.for %parallel_loop3A_645 = %parallel_loop3A_514 to %parallel_loop3A_515 step %parallel_loop3A_516  : i32 {
        %parallel_loop3A_646 = vector.broadcast %parallel_loop3A_645 : i32 to vector<16xi32>
        %parallel_loop3A_647 = arith.constant 0 : i32
        %parallel_loop3A_648 = arith.constant 0 : i32
        %parallel_loop3A_649 = tpu.memref_slice %arg7[%parallel_loop3A_517, %parallel_loop3A_647, %parallel_loop3A_648] : memref<5x128x64xf32, #tpu.memory_space<vmem>> -> memref<1x128x64xf32, #tpu.memory_space<vmem>>
        %parallel_loop3A_650 = tpu.memref_squeeze %parallel_loop3A_649 : memref<1x128x64xf32, #tpu.memory_space<vmem>> -> memref<128x64xf32, #tpu.memory_space<vmem>>
        %parallel_loop3A_651 = arith.index_cast %parallel_loop3A_645 : i32 to index
        %parallel_loop3A_652 = arith.constant 0 : index
        %parallel_loop3A_653 = tpu.vector_load %parallel_loop3A_650[%parallel_loop3A_651, %parallel_loop3A_652] {strides = array<i32>} : memref<128x64xf32, #tpu.memory_space<vmem>>, vector<16xf32>,
        %parallel_loop3A_654 = arith.addf %parallel_loop3A_653, %get3A_504 : vector<16xf32>
        %parallel_loop3A_655 = arith.constant 0 : i32
        %parallel_loop3A_656 = arith.constant 0 : i32
        %parallel_loop3A_657 = arith.constant 0 : i32
        %parallel_loop3A_658 = tpu.memref_slice %arg8[%parallel_loop3A_518, %parallel_loop3A_655, %parallel_loop3A_656, %parallel_loop3A_657] : memref<5x8x8x129xf32, #tpu.memory_space<vmem>> -> memref<1x8x8x129xf32, #tpu.memory_space<vmem>>
        %parallel_loop3A_659 = tpu.memref_squeeze %parallel_loop3A_658 : memref<1x8x8x129xf32, #tpu.memory_space<vmem>> -> memref<8x8x129xf32, #tpu.memory_space<vmem>>
        tpu.vector_store_idx %parallel_loop3A_659[%shift_right_arithmetic3A_5, %and3A_28, %parallel_loop3A_646], %parallel_loop3A_654 : memref<8x8x129xf32, #tpu.memory_space<vmem>>[vector<16xi32>, vector<16xi32>, vector<16xi32>], vector<16xf32>,
        %parallel_loop3A_660 = arith.constant 0 : i32
        %parallel_loop3A_661 = arith.constant 0 : i32
        %parallel_loop3A_662 = tpu.memref_slice %arg7[%parallel_loop3A_517, %parallel_loop3A_660, %parallel_loop3A_661] : memref<5x128x64xf32, #tpu.memory_space<vmem>> -> memref<1x128x64xf32, #tpu.memory_space<vmem>>
        %parallel_loop3A_663 = tpu.memref_squeeze %parallel_loop3A_662 : memref<1x128x64xf32, #tpu.memory_space<vmem>> -> memref<128x64xf32, #tpu.memory_space<vmem>>
        %parallel_loop3A_664 = arith.index_cast %parallel_loop3A_645 : i32 to index
        %parallel_loop3A_665 = arith.constant 16 : index
        %parallel_loop3A_666 = tpu.vector_load %parallel_loop3A_663[%parallel_loop3A_664, %parallel_loop3A_665] {strides = array<i32>} : memref<128x64xf32, #tpu.memory_space<vmem>>, vector<16xf32>,
        %parallel_loop3A_667 = arith.addf %parallel_loop3A_666, %get3A_507 : vector<16xf32>
        %parallel_loop3A_668 = arith.constant 0 : i32
        %parallel_loop3A_669 = arith.constant 0 : i32
        %parallel_loop3A_670 = arith.constant 0 : i32
        %parallel_loop3A_671 = tpu.memref_slice %arg8[%parallel_loop3A_518, %parallel_loop3A_668, %parallel_loop3A_669, %parallel_loop3A_670] : memref<5x8x8x129xf32, #tpu.memory_space<vmem>> -> memref<1x8x8x129xf32, #tpu.memory_space<vmem>>
        %parallel_loop3A_672 = tpu.memref_squeeze %parallel_loop3A_671 : memref<1x8x8x129xf32, #tpu.memory_space<vmem>> -> memref<8x8x129xf32, #tpu.memory_space<vmem>>
        tpu.vector_store_idx %parallel_loop3A_672[%shift_right_arithmetic3A_11, %and3A_34, %parallel_loop3A_646], %parallel_loop3A_667 : memref<8x8x129xf32, #tpu.memory_space<vmem>>[vector<16xi32>, vector<16xi32>, vector<16xi32>], vector<16xf32>,
        %parallel_loop3A_673 = arith.constant 0 : i32
        %parallel_loop3A_674 = arith.constant 0 : i32
        %parallel_loop3A_675 = tpu.memref_slice %arg7[%parallel_loop3A_517, %parallel_loop3A_673, %parallel_loop3A_674] : memref<5x128x64xf32, #tpu.memory_space<vmem>> -> memref<1x128x64xf32, #tpu.memory_space<vmem>>
        %parallel_loop3A_676 = tpu.memref_squeeze %parallel_loop3A_675 : memref<1x128x64xf32, #tpu.memory_space<vmem>> -> memref<128x64xf32, #tpu.memory_space<vmem>>
        %parallel_loop3A_677 = arith.index_cast %parallel_loop3A_645 : i32 to index
        %parallel_loop3A_678 = arith.constant 32 : index
        %parallel_loop3A_679 = tpu.vector_load %parallel_loop3A_676[%parallel_loop3A_677, %parallel_loop3A_678] {strides = array<i32>} : memref<128x64xf32, #tpu.memory_space<vmem>>, vector<16xf32>,
        %parallel_loop3A_680 = arith.addf %parallel_loop3A_679, %get3A_510 : vector<16xf32>
        %parallel_loop3A_681 = arith.constant 0 : i32
        %parallel_loop3A_682 = arith.constant 0 : i32
        %parallel_loop3A_683 = arith.constant 0 : i32
        %parallel_loop3A_684 = tpu.memref_slice %arg8[%parallel_loop3A_518, %parallel_loop3A_681, %parallel_loop3A_682, %parallel_loop3A_683] : memref<5x8x8x129xf32, #tpu.memory_space<vmem>> -> memref<1x8x8x129xf32, #tpu.memory_space<vmem>>
        %parallel_loop3A_685 = tpu.memref_squeeze %parallel_loop3A_684 : memref<1x8x8x129xf32, #tpu.memory_space<vmem>> -> memref<8x8x129xf32, #tpu.memory_space<vmem>>
        tpu.vector_store_idx %parallel_loop3A_685[%shift_right_arithmetic3A_17, %and3A_40, %parallel_loop3A_646], %parallel_loop3A_680 : memref<8x8x129xf32, #tpu.memory_space<vmem>>[vector<16xi32>, vector<16xi32>, vector<16xi32>], vector<16xf32>,
        %parallel_loop3A_686 = arith.constant 0 : i32
        %parallel_loop3A_687 = arith.constant 0 : i32
        %parallel_loop3A_688 = tpu.memref_slice %arg7[%parallel_loop3A_517, %parallel_loop3A_686, %parallel_loop3A_687] : memref<5x128x64xf32, #tpu.memory_space<vmem>> -> memref<1x128x64xf32, #tpu.memory_space<vmem>>
        %parallel_loop3A_689 = tpu.memref_squeeze %parallel_loop3A_688 : memref<1x128x64xf32, #tpu.memory_space<vmem>> -> memref<128x64xf32, #tpu.memory_space<vmem>>
        %parallel_loop3A_690 = arith.index_cast %parallel_loop3A_645 : i32 to index
        %parallel_loop3A_691 = arith.constant 48 : index
        %parallel_loop3A_692 = tpu.vector_load %parallel_loop3A_689[%parallel_loop3A_690, %parallel_loop3A_691] {strides = array<i32>} : memref<128x64xf32, #tpu.memory_space<vmem>>, vector<16xf32>,
        %parallel_loop3A_693 = arith.addf %parallel_loop3A_692, %get3A_513 : vector<16xf32>
        %parallel_loop3A_694 = arith.constant 0 : i32
        %parallel_loop3A_695 = arith.constant 0 : i32
        %parallel_loop3A_696 = arith.constant 0 : i32
        %parallel_loop3A_697 = tpu.memref_slice %arg8[%parallel_loop3A_518, %parallel_loop3A_694, %parallel_loop3A_695, %parallel_loop3A_696] : memref<5x8x8x129xf32, #tpu.memory_space<vmem>> -> memref<1x8x8x129xf32, #tpu.memory_space<vmem>>
        %parallel_loop3A_698 = tpu.memref_squeeze %parallel_loop3A_697 : memref<1x8x8x129xf32, #tpu.memory_space<vmem>> -> memref<8x8x129xf32, #tpu.memory_space<vmem>>
        tpu.vector_store_idx %parallel_loop3A_698[%shift_right_arithmetic3A_23, %and3A_46, %parallel_loop3A_646], %parallel_loop3A_693 : memref<8x8x129xf32, #tpu.memory_space<vmem>>[vector<16xi32>, vector<16xi32>, vector<16xi32>], vector<16xf32>,
      } {sc.loop_unroll_factor = 4 : i64, sc.parallel_access}
      %dma_start3A_519 = arith.constant 3 : i32
      %dma_start3A_520 = arith.constant 0 : i32
      %dma_start3A_521 = arith.constant 0 : i32
      %dma_start3A_522 = arith.constant 0 : i32
      %dma_start3A_523 = tpu.memref_slice %arg8[%dma_start3A_519, %dma_start3A_520, %dma_start3A_521, %dma_start3A_522] : memref<5x8x8x129xf32, #tpu.memory_space<vmem>> -> memref<1x8x8x128xf32, #tpu.memory_space<vmem>>
      %dma_start3A_524 = tpu.memref_squeeze %dma_start3A_523 : memref<1x8x8x128xf32, #tpu.memory_space<vmem>> -> memref<8x8x128xf32, #tpu.memory_space<vmem>>
      %dma_start3A_525 = arith.constant 0 : i32
      %dma_start3A_526 = arith.constant 0 : i32
      %dma_start3A_527 = arith.constant 0 : i32
      %dma_start3A_528 = tpu.memref_slice %arg5[%add3A_438, %dma_start3A_525, %add3A, %dma_start3A_526, %dma_start3A_527] : memref<200x8x32x8x128xf32, #tpu.memory_space<hbm>> -> memref<1x8x1x8x128xf32, #tpu.memory_space<hbm>>
      %dma_start3A_529 = tpu.memref_squeeze %dma_start3A_528 : memref<1x8x1x8x128xf32, #tpu.memory_space<hbm>> -> memref<8x8x128xf32, #tpu.memory_space<hbm>>
      %dma_start3A_530 = arith.constant 0 : i32
      %dma_start3A_531 = arith.constant 0 : i32
      %dma_start3A_532 = arith.constant 0 : i32
      %dma_start3A_533 = tpu.memref_slice %arg5[%add3A_438, %dma_start3A_530, %add3A, %dma_start3A_531, %dma_start3A_532] : memref<200x8x32x8x128xf32, #tpu.memory_space<hbm>> -> memref<1x8x1x8x128xf32, #tpu.memory_space<hbm>>
      %dma_start3A_534 = tpu.memref_squeeze %dma_start3A_533 : memref<1x8x1x8x128xf32, #tpu.memory_space<hbm>> -> memref<8x8x128xf32, #tpu.memory_space<hbm>>
      %dma_start3A_535 = arith.constant 0 : i32
      %dma_start3A_536 = arith.constant 0 : i32
      %dma_start3A_537 = arith.constant 0 : i32
      %dma_start3A_538 = tpu.memref_slice %arg8[%dma_start3A_519, %dma_start3A_535, %dma_start3A_536, %dma_start3A_537] : memref<5x8x8x129xf32, #tpu.memory_space<vmem>> -> memref<1x8x8x128xf32, #tpu.memory_space<vmem>>
      %dma_start3A_539 = tpu.memref_squeeze %dma_start3A_538 : memref<1x8x8x128xf32, #tpu.memory_space<vmem>> -> memref<8x8x128xf32, #tpu.memory_space<vmem>>
      tpu.enqueue_dma source(%dma_start3A_539 : memref<8x8x128xf32, #tpu.memory_space<vmem>>) target(%dma_start3A_534 : memref<8x8x128xf32, #tpu.memory_space<hbm>>) target_semaphore(%arg18 : memref<!tpu.dma_semaphore, #tpu.memory_space<semaphore_mem>>)
      %mul3A_540 = arith.constant 5 : i32
      %mul3A_541 = arith.muli %scan3A_133, %mul3A_540 : i32
      %add3A_542 = arith.constant 4 : i32
      %add3A_543 = arith.addi %mul3A_541, %add3A_542 : i32
      %ge3A_544 = arith.constant 2 : i32
      %ge3A_545 = arith.cmpi sge, %add3A_543, %ge3A_544 : i32
      %convert_element_type3A_546 = arith.extui %ge3A_545 : i1 to i32
      %cond3A_547 = arith.constant 0 : i32
      %cond3A_548 = arith.cmpi ne, %convert_element_type3A_546, %cond3A_547 : i32
      scf.if %cond3A_548 {
        %sub3A_645 = arith.constant 2 : i32
        %sub3A_646 = arith.subi %add3A_543, %sub3A_645 : i32
        %dma_wait3A_647 = arith.constant 2 : i32
        %dma_wait3A_648 = arith.constant 0 : i32
        %dma_wait3A_649 = arith.constant 0 : i32
        %dma_wait3A_650 = arith.constant 0 : i32
        %dma_wait3A_651 = tpu.memref_slice %arg8[%dma_wait3A_647, %dma_wait3A_648, %dma_wait3A_649, %dma_wait3A_650] : memref<5x8x8x129xf32, #tpu.memory_space<vmem>> -> memref<1x8x8x128xf32, #tpu.memory_space<vmem>>
        %dma_wait3A_652 = tpu.memref_squeeze %dma_wait3A_651 : memref<1x8x8x128xf32, #tpu.memory_space<vmem>> -> memref<8x8x128xf32, #tpu.memory_space<vmem>>
        %dma_wait3A_653 = arith.constant 0 : i32
        %dma_wait3A_654 = arith.constant 0 : i32
        %dma_wait3A_655 = arith.constant 0 : i32
        %dma_wait3A_656 = tpu.memref_slice %arg5[%sub3A_646, %dma_wait3A_653, %add3A, %dma_wait3A_654, %dma_wait3A_655] : memref<200x8x32x8x128xf32, #tpu.memory_space<hbm>> -> memref<1x8x1x8x128xf32, #tpu.memory_space<hbm>>
        %dma_wait3A_657 = tpu.memref_squeeze %dma_wait3A_656 : memref<1x8x1x8x128xf32, #tpu.memory_space<hbm>> -> memref<8x8x128xf32, #tpu.memory_space<hbm>>
        %dma_wait3A_658 = arith.constant 0 : i32
        %dma_wait3A_659 = arith.constant 0 : i32
        %dma_wait3A_660 = arith.constant 0 : i32
        %dma_wait3A_661 = tpu.memref_slice %arg5[%sub3A_646, %dma_wait3A_658, %add3A, %dma_wait3A_659, %dma_wait3A_660] : memref<200x8x32x8x128xf32, #tpu.memory_space<hbm>> -> memref<1x8x1x8x128xf32, #tpu.memory_space<hbm>>
        %dma_wait3A_662 = tpu.memref_squeeze %dma_wait3A_661 : memref<1x8x1x8x128xf32, #tpu.memory_space<hbm>> -> memref<8x8x128xf32, #tpu.memory_space<hbm>>
        %dma_wait3A_663 = arith.constant 0 : i32
        %dma_wait3A_664 = arith.constant 0 : i32
        %dma_wait3A_665 = arith.constant 0 : i32
        %dma_wait3A_666 = tpu.memref_slice %arg8[%dma_wait3A_647, %dma_wait3A_663, %dma_wait3A_664, %dma_wait3A_665] : memref<5x8x8x129xf32, #tpu.memory_space<vmem>> -> memref<1x8x8x128xf32, #tpu.memory_space<vmem>>
        %dma_wait3A_667 = tpu.memref_squeeze %dma_wait3A_666 : memref<1x8x8x128xf32, #tpu.memory_space<vmem>> -> memref<8x8x128xf32, #tpu.memory_space<vmem>>
        tpu.wait_dma2 semaphore(%arg17 : memref<!tpu.dma_semaphore, #tpu.memory_space<semaphore_mem>>) src(%dma_wait3A_667 : memref<8x8x128xf32, #tpu.memory_space<vmem>>) dst(%dma_wait3A_662 : memref<8x8x128xf32, #tpu.memory_space<hbm>>)
      } else {
      }
      %add3A_549 = arith.constant 3 : i32
      %add3A_550 = arith.addi %add3A_543, %add3A_549 : i32
      %lt3A_551 = arith.constant 200 : i32
      %lt3A_552 = arith.cmpi slt, %add3A_550, %lt3A_551 : i32
      %convert_element_type3A_553 = arith.extui %lt3A_552 : i1 to i32
      %cond3A_554 = arith.constant 0 : i32
      %cond3A_555 = arith.cmpi ne, %convert_element_type3A_553, %cond3A_554 : i32
      scf.if %cond3A_555 {
        %add3A_645 = arith.constant 3 : i32
        %add3A_646 = arith.addi %add3A_543, %add3A_645 : i32
        %jit3A_647 = arith.constant 8 : i32
        %div3A_648 = arith.divsi %add3A_646, %jit3A_647 : i32
        %sign3A_649 = arith.constant 0 : i32
        %sign3A_650 = arith.cmpi sgt, %add3A_646, %sign3A_649 : i32
        %sign3A_651 = arith.extui %sign3A_650 : i1 to i32
        %sign3A_652 = arith.constant 0 : i32
        %sign3A_653 = arith.cmpi slt, %add3A_646, %sign3A_652 : i32
        %sign3A_654 = arith.extui %sign3A_653 : i1 to i32
        %sign3A_655 = arith.subi %sign3A_651, %sign3A_654 : i32
        %sign3A_656 = arith.constant 0 : i32
        %sign3A_657 = arith.cmpi sgt, %jit3A_647, %sign3A_656 : i32
        %sign3A_658 = arith.extui %sign3A_657 : i1 to i32
        %sign3A_659 = arith.constant 0 : i32
        %sign3A_660 = arith.cmpi slt, %jit3A_647, %sign3A_659 : i32
        %sign3A_661 = arith.extui %sign3A_660 : i1 to i32
        %sign3A_662 = arith.subi %sign3A_658, %sign3A_661 : i32
        %ne3A_663 = arith.cmpi ne, %sign3A_655, %sign3A_662 : i32
        %rem3A_664 = arith.remsi %add3A_646, %jit3A_647 : i32
        %ne3A_665 = arith.constant 0 : i32
        %ne3A_666 = arith.cmpi ne, %rem3A_664, %ne3A_665 : i32
        %and3A_667 = arith.andi %ne3A_663, %ne3A_666 : i1
        %sub3A_668 = arith.constant 1 : i32
        %sub3A_669 = arith.subi %div3A_648, %sub3A_668 : i32
        %select_n3A_670 = arith.select %and3A_667, %sub3A_669, %div3A_648 : i32
        %jit3A_671 = arith.constant 8 : i32
        %eq3A_672 = arith.constant 0 : i32
        %eq3A_673 = arith.cmpi eq, %jit3A_671, %eq3A_672 : i32
        %jit3A_674 = arith.constant 1 : i32
        %select_n3A_675 = arith.select %eq3A_673, %jit3A_674, %jit3A_671 : i32
        %rem3A_676 = arith.remsi %add3A_646, %select_n3A_675 : i32
        %ne3A_677 = arith.constant 0 : i32
        %ne3A_678 = arith.cmpi ne, %rem3A_676, %ne3A_677 : i32
        %lt3A_679 = arith.constant 0 : i32
        %lt3A_680 = arith.cmpi slt, %rem3A_676, %lt3A_679 : i32
        %lt3A_681 = arith.constant 0 : i32
        %lt3A_682 = arith.cmpi slt, %select_n3A_675, %lt3A_681 : i32
        %ne3A_683 = arith.xori %lt3A_680, %lt3A_682 : i1
        %and3A_684 = arith.andi %ne3A_683, %ne3A_678 : i1
        %add3A_685 = arith.addi %rem3A_676, %select_n3A_675 : i32
        %select_n3A_686 = arith.select %and3A_684, %add3A_685, %rem3A_676 : i32
        %dma_start3A_687 = arith.constant 2 : i32
        %dma_start3A_688 = arith.constant 0 : i32
        %dma_start3A_689 = arith.constant 0 : i32
        %dma_start3A_690 = tpu.memref_slice %arg7[%dma_start3A_687, %dma_start3A_688, %dma_start3A_689] : memref<5x128x64xf32, #tpu.memory_space<vmem>> -> memref<1x128x64xf32, #tpu.memory_space<vmem>>
        %dma_start3A_691 = tpu.memref_squeeze %dma_start3A_690 : memref<1x128x64xf32, #tpu.memory_space<vmem>> -> memref<128x64xf32, #tpu.memory_space<vmem>>
        %dma_start3A_692 = arith.constant 0 : i32
        %dma_start3A_693 = tpu.memref_slice %arg6[%select_n3A_670, %select_n3A_686, %dma_start3A_692] : memref<25x8x128xi32, #tpu.memory_space<vmem>> -> memref<1x1x128xi32, #tpu.memory_space<vmem>>
        %dma_start3A_694 = tpu.memref_squeeze %dma_start3A_693 : memref<1x1x128xi32, #tpu.memory_space<vmem>> -> memref<128xi32, #tpu.memory_space<vmem>>
        %dma_start3A_695 = arith.constant 0 : i32
        %dma_start3A_696 = arith.constant 0 : i32
        %dma_start3A_697 = tpu.memref_slice %arg3[%dma_start3A_695, %dma_start3A_696] : memref<1000000x64xf32, #tpu.memory_space<hbm>> -> memref<1000000x64xf32, #tpu.memory_space<hbm>>
        tpu.enqueue_indirect_dma source(%dma_start3A_697 : memref<1000000x64xf32, #tpu.memory_space<hbm>>) target(%dma_start3A_691 : memref<128x64xf32, #tpu.memory_space<vmem>>) offsets(%dma_start3A_694 : memref<128xi32, #tpu.memory_space<vmem>>) semaphore(%arg12 : memref<!tpu.dma_semaphore, #tpu.memory_space<semaphore_mem>>)
      } else {
      }
      %jit3A_556 = arith.constant 8 : i32
      %div3A_557 = arith.divsi %add3A_543, %jit3A_556 : i32
      %sign3A_558 = arith.constant 0 : i32
      %sign3A_559 = arith.cmpi sgt, %add3A_543, %sign3A_558 : i32
      %sign3A_560 = arith.extui %sign3A_559 : i1 to i32
      %sign3A_561 = arith.constant 0 : i32
      %sign3A_562 = arith.cmpi slt, %add3A_543, %sign3A_561 : i32
      %sign3A_563 = arith.extui %sign3A_562 : i1 to i32
      %sign3A_564 = arith.subi %sign3A_560, %sign3A_563 : i32
      %sign3A_565 = arith.constant 0 : i32
      %sign3A_566 = arith.cmpi sgt, %jit3A_556, %sign3A_565 : i32
      %sign3A_567 = arith.extui %sign3A_566 : i1 to i32
      %sign3A_568 = arith.constant 0 : i32
      %sign3A_569 = arith.cmpi slt, %jit3A_556, %sign3A_568 : i32
      %sign3A_570 = arith.extui %sign3A_569 : i1 to i32
      %sign3A_571 = arith.subi %sign3A_567, %sign3A_570 : i32
      %ne3A_572 = arith.cmpi ne, %sign3A_564, %sign3A_571 : i32
      %rem3A_573 = arith.remsi %add3A_543, %jit3A_556 : i32
      %ne3A_574 = arith.constant 0 : i32
      %ne3A_575 = arith.cmpi ne, %rem3A_573, %ne3A_574 : i32
      %and3A_576 = arith.andi %ne3A_572, %ne3A_575 : i1
      %sub3A_577 = arith.constant 1 : i32
      %sub3A_578 = arith.subi %div3A_557, %sub3A_577 : i32
      %select_n3A_579 = arith.select %and3A_576, %sub3A_578, %div3A_557 : i32
      %jit3A_580 = arith.constant 8 : i32
      %eq3A_581 = arith.constant 0 : i32
      %eq3A_582 = arith.cmpi eq, %jit3A_580, %eq3A_581 : i32
      %jit3A_583 = arith.constant 1 : i32
      %select_n3A_584 = arith.select %eq3A_582, %jit3A_583, %jit3A_580 : i32
      %rem3A_585 = arith.remsi %add3A_543, %select_n3A_584 : i32
      %ne3A_586 = arith.constant 0 : i32
      %ne3A_587 = arith.cmpi ne, %rem3A_585, %ne3A_586 : i32
      %lt3A_588 = arith.constant 0 : i32
      %lt3A_589 = arith.cmpi slt, %rem3A_585, %lt3A_588 : i32
      %lt3A_590 = arith.constant 0 : i32
      %lt3A_591 = arith.cmpi slt, %select_n3A_584, %lt3A_590 : i32
      %ne3A_592 = arith.xori %lt3A_589, %lt3A_591 : i1
      %and3A_593 = arith.andi %ne3A_592, %ne3A_587 : i1
      %add3A_594 = arith.addi %rem3A_585, %select_n3A_584 : i32
      %select_n3A_595 = arith.select %and3A_593, %add3A_594, %rem3A_585 : i32
      %dma_wait3A_596 = arith.constant 4 : i32
      %dma_wait3A_597 = arith.constant 0 : i32
      %dma_wait3A_598 = arith.constant 0 : i32
      %dma_wait3A_599 = tpu.memref_slice %arg7[%dma_wait3A_596, %dma_wait3A_597, %dma_wait3A_598] : memref<5x128x64xf32, #tpu.memory_space<vmem>> -> memref<1x128x64xf32, #tpu.memory_space<vmem>>
      %dma_wait3A_600 = tpu.memref_squeeze %dma_wait3A_599 : memref<1x128x64xf32, #tpu.memory_space<vmem>> -> memref<128x64xf32, #tpu.memory_space<vmem>>
      %dma_wait3A_601 = arith.constant 0 : i32
      %dma_wait3A_602 = tpu.memref_slice %arg6[%select_n3A_579, %select_n3A_595, %dma_wait3A_601] : memref<25x8x128xi32, #tpu.memory_space<vmem>> -> memref<1x1x128xi32, #tpu.memory_space<vmem>>
      %dma_wait3A_603 = tpu.memref_squeeze %dma_wait3A_602 : memref<1x1x128xi32, #tpu.memory_space<vmem>> -> memref<128xi32, #tpu.memory_space<vmem>>
      %dma_wait3A_604 = arith.constant 0 : i32
      %dma_wait3A_605 = arith.constant 0 : i32
      %dma_wait3A_606 = tpu.memref_slice %arg3[%dma_wait3A_604, %dma_wait3A_605] : memref<1000000x64xf32, #tpu.memory_space<hbm>> -> memref<1000000x64xf32, #tpu.memory_space<hbm>>
      tpu.wait_indirect_dma semaphore(%arg14 : memref<!tpu.dma_semaphore, #tpu.memory_space<semaphore_mem>>) src(%dma_wait3A_606 : memref<1000000x64xf32, #tpu.memory_space<hbm>>) dst(%dma_wait3A_600 : memref<128x64xf32, #tpu.memory_space<vmem>>)
      %get3A_607 = arith.index_cast %add3A_543 : i32 to index
      %get3A_608 = arith.constant 0 : index
      %get3A_609 = tpu.vector_load %arg9[%get3A_607, %get3A_608] {strides = array<i32>} : memref<200x64xf32, #tpu.memory_space<vmem>>, vector<16xf32>,
      %get3A_610 = arith.index_cast %add3A_543 : i32 to index
      %get3A_611 = arith.constant 16 : index
      %get3A_612 = tpu.vector_load %arg9[%get3A_610, %get3A_611] {strides = array<i32>} : memref<200x64xf32, #tpu.memory_space<vmem>>, vector<16xf32>,
      %get3A_613 = arith.index_cast %add3A_543 : i32 to index
      %get3A_614 = arith.constant 32 : index
      %get3A_615 = tpu.vector_load %arg9[%get3A_613, %get3A_614] {strides = array<i32>} : memref<200x64xf32, #tpu.memory_space<vmem>>, vector<16xf32>,
      %get3A_616 = arith.index_cast %add3A_543 : i32 to index
      %get3A_617 = arith.constant 48 : index
      %get3A_618 = tpu.vector_load %arg9[%get3A_616, %get3A_617] {strides = array<i32>} : memref<200x64xf32, #tpu.memory_space<vmem>>, vector<16xf32>,
      %parallel_loop3A_619 = arith.constant 0 : i32
      %parallel_loop3A_620 = arith.constant 128 : i32
      %parallel_loop3A_621 = arith.constant 1 : i32
      %parallel_loop3A_622 = arith.constant 4 : i32
      %parallel_loop3A_623 = arith.constant 4 : i32
      scf.for %parallel_loop3A_645 = %parallel_loop3A_619 to %parallel_loop3A_620 step %parallel_loop3A_621  : i32 {
        %parallel_loop3A_646 = vector.broadcast %parallel_loop3A_645 : i32 to vector<16xi32>
        %parallel_loop3A_647 = arith.constant 0 : i32
        %parallel_loop3A_648 = arith.constant 0 : i32
        %parallel_loop3A_649 = tpu.memref_slice %arg7[%parallel_loop3A_622, %parallel_loop3A_647, %parallel_loop3A_648] : memref<5x128x64xf32, #tpu.memory_space<vmem>> -> memref<1x128x64xf32, #tpu.memory_space<vmem>>
        %parallel_loop3A_650 = tpu.memref_squeeze %parallel_loop3A_649 : memref<1x128x64xf32, #tpu.memory_space<vmem>> -> memref<128x64xf32, #tpu.memory_space<vmem>>
        %parallel_loop3A_651 = arith.index_cast %parallel_loop3A_645 : i32 to index
        %parallel_loop3A_652 = arith.constant 0 : index
        %parallel_loop3A_653 = tpu.vector_load %parallel_loop3A_650[%parallel_loop3A_651, %parallel_loop3A_652] {strides = array<i32>} : memref<128x64xf32, #tpu.memory_space<vmem>>, vector<16xf32>,
        %parallel_loop3A_654 = arith.addf %parallel_loop3A_653, %get3A_609 : vector<16xf32>
        %parallel_loop3A_655 = arith.constant 0 : i32
        %parallel_loop3A_656 = arith.constant 0 : i32
        %parallel_loop3A_657 = arith.constant 0 : i32
        %parallel_loop3A_658 = tpu.memref_slice %arg8[%parallel_loop3A_623, %parallel_loop3A_655, %parallel_loop3A_656, %parallel_loop3A_657] : memref<5x8x8x129xf32, #tpu.memory_space<vmem>> -> memref<1x8x8x129xf32, #tpu.memory_space<vmem>>
        %parallel_loop3A_659 = tpu.memref_squeeze %parallel_loop3A_658 : memref<1x8x8x129xf32, #tpu.memory_space<vmem>> -> memref<8x8x129xf32, #tpu.memory_space<vmem>>
        tpu.vector_store_idx %parallel_loop3A_659[%shift_right_arithmetic3A_5, %and3A_28, %parallel_loop3A_646], %parallel_loop3A_654 : memref<8x8x129xf32, #tpu.memory_space<vmem>>[vector<16xi32>, vector<16xi32>, vector<16xi32>], vector<16xf32>,
        %parallel_loop3A_660 = arith.constant 0 : i32
        %parallel_loop3A_661 = arith.constant 0 : i32
        %parallel_loop3A_662 = tpu.memref_slice %arg7[%parallel_loop3A_622, %parallel_loop3A_660, %parallel_loop3A_661] : memref<5x128x64xf32, #tpu.memory_space<vmem>> -> memref<1x128x64xf32, #tpu.memory_space<vmem>>
        %parallel_loop3A_663 = tpu.memref_squeeze %parallel_loop3A_662 : memref<1x128x64xf32, #tpu.memory_space<vmem>> -> memref<128x64xf32, #tpu.memory_space<vmem>>
        %parallel_loop3A_664 = arith.index_cast %parallel_loop3A_645 : i32 to index
        %parallel_loop3A_665 = arith.constant 16 : index
        %parallel_loop3A_666 = tpu.vector_load %parallel_loop3A_663[%parallel_loop3A_664, %parallel_loop3A_665] {strides = array<i32>} : memref<128x64xf32, #tpu.memory_space<vmem>>, vector<16xf32>,
        %parallel_loop3A_667 = arith.addf %parallel_loop3A_666, %get3A_612 : vector<16xf32>
        %parallel_loop3A_668 = arith.constant 0 : i32
        %parallel_loop3A_669 = arith.constant 0 : i32
        %parallel_loop3A_670 = arith.constant 0 : i32
        %parallel_loop3A_671 = tpu.memref_slice %arg8[%parallel_loop3A_623, %parallel_loop3A_668, %parallel_loop3A_669, %parallel_loop3A_670] : memref<5x8x8x129xf32, #tpu.memory_space<vmem>> -> memref<1x8x8x129xf32, #tpu.memory_space<vmem>>
        %parallel_loop3A_672 = tpu.memref_squeeze %parallel_loop3A_671 : memref<1x8x8x129xf32, #tpu.memory_space<vmem>> -> memref<8x8x129xf32, #tpu.memory_space<vmem>>
        tpu.vector_store_idx %parallel_loop3A_672[%shift_right_arithmetic3A_11, %and3A_34, %parallel_loop3A_646], %parallel_loop3A_667 : memref<8x8x129xf32, #tpu.memory_space<vmem>>[vector<16xi32>, vector<16xi32>, vector<16xi32>], vector<16xf32>,
        %parallel_loop3A_673 = arith.constant 0 : i32
        %parallel_loop3A_674 = arith.constant 0 : i32
        %parallel_loop3A_675 = tpu.memref_slice %arg7[%parallel_loop3A_622, %parallel_loop3A_673, %parallel_loop3A_674] : memref<5x128x64xf32, #tpu.memory_space<vmem>> -> memref<1x128x64xf32, #tpu.memory_space<vmem>>
        %parallel_loop3A_676 = tpu.memref_squeeze %parallel_loop3A_675 : memref<1x128x64xf32, #tpu.memory_space<vmem>> -> memref<128x64xf32, #tpu.memory_space<vmem>>
        %parallel_loop3A_677 = arith.index_cast %parallel_loop3A_645 : i32 to index
        %parallel_loop3A_678 = arith.constant 32 : index
        %parallel_loop3A_679 = tpu.vector_load %parallel_loop3A_676[%parallel_loop3A_677, %parallel_loop3A_678] {strides = array<i32>} : memref<128x64xf32, #tpu.memory_space<vmem>>, vector<16xf32>,
        %parallel_loop3A_680 = arith.addf %parallel_loop3A_679, %get3A_615 : vector<16xf32>
        %parallel_loop3A_681 = arith.constant 0 : i32
        %parallel_loop3A_682 = arith.constant 0 : i32
        %parallel_loop3A_683 = arith.constant 0 : i32
        %parallel_loop3A_684 = tpu.memref_slice %arg8[%parallel_loop3A_623, %parallel_loop3A_681, %parallel_loop3A_682, %parallel_loop3A_683] : memref<5x8x8x129xf32, #tpu.memory_space<vmem>> -> memref<1x8x8x129xf32, #tpu.memory_space<vmem>>
        %parallel_loop3A_685 = tpu.memref_squeeze %parallel_loop3A_684 : memref<1x8x8x129xf32, #tpu.memory_space<vmem>> -> memref<8x8x129xf32, #tpu.memory_space<vmem>>
        tpu.vector_store_idx %parallel_loop3A_685[%shift_right_arithmetic3A_17, %and3A_40, %parallel_loop3A_646], %parallel_loop3A_680 : memref<8x8x129xf32, #tpu.memory_space<vmem>>[vector<16xi32>, vector<16xi32>, vector<16xi32>], vector<16xf32>,
        %parallel_loop3A_686 = arith.constant 0 : i32
        %parallel_loop3A_687 = arith.constant 0 : i32
        %parallel_loop3A_688 = tpu.memref_slice %arg7[%parallel_loop3A_622, %parallel_loop3A_686, %parallel_loop3A_687] : memref<5x128x64xf32, #tpu.memory_space<vmem>> -> memref<1x128x64xf32, #tpu.memory_space<vmem>>
        %parallel_loop3A_689 = tpu.memref_squeeze %parallel_loop3A_688 : memref<1x128x64xf32, #tpu.memory_space<vmem>> -> memref<128x64xf32, #tpu.memory_space<vmem>>
        %parallel_loop3A_690 = arith.index_cast %parallel_loop3A_645 : i32 to index
        %parallel_loop3A_691 = arith.constant 48 : index
        %parallel_loop3A_692 = tpu.vector_load %parallel_loop3A_689[%parallel_loop3A_690, %parallel_loop3A_691] {strides = array<i32>} : memref<128x64xf32, #tpu.memory_space<vmem>>, vector<16xf32>,
        %parallel_loop3A_693 = arith.addf %parallel_loop3A_692, %get3A_618 : vector<16xf32>
        %parallel_loop3A_694 = arith.constant 0 : i32
        %parallel_loop3A_695 = arith.constant 0 : i32
        %parallel_loop3A_696 = arith.constant 0 : i32
        %parallel_loop3A_697 = tpu.memref_slice %arg8[%parallel_loop3A_623, %parallel_loop3A_694, %parallel_loop3A_695, %parallel_loop3A_696] : memref<5x8x8x129xf32, #tpu.memory_space<vmem>> -> memref<1x8x8x129xf32, #tpu.memory_space<vmem>>
        %parallel_loop3A_698 = tpu.memref_squeeze %parallel_loop3A_697 : memref<1x8x8x129xf32, #tpu.memory_space<vmem>> -> memref<8x8x129xf32, #tpu.memory_space<vmem>>
        tpu.vector_store_idx %parallel_loop3A_698[%shift_right_arithmetic3A_23, %and3A_46, %parallel_loop3A_646], %parallel_loop3A_693 : memref<8x8x129xf32, #tpu.memory_space<vmem>>[vector<16xi32>, vector<16xi32>, vector<16xi32>], vector<16xf32>,
      } {sc.loop_unroll_factor = 4 : i64, sc.parallel_access}
      %dma_start3A_624 = arith.constant 4 : i32
      %dma_start3A_625 = arith.constant 0 : i32
      %dma_start3A_626 = arith.constant 0 : i32
      %dma_start3A_627 = arith.constant 0 : i32
      %dma_start3A_628 = tpu.memref_slice %arg8[%dma_start3A_624, %dma_start3A_625, %dma_start3A_626, %dma_start3A_627] : memref<5x8x8x129xf32, #tpu.memory_space<vmem>> -> memref<1x8x8x128xf32, #tpu.memory_space<vmem>>
      %dma_start3A_629 = tpu.memref_squeeze %dma_start3A_628 : memref<1x8x8x128xf32, #tpu.memory_space<vmem>> -> memref<8x8x128xf32, #tpu.memory_space<vmem>>
      %dma_start3A_630 = arith.constant 0 : i32
      %dma_start3A_631 = arith.constant 0 : i32
      %dma_start3A_632 = arith.constant 0 : i32
      %dma_start3A_633 = tpu.memref_slice %arg5[%add3A_543, %dma_start3A_630, %add3A, %dma_start3A_631, %dma_start3A_632] : memref<200x8x32x8x128xf32, #tpu.memory_space<hbm>> -> memref<1x8x1x8x128xf32, #tpu.memory_space<hbm>>
      %dma_start3A_634 = tpu.memref_squeeze %dma_start3A_633 : memref<1x8x1x8x128xf32, #tpu.memory_space<hbm>> -> memref<8x8x128xf32, #tpu.memory_space<hbm>>
      %dma_start3A_635 = arith.constant 0 : i32
      %dma_start3A_636 = arith.constant 0 : i32
      %dma_start3A_637 = arith.constant 0 : i32
      %dma_start3A_638 = tpu.memref_slice %arg5[%add3A_543, %dma_start3A_635, %add3A, %dma_start3A_636, %dma_start3A_637] : memref<200x8x32x8x128xf32, #tpu.memory_space<hbm>> -> memref<1x8x1x8x128xf32, #tpu.memory_space<hbm>>
      %dma_start3A_639 = tpu.memref_squeeze %dma_start3A_638 : memref<1x8x1x8x128xf32, #tpu.memory_space<hbm>> -> memref<8x8x128xf32, #tpu.memory_space<hbm>>
      %dma_start3A_640 = arith.constant 0 : i32
      %dma_start3A_641 = arith.constant 0 : i32
      %dma_start3A_642 = arith.constant 0 : i32
      %dma_start3A_643 = tpu.memref_slice %arg8[%dma_start3A_624, %dma_start3A_640, %dma_start3A_641, %dma_start3A_642] : memref<5x8x8x129xf32, #tpu.memory_space<vmem>> -> memref<1x8x8x128xf32, #tpu.memory_space<vmem>>
      %dma_start3A_644 = tpu.memref_squeeze %dma_start3A_643 : memref<1x8x8x128xf32, #tpu.memory_space<vmem>> -> memref<8x8x128xf32, #tpu.memory_space<vmem>>
      tpu.enqueue_dma source(%dma_start3A_644 : memref<8x8x128xf32, #tpu.memory_space<vmem>>) target(%dma_start3A_639 : memref<8x8x128xf32, #tpu.memory_space<hbm>>) target_semaphore(%arg19 : memref<!tpu.dma_semaphore, #tpu.memory_space<semaphore_mem>>)
    }
    %scan3A_89 = arith.constant 40 : i32
    %dma_wait3A = arith.constant 3 : i32
    %dma_wait3A_90 = arith.constant 198 : i32
    %dma_wait3A_91 = arith.constant 0 : i32
    %dma_wait3A_92 = arith.constant 0 : i32
    %dma_wait3A_93 = arith.constant 0 : i32
    %dma_wait3A_94 = tpu.memref_slice %arg8[%dma_wait3A, %dma_wait3A_91, %dma_wait3A_92, %dma_wait3A_93] : memref<5x8x8x129xf32, #tpu.memory_space<vmem>> -> memref<1x8x8x128xf32, #tpu.memory_space<vmem>>
    %dma_wait3A_95 = tpu.memref_squeeze %dma_wait3A_94 : memref<1x8x8x128xf32, #tpu.memory_space<vmem>> -> memref<8x8x128xf32, #tpu.memory_space<vmem>>
    %dma_wait3A_96 = arith.constant 0 : i32
    %dma_wait3A_97 = arith.constant 0 : i32
    %dma_wait3A_98 = arith.constant 0 : i32
    %dma_wait3A_99 = tpu.memref_slice %arg5[%dma_wait3A_90, %dma_wait3A_96, %add3A, %dma_wait3A_97, %dma_wait3A_98] : memref<200x8x32x8x128xf32, #tpu.memory_space<hbm>> -> memref<1x8x1x8x128xf32, #tpu.memory_space<hbm>>
    %dma_wait3A_100 = tpu.memref_squeeze %dma_wait3A_99 : memref<1x8x1x8x128xf32, #tpu.memory_space<hbm>> -> memref<8x8x128xf32, #tpu.memory_space<hbm>>
    %dma_wait3A_101 = arith.constant 0 : i32
    %dma_wait3A_102 = arith.constant 0 : i32
    %dma_wait3A_103 = arith.constant 0 : i32
    %dma_wait3A_104 = tpu.memref_slice %arg5[%dma_wait3A_90, %dma_wait3A_101, %add3A, %dma_wait3A_102, %dma_wait3A_103] : memref<200x8x32x8x128xf32, #tpu.memory_space<hbm>> -> memref<1x8x1x8x128xf32, #tpu.memory_space<hbm>>
    %dma_wait3A_105 = tpu.memref_squeeze %dma_wait3A_104 : memref<1x8x1x8x128xf32, #tpu.memory_space<hbm>> -> memref<8x8x128xf32, #tpu.memory_space<hbm>>
    %dma_wait3A_106 = arith.constant 0 : i32
    %dma_wait3A_107 = arith.constant 0 : i32
    %dma_wait3A_108 = arith.constant 0 : i32
    %dma_wait3A_109 = tpu.memref_slice %arg8[%dma_wait3A, %dma_wait3A_106, %dma_wait3A_107, %dma_wait3A_108] : memref<5x8x8x129xf32, #tpu.memory_space<vmem>> -> memref<1x8x8x128xf32, #tpu.memory_space<vmem>>
    %dma_wait3A_110 = tpu.memref_squeeze %dma_wait3A_109 : memref<1x8x8x128xf32, #tpu.memory_space<vmem>> -> memref<8x8x128xf32, #tpu.memory_space<vmem>>
    tpu.wait_dma2 semaphore(%arg18 : memref<!tpu.dma_semaphore, #tpu.memory_space<semaphore_mem>>) src(%dma_wait3A_110 : memref<8x8x128xf32, #tpu.memory_space<vmem>>) dst(%dma_wait3A_105 : memref<8x8x128xf32, #tpu.memory_space<hbm>>)
    %dma_wait3A_111 = arith.constant 4 : i32
    %dma_wait3A_112 = arith.constant 199 : i32
    %dma_wait3A_113 = arith.constant 0 : i32
    %dma_wait3A_114 = arith.constant 0 : i32
    %dma_wait3A_115 = arith.constant 0 : i32
    %dma_wait3A_116 = tpu.memref_slice %arg8[%dma_wait3A_111, %dma_wait3A_113, %dma_wait3A_114, %dma_wait3A_115] : memref<5x8x8x129xf32, #tpu.memory_space<vmem>> -> memref<1x8x8x128xf32, #tpu.memory_space<vmem>>
    %dma_wait3A_117 = tpu.memref_squeeze %dma_wait3A_116 : memref<1x8x8x128xf32, #tpu.memory_space<vmem>> -> memref<8x8x128xf32, #tpu.memory_space<vmem>>
    %dma_wait3A_118 = arith.constant 0 : i32
    %dma_wait3A_119 = arith.constant 0 : i32
    %dma_wait3A_120 = arith.constant 0 : i32
    %dma_wait3A_121 = tpu.memref_slice %arg5[%dma_wait3A_112, %dma_wait3A_118, %add3A, %dma_wait3A_119, %dma_wait3A_120] : memref<200x8x32x8x128xf32, #tpu.memory_space<hbm>> -> memref<1x8x1x8x128xf32, #tpu.memory_space<hbm>>
    %dma_wait3A_122 = tpu.memref_squeeze %dma_wait3A_121 : memref<1x8x1x8x128xf32, #tpu.memory_space<hbm>> -> memref<8x8x128xf32, #tpu.memory_space<hbm>>
    %dma_wait3A_123 = arith.constant 0 : i32
    %dma_wait3A_124 = arith.constant 0 : i32
    %dma_wait3A_125 = arith.constant 0 : i32
    %dma_wait3A_126 = tpu.memref_slice %arg5[%dma_wait3A_112, %dma_wait3A_123, %add3A, %dma_wait3A_124, %dma_wait3A_125] : memref<200x8x32x8x128xf32, #tpu.memory_space<hbm>> -> memref<1x8x1x8x128xf32, #tpu.memory_space<hbm>>
    %dma_wait3A_127 = tpu.memref_squeeze %dma_wait3A_126 : memref<1x8x1x8x128xf32, #tpu.memory_space<hbm>> -> memref<8x8x128xf32, #tpu.memory_space<hbm>>
    %dma_wait3A_128 = arith.constant 0 : i32
    %dma_wait3A_129 = arith.constant 0 : i32
    %dma_wait3A_130 = arith.constant 0 : i32
    %dma_wait3A_131 = tpu.memref_slice %arg8[%dma_wait3A_111, %dma_wait3A_128, %dma_wait3A_129, %dma_wait3A_130] : memref<5x8x8x129xf32, #tpu.memory_space<vmem>> -> memref<1x8x8x128xf32, #tpu.memory_space<vmem>>
    %dma_wait3A_132 = tpu.memref_squeeze %dma_wait3A_131 : memref<1x8x8x128xf32, #tpu.memory_space<vmem>> -> memref<8x8x128xf32, #tpu.memory_space<vmem>>
    tpu.wait_dma2 semaphore(%arg19 : memref<!tpu.dma_semaphore, #tpu.memory_space<semaphore_mem>>) src(%dma_wait3A_132 : memref<8x8x128xf32, #tpu.memory_space<vmem>>) dst(%dma_wait3A_127 : memref<8x8x128xf32, #tpu.memory_space<hbm>>)
    return
  }
}

</mosaic_0001>

<sc_bundles>
// kernel: kernel.3.cloned.1.call-start
scs
__scs_entry_jumppad:
0x0: {  	(pc) =	sbr.rel $0x88, $3  }
0x1: {  	(tag) =	ssettag $0x0;
	lr =	simm.s32 $0x1  }
0x2: {  	[smem:$0x3F9E] =	sst lr;
	_ =	strace $0xD0000000  }
0x3: {  	_ = 	snop  }
0x4: {  	_ = 	snop  }
0x5: {  	_ = 	snop  }
0x6: {  	_ = 	snop  }
0x7: {  	_ = 	snop  }
__scs_overlays_trampoline_lowered:
0x8: {  	[smem:$0x3FAD] =	sst s0  }
0x9: {  	[smem:$0x3FAE] =	sst s1  }
0xa: {  	[smem:$0x3FAF] =	sst s2  }
0xb: {  	[smem:$0x3FB0] =	sst s3  }
0xc: {  	[smem:$0x3FB1] =	sst s4  }
0xd: {  	[smem:$0x3FB2] =	sst s5  }
0xe: {  	[smem:$0x3FB3] =	sst s6  }
0xf: {  	[smem:$0x3FB4] =	sst s7  }
0x10: {  	[smem:$0x3FB5] =	sst s8  }
0x11: {  	[smem:$0x3FB6] =	sst s9;
	s0 =	simm.s32 @!p0 $0x0  }
0x12: {  	s1 =	sld [smem:$0x3F9C];
	s0 =	simm.s32 @p0 $0x1  }
0x13: {  	[smem:$0x3FB7] =	sst s0;
	s0 =	simm.s32 @!p1 $0x0  }
0x14: {  	s2 =	sld [smem:$0x3F9B];
	s0 =	simm.s32 @p1 $0x1  }
0x15: {  	[smem:$0x3FB8] =	sst s0;
	s0 =	simm.s32 @!p2 $0x0  }
0x16: {  	s3 =	sld [smem:$0x3FDB];
	s0 =	simm.s32 @p2 $0x1  }
0x17: {  	s4 =	simm.s32 $0x1BF5;
	[smem:$0x3FBA] =	sst s0  }
0x18: {  	s0 =	sld [smem:$0x3F9D];
	_ =	swait.ge [sflag:s4], $0x0  }
0x19: {  	s7 =	sld [smem:$0x3F9E]  }
0x1a: {  	s8 =	sadd.s32 $0xFFFFE003, lr  }
0x1b: {  	s9 =	sadd.s32 $0xFFFFFEF7, lr;
	s5 =	simm.s32 $0xFFFFFFFF;
	p2 =	slt.u32 s8, $0xFFFFF086  }
0x1c: {  	p1 =	slt.u32 s9, $0xF7A;
	s5 =	simm.s32 @!p2 $0x0  }
0x1d: {  	s5 =	simm.s32 @p1 $0x1;
	p0 =	seq.s32 s7, s2  }
0x1e: {  	s7 =	smul.u32 @!p0 $0xF7A, s2;
	p2 =	seq.s32 @!p0 s5, $0x0  }
0x1f: {  	s9 =	smul.u32 $0xF7A, s1;
	s8 =	simm.s32 @!p0 $0x1BF5;
	p2 =	por !p2, p0  }
0x20: {  	[sflag:s8] =	ssyncset.s32 @!p0 $0xFFFFF086;
	s6 =	sadd.s32 @!p0 s3, s7;
	s7 =	simm.s32 @!p0 $0x108  }
0x21: {  	s3 =	sadd.s32 s3, s9;
	s6 =	sadd.s32 @!p0 $0x88, s6;
	s7 =	simm.s32 @p2 $0x1082  }
0x22: {  	[simem:s7], [sflag:s8] =	dma.local @!p0 [hbm:s6], $0xF7A  }
0x23: {  	s9 =	sor.u32 $0xD0000000, s2;
	s6 =	simm.s32 $0x108;
	_ =	swait.ge @!p0 [sflag:s8], $0x0  }
0x24: {  	s3 =	sadd.s32 $0x88, s3;
	s6 =	simm.s32 @!p1 $0x1082;
	[sflag:s4] =	ssyncset.s32 $0xFFFFF086  }
0x25: {  	[simem:s6], [sflag:s4] =	dma.local [hbm:s3], $0xF7A  }
0x26: {  	[smem:$0x3F9E] =	sst s1;
	(tag) =	ssettag s2;
	_ =	strace s9  }
0x27: {  	s1 =	sld [smem:$0x3FAE]  }
0x28: {  	s2 =	sld [smem:$0x3FAF]  }
0x29: {  	s4 =	sld [smem:$0x3FB1]  }
0x2a: {  	p0 =	seq.s32 s5, $0x0;
	s5 =	sld [smem:$0x3FB2]  }
0x2b: {  	s6 =	sld [smem:$0x3FB3]  }
0x2c: {  	s7 =	sld [smem:$0x3FB4]  }
0x2d: {  	s3 =	simm.s32 $0x108;
	s8 =	sld [smem:$0x3FB5]  }
0x2e: {  	s3 =	simm.s32 @!p0 $0x1082;
	s9 =	sld [smem:$0x3FB6]  }
0x2f: {  	lr =	sadd.s32 s0, s3;
	s0 =	sld [smem:$0x3FAD]  }
0x30: {  	s3 =	sld [smem:$0x3FB0]  }
0x31: {  	[smem:$0x3FB9] =	sst s10  }
0x32: {  	s10 =	sld [smem:$0x3FB7];
	_ =	sdelay $0x3  }
0x33: {  	p0 =	seq.s32 s10, $0x1;
	s10 =	sld [smem:$0x3FB9];
	_ =	sdelay $0x3  }
0x34: {  	[smem:$0x3FB9] =	sst s10  }
0x35: {  	s10 =	sld [smem:$0x3FB8];
	_ =	sdelay $0x3  }
0x36: {  	p1 =	seq.s32 s10, $0x1;
	s10 =	sld [smem:$0x3FB9];
	_ =	sdelay $0x3  }
0x37: {  	[smem:$0x3FB9] =	sst s10  }
0x38: {  	s10 =	sld [smem:$0x3FBA]  }
0x39: {  	_ = 	snop;
	(pc) =	sbr.ind lr, $3  }
0x3a: {  	_ = 	snop  }
0x3b: {  	_ = 	snop  }
0x3c: {  	p2 =	seq.s32 s10, $0x1;
	s10 =	sld [smem:$0x3FB9]  }
0x3d: {  	_ =	shalt  }
0x3e: {  	_ =	shalt  }
0x3f: {  	_ =	shalt  }
0x40: {  	_ =	shalt  }
0x41: {  	_ =	shalt  }
0x42: {  	_ =	shalt  }
0x43: {  	_ =	shalt  }
0x44: {  	_ =	shalt  }
0x45: {  	_ =	shalt  }
0x46: {  	_ =	shalt  }
0x47: {  	_ =	shalt  }
0x48: {  	_ =	shalt  }
0x49: {  	_ =	shalt  }
0x4a: {  	_ =	shalt  }
0x4b: {  	_ =	shalt  }
0x4c: {  	_ =	shalt  }
0x4d: {  	_ =	shalt  }
0x4e: {  	_ =	shalt  }
0x4f: {  	_ =	shalt  }
0x50: {  	_ =	shalt  }
0x51: {  	_ =	shalt  }
0x52: {  	_ =	shalt  }
0x53: {  	_ =	shalt  }
0x54: {  	_ =	shalt  }
0x55: {  	_ =	shalt  }
0x56: {  	_ =	shalt  }
0x57: {  	_ =	shalt  }
0x58: {  	_ =	shalt  }
0x59: {  	_ =	shalt  }
0x5a: {  	_ =	shalt  }
0x5b: {  	_ =	shalt  }
0x5c: {  	_ =	shalt  }
0x5d: {  	_ =	shalt  }
0x5e: {  	_ =	shalt  }
0x5f: {  	_ =	shalt  }
0x60: {  	_ =	shalt  }
0x61: {  	_ =	shalt  }
0x62: {  	_ =	shalt  }
0x63: {  	_ =	shalt  }
0x64: {  	_ =	shalt  }
0x65: {  	_ =	shalt  }
0x66: {  	_ =	shalt  }
0x67: {  	_ =	shalt  }
0x68: {  	_ =	shalt  }
0x69: {  	_ =	shalt  }
0x6a: {  	_ =	shalt  }
0x6b: {  	_ =	shalt  }
0x6c: {  	_ =	shalt  }
0x6d: {  	_ =	shalt  }
0x6e: {  	_ =	shalt  }
0x6f: {  	_ =	shalt  }
0x70: {  	_ =	shalt  }
0x71: {  	_ =	shalt  }
0x72: {  	_ =	shalt  }
0x73: {  	_ =	shalt  }
0x74: {  	_ =	shalt  }
0x75: {  	_ =	shalt  }
0x76: {  	_ =	shalt  }
0x77: {  	_ =	shalt  }
0x78: {  	_ =	shalt  }
0x79: {  	_ =	shalt  }
0x7a: {  	_ =	shalt  }
0x7b: {  	_ =	shalt  }
0x7c: {  	_ =	shalt  }
0x7d: {  	_ =	shalt  }
0x7e: {  	_ =	shalt  }
0x7f: {  	_ =	shalt  }
0x80: {  	_ =	shalt  }
0x81: {  	_ =	shalt  }
0x82: {  	_ =	shalt  }
0x83: {  	_ =	shalt  }
0x84: {  	_ =	shalt  }
0x85: {  	_ =	shalt  }
0x86: {  	_ =	shalt  }
0x87: {  	_ =	shalt  }
.Lfunc_end0:
.L_simem_size_0:
called_computation_lowered:
.L_overlay_start_0:
0x88: {  	s2 =	sld [smem:$0x3FD9]  }
0x89: {  	s3 =	sld [smem:$0x3FFE];
	_ =	sdelay $0x1  }
0x8a: {  	s1 =	srdreg.scid  }
0x8b: {  	s0 =	sand.u32 $0x1, s1  }
0x8c: {  	s17 =	sshll.u32 s0, $0xA;
	s2 =	sadd.s32 s3, s2  }
0x8d: {  	s2 =	sadd.s32 s2, s17  }
0x8e: {  	[smem:$0x3FC5] =	sst s2  }
0x8f: {  	_ = 	snop  }
0x90: {  	s2 =	sld [smem:$0x3FC9]  }
0x91: {  	s18 =	sld [smem:$0x3FD0];
	(tm) =	ssettm $0x1  }
0x92: {  	s4 =	sld [smem:$0x3FFB];
	_ =	sdelay $0x3  }
0x93: {  	_ =	strace s4  }
0x94: {  	s4 =	sld [smem:$0x3FFC];
	_ =	sdelay $0x3  }
0x95: {  	_ =	strace s4  }
0x96: {  	s4 =	sld [smem:$0x3FFD];
	_ =	sdelay $0x3  }
0x97: {  	_ =	strace s4  }
0x98: {  	_ =	strace $0x8FFFFFFF  }
0x99: {  	s19 =	sld [smem:$0x3FDB];
	_ =	sdelay $0x1  }
0x9a: {  	s5 =	simm.s32 $_scs_section_size  }
0x9b: {  	s6 =	simm.s32 $_size__tile_overlayer_lowered;
	s7 =	simm.s32 $_tile_overlayer_lowered  }
0x9c: {  	s22 =	simm.s32 $0x1BFF;
	s21 =	sshll.u32 s7, $0x1;
	s4 =	sadd.s32 s5, s19  }
0x9d: {  	s8 =	simm.s32 $0x0;
	s20 =	sshll.u32 s6, $0x1;
	s6 =	sadd.s32 s21, s4  }
0x9e: {  	[timem:s8], [sflag:s22] =	dma.local [hbm:s6], s20  }
0x9f: {  	_ =	swait.ge [sflag:s22], s20  }
0xa0: {  	s5 =	ssub.s32 $0x0, s20;
	[sflag:s22] =	ssyncset.done $0x0  }
0xa1: {  	[sflag:s22] =	ssyncadd.s32 s5;
	_ =	sdelay $0x1  }
0xa2: {  	s23 =	simm.s32 $0x1B8B  }
0xa3: {  	_ =	swait.ge [sflag:s23], $0x1  }
0xa4: {  	[sflag:s23] =	ssyncset.done $0x0  }
0xa5: {  	s25 =	simm.s32 $0x1B8E;
	s24 =	sld [smem:$0x3FFE];
	[sflag:s23] =	ssyncadd.s32 $0xFFFFFFFF  }
0xa6: {  	s26 =	simm.s32 $execute0_lowered;
	[smem:$0x3FD2] =	sst s25  }
0xa7: {  	s6 =	sshll.u32 s26, $0x1;
	_ =	strace $0x80000046;
	[dreg:$0x1] =	wrdreg $0xFFFFFFFF  }
0xa8: {  	s28 =	simm.s32 $_size_execute0_lowered;
	s4 =	sadd.s32 s4, s6;
	[dreg:$0x0] =	wrdreg $0x0  }
0xa9: {  	s6 =	sshll.u32 s28, $0x1;
	[dreg:$0x2] =	wrdreg s4  }
0xaa: {  	[dreg:$0x3] =	wrdreg s6  }
0xab: {  	[dreg:$0x4] =	wrdreg $0xC0  }
0xac: {  	_ =	task [dreg:s8], $0x5FFFF  }
0xad: {  	[dreg:$0x1] =	wrdreg $0xFFFFFFFF  }
0xae: {  	[dreg:$0x0] =	wrdreg $0x60  }
0xaf: {  	[dreg:$0x2] =	wrdreg s2  }
0xb0: {  	[dreg:$0x3] =	wrdreg s24  }
0xb1: {  	[dreg:$0x4] =	wrdreg s18  }
0xb2: {  	[dreg:$0x5] =	wrdreg $0x9  }
0xb3: {  	_ =	task.clear_ibuf [dreg:s8], $0x6FFFF;
	_ =	strace $0x90000046  }
0xb4: {  	s29 =	simm.s32 $0x9;
	_ =	strace $0x80000048  }
0xb5: {  	_ =	swait.ge [sflag:s29], $0x1  }
0xb6: {  	[sflag:s29] =	ssyncadd.s32 $0xFFFFFFFF  }
0xb7: {  	_ =	strace $0x90000048  }
0xb8: {  	_ =	sfence  }
0xb9: {  	s30 =	sld [smem:$0x0];
	_ =	sdelay $0x2  }
0xba: {  	s31 =	sshll.u32 s1, $0xD;
	s1 =	sshrl.u32 s1, $0x2  }
0xbb: {  	s3 =	sand.u32 $0x4000, s31;
	s1 =	sadd.s32 s1, s30  }
0xbc: {  	s0 =	sor.u32 s3, s0;
	s1 =	sshll.u32 s1, $0x11  }
0xbd: {  	s0 =	sor.u32 s1, s0  }
0xbe: {  	s0 =	sadd.s32 $0x8F2B, s0  }
0xbf: {  	[sflag:s0] =	ssyncadd.remote.s32 $0x1  }
0xc0: {  	_ =	sfence.sel $0xFFFF  }
0xc1: {  	[dreg:$0x0] =	wrdreg $0xFFFFFFFF;
	(pc) =	sbr.abs _section_cstart, $3  }
0xc2: {  	[dreg:$0x1] =	wrdreg $0xFFFFFFFF  }
0xc3: {  	_ =	task.clear_ibuf [dreg:s8], $0x2FFFF;
	_ =	strace $0x9FFFFFFF  }
0xc4: {  	(tm) =	ssettm $0x7FFFFFFF  }
0xc5: {  	_ =	shalt  }
tec
execute0_lowered:
.L_overlay_start_1:
0x0: {  	(tag) =	ssettag $0x1  }
0x1: {  	s0 =	rddreg [dreg:$0x0]  }
0x2: {  	s2 =	rddreg [dreg:$0x1]  }
0x3: {  	s1 =	rddreg [dreg:$0x2];
	s3 =	simm.s32 $0x0  }
0x4: {  	s4 =	srdreg.scid;
	s5 =	stileid.u32;
	s13 =	simm.s32 $0x80  }
0x5: {  	s18 =	simm.s32 $0xC400;
	s19 =	simm.s32 $0x1;
	s20 =	simm.s32 $0x10400  }
0x6: {  	s21 =	simm.s32 $0xE400;
	s22 =	simm.s32 $0x2;
	s23 =	simm.s32 $0x12600  }
0x7: {  	s24 =	simm.s32 $0x6;
	s28 =	simm.s32 $0x7;
	s29 =	simm.s32 $0x4  }
0x8: {  	s30 =	simm.s32 $0x16A00;
	s31 =	simm.s32 $0x8;
	s8 =	simm.s32 $0x0  }
0x9: {  	[smem:$0x7FF] =	sst s3;
	s4 =	sand.u32 $0x1, s4;
	s5 =	sshll.u32 s5, $0xB  }
0xa: {  	s6 =	ssub.s32 $0x2, s4;
	s4 =	sshll.u32 s4, $0xA;
	_ =	strace $0x80000047  }
0xb: {  	s7 =	sshrl.u32 s6, $0x1;
	s4 =	sor.u32 s4, s5;
	s5 =	sadd.s32 $0xF42C00, s2  }
0xc: {  	v0 =	vlaneseq.u32;
	s2 =	sadd.s32 $0x800, s2;
	s6 =	ssub.s32 s6, s7;
	s25 =	sshrl.u32 s4, $0x3  }
0xd: {  	v0 =	vmul.u32 $0x88, v0;
	[dreg:$0x4] =	wrdreg s2;
	s2 =	simm.s32 $0x18C00;
	s0 =	sadd.s32 s0, s25  }
0xe: {  	s26 =	smax.u32 s6, $0x1;
	s25 =	simm.s32 $0x3;
	[dreg:$0x5] =	wrdreg s0  }
0xf: {  	v1 =	vadd.s32 $0x880, v0;
	v2 =	vadd.s32 $0x1100, v0;
	v3 =	vadd.s32 $0x1980, v0;
	[dreg:$0x6] =	wrdreg s26;
	s26 =	simm.s32 $0x14800;
	s0 =	simm.s32 $0x5  }
.LBB2_1:
0x10: {  	[dreg:$0x7] =	wrdreg s8  }
0x11: {  	s6 =	rddreg [dreg:$0x4];
	s7 =	simm.s32 $0x1AE00;
	s10 =	simm.s32 $0xB  }
0x12: {  	[tilespmem:s7], [sflag:$0xB] =	stream.linear.gather [hbm4b:s6+s3], $0x3200, $0x38;
	[tilespmem:$0x1E000] =	vst v63  }
0x13: {  	_ =	swait.ge [sflag:s10], $0x3200  }
0x14: {  	s12 =	simm.s32 $0x400;
	[sflag:s10] =	ssyncset.done $0x0  }
0x15: {  	s9 =	simm.s32 $0x8000;
	s11 =	rddreg [dreg:$0x5];
	[sflag:s10] =	ssyncadd.s32 $0xFFFFCE00  }
0x16: {  	[tilespmem:s3], [sflag:$0xB] =	stream.strided.gather [hbm4b:s11+s12], $0x6400, s9, s12, $0x38;
	[tilespmem:$0x1E000] =	vst v63  }
0x17: {  	_ =	swait.ge [sflag:s10], $0x6400  }
0x18: {  	[sflag:s10] =	ssyncset.done $0x0  }
0x19: {  	s14 =	simm.s32 $0x6400;
	[sflag:s10] =	ssyncadd.s32 $0xFFFF9C00  }
0x1a: {  	[tilespmem:s14], [sflag:$0x1] =	stream.indirect.gather [hbm4b:s5+s13], $0x40, s3, s13, $0xb8;
	[tilespmem:$0x1E000] =	vst v63  }
0x1b: {  	s15 =	simm.s32 $0x8400  }
0x1c: {  	[tilespmem:s15], [sflag:$0x2] =	stream.indirect.gather [hbm4b:s5+s13], $0x40, s13, s13, $0xb8;
	[tilespmem:$0x1E000] =	vst v63  }
0x1d: {  	s16 =	simm.s32 $0x100;
	s17 =	simm.s32 $0xA400;
	s14 =	simm.s32 $0x0  }
0x1e: {  	[tilespmem:s17], [sflag:$0x3] =	stream.indirect.gather [hbm4b:s5+s13], $0x40, s16, s13, $0xb8;
	[tilespmem:$0x1E000] =	vst v63  }
.LBB2_2:
0x1f: {  	s17 =	smul.u32 $0x5, s14;
	p0 =	seq.s32 s14, $0x0  }
0x20: {  	s6 =	simm.s32 @!p0 $0x9  }
0x21: {  	_ =	swait.ge @!p0 [sflag:s6], $0x2000;
	s15 =	sadd.s32 $0x3, s17  }
0x22: {  	[sflag:s6] =	ssyncset.done @!p0 $0x0;
	s7 =	sshll.u32 s15, $0x7  }
0x23: {  	[sflag:s6] =	ssyncadd.s32 @!p0 $0xFFFFE000;
	s9 =	sand.u32 $0x1FF80, s7  }
0x24: {  	[tilespmem:s18], [sflag:$0x4] =	stream.indirect.gather [hbm4b:s5+s13], $0x40, s9, s13, $0xb8;
	[tilespmem:$0x1E000] =	vst v63  }
0x25: {  	s10 =	smul.u32 $0x500, s14;
	_ =	swait.ge [sflag:s19], $0x2000  }
0x26: {  	[sflag:s19] =	ssyncset.done $0x0  }
0x27: {  	s6 =	sshra.s32 s10, $0x2;
	[sflag:s19] =	ssyncadd.s32 $0xFFFFE000  }
0x28: {  	s11 =	simm.s32 $0x3;
	s9 =	simm.s32 $0x6480;
	v9 =	vld [tilespmem:s6+$0x1AE00]  }
0x29: {  	v4 =	vmov s11;
	v7 =	vld [tilespmem:s9+$0x40]  }
0x2a: {  	v13 =	vand.u32 $0x7F, v4  }
0x2b: {  	s12 =	simm.s32 $0x0;
	v8 =	vadd.s32 v0, v13;
	v6 =	vld [tilespmem:s6+$0x1AE10]  }
0x2c: {  	s16 =	simm.s32 $0x1;
	s8 =	simm.s32 $0x2;
	v4 =	vmov s12;
	v10 =	vld [tilespmem:s9+$0xFFFFFF80]  }
0x2d: {  	v14 =	vmov s8;
	v12 =	vand.u32 $0x7C, v4;
	v4 =	vmov s16;
	v11 =	vld [tilespmem:s9+$0xFFFFFFC0]  }
0x2e: {  	v15 =	vadd.s32 v0, v12;
	v19 =	vand.u32 $0x7D, v4;
	v16 =	vld [tilespmem:s9+$0x0];
	v7 =	vadd.f32 v7, v9  }
0x2f: {  	v20 =	vand.u32 $0x7E, v14;
	v17 =	vadd.s32 v0, v19;
	v5 =	vld [tilespmem:s6+$0x1AE20]  }
0x30: {  	v14 =	vadd.s32 v0, v20;
	v4 =	vld [tilespmem:s6+$0x1AE30];
	[tilespmem:v8+s20+$0x0] =	vst.idx.msk $0xffff, v7  }
0x31: {  	v7 =	vadd.f32 v10, v9;
	v8 =	vld [tilespmem:s9+$0x50]  }
0x32: {  	v10 =	vadd.f32 v11, v9  }
0x33: {  	v11 =	vadd.s32 v1, v13;
	[tilespmem:v15+s20+$0x0] =	vst.idx.msk $0xffff, v7;
	v7 =	vadd.f32 v16, v9  }
0x34: {  	[tilespmem:v17+s20+$0x0] =	vst.idx.msk $0xffff, v10;
	v15 =	vld [tilespmem:s9+$0xFFFFFF90]  }
0x35: {  	v10 =	vld [tilespmem:s9+$0xFFFFFFD0];
	[tilespmem:v14+s20+$0x0] =	vst.idx.msk $0xffff, v7  }
0x36: {  	v14 =	vld [tilespmem:s9+$0x10];
	v7 =	vadd.f32 v8, v6  }
0x37: {  	s11 =	simm.s32 $0x7;
	s6 =	simm.s32 $0x6580;
	v16 =	vadd.s32 v1, v19  }
0x38: {  	v26 =	vadd.s32 v2, v13;
	s10 =	simm.s32 $0x4;
	v18 =	vld [tilespmem:s6+$0x40];
	v17 =	vadd.s32 v1, v20;
	[tilespmem:v11+s20+$0x0] =	vst.idx.msk $0xffff, v7;
	v7 =	vmov s11  }
0x39: {  	v21 =	vadd.s32 v1, v12;
	v8 =	vmov s10;
	v7 =	vand.u32 $0x7F, v7;
	v22 =	vld [tilespmem:s9+$0x60]  }
0x3a: {  	s12 =	simm.s32 $0x5;
	v23 =	vld [tilespmem:s6+$0xFFFFFF80];
	v8 =	vand.u32 $0x7C, v8;
	v10 =	vadd.f32 v10, v6;
	v24 =	vadd.s32 v0, v7  }
0x3b: {  	s16 =	simm.s32 $0x6;
	v25 =	vld [tilespmem:s6+$0xFFFFFFC0];
	v15 =	vadd.f32 v15, v6;
	v11 =	vadd.f32 v14, v6;
	v14 =	vmov s12  }
0x3c: {  	v27 =	vadd.s32 v0, v8;
	[tilespmem:v16+s20+$0x0] =	vst.idx.msk $0xffff, v10;
	v16 =	vmov s16;
	v10 =	vand.u32 $0x7D, v14;
	v14 =	vld [tilespmem:s6+$0x0]  }
0x3d: {  	[tilespmem:v17+s20+$0x0] =	vst.idx.msk $0xffff, v11;
	v17 =	vadd.s32 v0, v10;
	v11 =	vand.u32 $0x7E, v16;
	v16 =	vadd.f32 v18, v9;
	v18 =	vld [tilespmem:s9+$0xFFFFFFE0]  }
0x3e: {  	[tilespmem:v21+s20+$0x0] =	vst.idx.msk $0xffff, v15;
	v15 =	vadd.s32 v0, v11;
	v21 =	vld [tilespmem:s9+$0x20];
	v22 =	vadd.f32 v22, v5  }
0x3f: {  	v23 =	vadd.f32 v23, v9;
	[tilespmem:v24+s20+$0x0] =	vst.idx.msk $0xffff, v16;
	v16 =	vld [tilespmem:s9+$0xFFFFFFA0];
	v24 =	vadd.s32 v2, v19  }
0x40: {  	v29 =	vadd.s32 v2, v20;
	v25 =	vadd.f32 v25, v9;
	v28 =	vld [tilespmem:s6+$0x50];
	[tilespmem:v26+s20+$0x0] =	vst.idx.msk $0xffff, v22  }
0x41: {  	[tilespmem:v27+s20+$0x0] =	vst.idx.msk $0xffff, v23;
	v23 =	vadd.s32 v2, v12;
	v14 =	vadd.f32 v14, v9;
	v26 =	vld [tilespmem:s9+$0x70]  }
0x42: {  	v27 =	vld [tilespmem:s6+$0xFFFFFF90];
	[tilespmem:v17+s20+$0x0] =	vst.idx.msk $0xffff, v25;
	v25 =	vadd.s32 v1, v7;
	v18 =	vadd.f32 v18, v5  }
0x43: {  	v31 =	vadd.s32 v3, v13;
	v30 =	vld [tilespmem:s6+$0xFFFFFFD0];
	[tilespmem:v15+s20+$0x0] =	vst.idx.msk $0xffff, v14;
	v14 =	vadd.f32 v21, v5  }
0x44: {  	v22 =	vadd.s32 v1, v8;
	v17 =	vld [tilespmem:s6+$0x10];
	v13 =	vadd.f32 v16, v5;
	[tilespmem:v24+s20+$0x0] =	vst.idx.msk $0xffff, v18  }
0x45: {  	s8 =	simm.s32 $0x8;
	v21 =	vadd.s32 v1, v10;
	[tilespmem:v29+s20+$0x0] =	vst.idx.msk $0xffff, v14;
	v18 =	vadd.f32 v28, v6;
	v16 =	vld [tilespmem:s9+$0xFFFFFFF0]  }
0x46: {  	v24 =	vmov s8;
	v14 =	vadd.s32 v1, v11;
	v15 =	vld [tilespmem:s9+$0x30];
	[tilespmem:v23+s20+$0x0] =	vst.idx.msk $0xffff, v13;
	v63 =	vadd.f32 v26, v4  }
0x47: {  	s7 =	simm.s32 $0x6680;
	s11 =	simm.s32 $0xB;
	v19 =	vadd.s32 v3, v19;
	v13 =	vand.u32 $0x7C, v24;
	v24 =	vadd.f32 v27, v6;
	[tilespmem:v25+s20+$0x0] =	vst.idx.msk $0xffff, v18;
	v18 =	vld [tilespmem:s9+$0xFFFFFFB0]  }
0x48: {  	v20 =	vadd.s32 v3, v20;
	v26 =	vmov s11;
	v23 =	vld [tilespmem:s7+$0x40];
	s9 =	simm.s32 $0xC;
	v25 =	vadd.f32 v30, v6;
	[tilespmem:v31+s20+$0x0] =	vst.idx.msk $0xffff, v63  }
.LBB2_3:
0x49: {  	p1 =	slt.u32 s9, $0x7C;
	s11 =	sadd.s32 $0x1, s8;
	v26 =	vand.u32 $0x7F, v26;
	[tilespmem:v22+s20+$0x0] =	vst.idx.msk $0xffff, v24;
	v17 =	vadd.f32 v17, v6;
	v22 =	vld [tilespmem:s6+$0x60];
	v24 =	vadd.s32 v3, v12  }
0x4a: {  	v30 =	vmovc v11;
	v27 =	vld [tilespmem:s7+$0xFFFFFF80];
	v28 =	vmov s11;
	s11 =	sadd.s32 $0x2, s8;
	v29 =	vadd.s32 v0, v26;
	[tilespmem:v21+s20+$0x0] =	vst.idx.msk $0xffff, v25;
	v16 =	vadd.f32 v16, v4;
	s8 =	smov.u32 s9  }
0x4b: {  	v12 =	vmovc v8;
	v21 =	vld [tilespmem:s7+$0xFFFFFFC0];
	v11 =	vmov s11;
	[tilespmem:v14+s20+$0x0] =	vst.idx.msk $0xffff, v17;
	v14 =	vadd.s32 v2, v7;
	v15 =	vadd.f32 v15, v4  }
0x4c: {  	v17 =	vadd.s32 v0, v13;
	v28 =	vand.u32 $0x7D, v28;
	v25 =	vld [tilespmem:s7+$0x0];
	v31 =	vadd.f32 v18, v4;
	[tilespmem:v19+s20+$0x0] =	vst.idx.msk $0xffff, v16  }
0x4d: {  	v16 =	vadd.s32 v0, v28;
	v11 =	vand.u32 $0x7E, v11;
	v18 =	vadd.f32 v23, v9;
	v19 =	vld [tilespmem:s6+$0xFFFFFFE0];
	[tilespmem:v20+s20+$0x0] =	vst.idx.msk $0xffff, v15  }
0x4e: {  	v8 =	vmov v13;
	v15 =	vadd.s32 v0, v11;
	v20 =	vld [tilespmem:s6+$0x20];
	v22 =	vadd.f32 v22, v5;
	[tilespmem:v24+s20+$0x0] =	vst.idx.msk $0xffff, v31  }
0x4f: {  	v23 =	vadd.s32 v2, v10;
	v13 =	vadd.f32 v27, v9;
	[tilespmem:v29+s20+$0x0] =	vst.idx.msk $0xffff, v18;
	v18 =	vld [tilespmem:s6+$0xFFFFFFA0]  }
0x50: {  	v27 =	vadd.s32 v2, v30;
	v21 =	vadd.f32 v21, v9;
	v24 =	vld [tilespmem:s7+$0x50];
	[tilespmem:v14+s20+$0x0] =	vst.idx.msk $0xffff, v22  }
0x51: {  	[tilespmem:v17+s20+$0x0] =	vst.idx.msk $0xffff, v13;
	v13 =	vadd.f32 v25, v9;
	v25 =	vadd.s32 v2, v12;
	v29 =	vld [tilespmem:s6+$0x70]  }
0x52: {  	v32 =	vadd.s32 v1, v26;
	v31 =	vld [tilespmem:s7+$0xFFFFFF90];
	[tilespmem:v16+s20+$0x0] =	vst.idx.msk $0xffff, v21;
	v14 =	vadd.f32 v19, v5  }
0x53: {  	v34 =	vadd.s32 v3, v7;
	v7 =	vmov v26;
	v33 =	vld [tilespmem:s7+$0xFFFFFFD0];
	[tilespmem:v15+s20+$0x0] =	vst.idx.msk $0xffff, v13;
	v13 =	vadd.f32 v20, v5  }
.Ltmp0:
0x54: {  	v22 =	vadd.s32 v1, v8;
	v17 =	vld [tilespmem:s7+$0x10];
	v15 =	vadd.f32 v18, v5;
	[tilespmem:v23+s20+$0x0] =	vst.idx.msk $0xffff, v14;
	(pc) =	sbr.rel @p1 .LBB2_3-.Ltmp0, $4  }
0x55: {  	v21 =	vadd.s32 v1, v28;
	v18 =	vadd.f32 v24, v6;
	v16 =	vld [tilespmem:s6+$0xFFFFFFF0];
	[tilespmem:v27+s20+$0x0] =	vst.idx.msk $0xffff, v13  }
0x56: {  	v14 =	vadd.s32 v1, v11;
	v13 =	vmov s9;
	[tilespmem:v25+s20+$0x0] =	vst.idx.msk $0xffff, v15;
	v15 =	vld [tilespmem:s6+$0x30];
	v27 =	vadd.f32 v29, v4  }
0x57: {  	s11 =	sadd.s32 $0x3, s9;
	v19 =	vadd.s32 v3, v10;
	v13 =	vand.u32 $0x7C, v13;
	v24 =	vadd.f32 v31, v6;
	[tilespmem:v32+s20+$0x0] =	vst.idx.msk $0xffff, v18;
	v18 =	vld [tilespmem:s6+$0xFFFFFFB0];
	s6 =	smov.u32 s7;
	s7 =	sadd.s32 $0x100, s7  }
0x58: {  	v26 =	vmov s11;
	v10 =	vmovc v28;
	v20 =	vadd.s32 v3, v30;
	s9 =	sadd.s32 $0x4, s9;
	v23 =	vld [tilespmem:s7+$0x40];
	v25 =	vadd.f32 v33, v6;
	[tilespmem:v34+s20+$0x0] =	vst.idx.msk $0xffff, v27  }
0x59: {  	s9 =	sadd.s32 $0x1, s8  }
0x5a: {  	v26 =	vand.u32 $0x7F, v26;
	s11 =	sadd.s32 $0x2, s8;
	v28 =	vld [tilespmem:s7+$0xFFFFFFC0];
	v27 =	vmov s9  }
0x5b: {  	v31 =	vld [tilespmem:s7+$0x0];
	v29 =	vadd.s32 v0, v26;
	v30 =	vmov s11;
	v27 =	vand.u32 $0x7D, v27  }
0x5c: {  	v32 =	vld [tilespmem:s7+$0xFFFFFF80];
	v30 =	vand.u32 $0x7E, v30;
	v33 =	vadd.s32 v0, v27  }
0x5d: {  	v34 =	vadd.s32 v0, v30  }
0x5e: {  	[tilespmem:v22+s20+$0x0] =	vst.idx.msk $0xffff, v24;
	v44 =	vadd.s32 v0, v13;
	v23 =	vadd.f32 v23, v9  }
0x5f: {  	[tilespmem:v21+s20+$0x0] =	vst.idx.msk $0xffff, v25;
	v45 =	vadd.f32 v28, v9  }
0x60: {  	v46 =	vadd.f32 v31, v9;
	[tilespmem:v29+s20+$0x0] =	vst.idx.msk $0xffff, v23  }
0x61: {  	v47 =	vadd.f32 v32, v9;
	v48 =	vld [tilespmem:s7+$0x50];
	[tilespmem:v33+s20+$0x0] =	vst.idx.msk $0xffff, v45  }
0x62: {  	v17 =	vadd.f32 v17, v6;
	v12 =	vadd.s32 v3, v12;
	[tilespmem:v34+s20+$0x0] =	vst.idx.msk $0xffff, v46;
	v21 =	vld [tilespmem:s7+$0xFFFFFFD0]  }
0x63: {  	v16 =	vadd.f32 v16, v4;
	v49 =	vadd.s32 v1, v26;
	[tilespmem:v44+s20+$0x0] =	vst.idx.msk $0xffff, v47;
	v50 =	vld [tilespmem:s7+$0x10]  }
0x64: {  	[tilespmem:v14+s20+$0x0] =	vst.idx.msk $0xffff, v17;
	v51 =	vadd.f32 v15, v4;
	v53 =	vadd.s32 v1, v27;
	v52 =	vld [tilespmem:s7+$0xFFFFFF90]  }
0x65: {  	v54 =	vld [tilespmem:s6+$0x60];
	v18 =	vadd.f32 v18, v4;
	[tilespmem:v19+s20+$0x0] =	vst.idx.msk $0xffff, v16;
	v55 =	vadd.s32 v1, v30  }
0x66: {  	v57 =	vadd.s32 v1, v13;
	v60 =	vld [tilespmem:s6+$0x20];
	[tilespmem:v20+s20+$0x0] =	vst.idx.msk $0xffff, v51;
	v58 =	vadd.f32 v48, v6  }
0x67: {  	v59 =	vadd.s32 v2, v7;
	v56 =	vld [tilespmem:s6+$0xFFFFFFE0];
	[tilespmem:v12+s20+$0x0] =	vst.idx.msk $0xffff, v18;
	v61 =	vadd.f32 v21, v6  }
0x68: {  	v62 =	vld [tilespmem:s6+$0xFFFFFFA0];
	v29 =	vadd.s32 v2, v11;
	[tilespmem:v49+s20+$0x0] =	vst.idx.msk $0xffff, v58;
	v28 =	vadd.f32 v50, v6  }
0x69: {  	v63 =	vadd.s32 v2, v10;
	v31 =	vadd.f32 v52, v6;
	v32 =	vld [tilespmem:s7+$0x60];
	[tilespmem:v53+s20+$0x0] =	vst.idx.msk $0xffff, v61  }
0x6a: {  	v33 =	vadd.f32 v54, v5;
	v34 =	vadd.s32 v2, v8;
	[tilespmem:v55+s20+$0x0] =	vst.idx.msk $0xffff, v28;
	v35 =	vld [tilespmem:s7+$0xFFFFFFE0]  }
0x6b: {  	v37 =	vadd.s32 v2, v26;
	v39 =	vadd.f32 v60, v5;
	[tilespmem:v57+s20+$0x0] =	vst.idx.msk $0xffff, v31;
	v38 =	vld [tilespmem:s7+$0x20]  }
0x6c: {  	v41 =	vadd.s32 v2, v27;
	v36 =	vadd.f32 v56, v5;
	[tilespmem:v59+s20+$0x0] =	vst.idx.msk $0xffff, v33;
	v40 =	vld [tilespmem:s7+$0xFFFFFFA0]  }
0x6d: {  	v43 =	vadd.s32 v2, v30;
	v18 =	vadd.f32 v62, v5;
	v42 =	vld [tilespmem:s6+$0x70];
	[tilespmem:v29+s20+$0x0] =	vst.idx.msk $0xffff, v39  }
0x6e: {  	v45 =	vadd.s32 v2, v13;
	[tilespmem:v63+s20+$0x0] =	vst.idx.msk $0xffff, v36;
	v47 =	vld [tilespmem:s6+$0x30];
	v44 =	vadd.f32 v32, v5  }
0x6f: {  	v46 =	vadd.s32 v3, v7;
	[tilespmem:v34+s20+$0x0] =	vst.idx.msk $0xffff, v18;
	v21 =	vld [tilespmem:s6+$0xFFFFFFF0];
	v9 =	vadd.f32 v35, v5  }
0x70: {  	v18 =	vld [tilespmem:s6+$0xFFFFFFB0];
	v50 =	vadd.s32 v3, v11;
	[tilespmem:v37+s20+$0x0] =	vst.idx.msk $0xffff, v44;
	v49 =	vadd.f32 v38, v5  }
0x71: {  	v48 =	vadd.s32 v3, v10;
	v5 =	vadd.f32 v40, v5;
	v12 =	vld [tilespmem:s7+$0x70];
	[tilespmem:v41+s20+$0x0] =	vst.idx.msk $0xffff, v9  }
0x72: {  	v52 =	vadd.s32 v3, v8;
	v51 =	vadd.f32 v42, v4;
	[tilespmem:v43+s20+$0x0] =	vst.idx.msk $0xffff, v49;
	v53 =	vld [tilespmem:s7+$0xFFFFFFF0]  }
0x73: {  	v55 =	vadd.s32 v3, v26;
	v56 =	vadd.f32 v47, v4;
	[tilespmem:v45+s20+$0x0] =	vst.idx.msk $0xffff, v5;
	v5 =	vld [tilespmem:s7+$0x30]  }
0x74: {  	v58 =	vadd.s32 v3, v27;
	[tilespmem:v46+s20+$0x0] =	vst.idx.msk $0xffff, v51;
	v54 =	vadd.f32 v21, v4;
	v57 =	vld [tilespmem:s7+$0xFFFFFFB0]  }
0x75: {  	v60 =	vadd.s32 v3, v30;
	v59 =	vadd.f32 v18, v4;
	[tilespmem:v50+s20+$0x0] =	vst.idx.msk $0xffff, v56  }
0x76: {  	v62 =	vadd.s32 v3, v13;
	[tilespmem:v48+s20+$0x0] =	vst.idx.msk $0xffff, v54;
	v61 =	vadd.f32 v12, v4  }
0x77: {  	s12 =	smul.u32 $0x140000, s14;
	[tilespmem:v52+s20+$0x0] =	vst.idx.msk $0xffff, v59;
	v63 =	vadd.f32 v53, v4  }
0x78: {  	[tilespmem:v55+s20+$0x0] =	vst.idx.msk $0xffff, v61;
	v5 =	vadd.f32 v5, v4  }
0x79: {  	s6 =	sor.u32 s4, s12;
	v4 =	vadd.f32 v57, v4;
	[tilespmem:v58+s20+$0x0] =	vst.idx.msk $0xffff, v63  }
0x7a: {  	s6 =	sshrl.u32 s6, $0x3;
	[tilespmem:v60+s20+$0x0] =	vst.idx.msk $0xffff, v5  }
0x7b: {  	s16 =	simm.s32 $0x10400;
	s7 =	sadd.s32 s1, s6;
	[tilespmem:v62+s20+$0x0] =	vst.idx.msk $0xffff, v4  }
0x7c: {  	[hbm4b:s7+s3] =	stream.linear.scatter [tilespmem:s16], [sflag:$0x6], $0x80, $0x38;
	[tilespmem:$0x1E000] =	vst v63  }
0x7d: {  	s8 =	simm.s32 $0x10488;
	s9 =	sadd.s32 $0x10, s7  }
0x7e: {  	[hbm4b:s9+s3] =	stream.linear.scatter [tilespmem:s8], [sflag:$0x6], $0x80, $0x38;
	[tilespmem:$0x1E000] =	vst v63  }
0x7f: {  	s10 =	simm.s32 $0x10510;
	s12 =	simm.s32 $0x10598;
	s11 =	sadd.s32 $0x20, s7  }
0x80: {  	[hbm4b:s11+s3] =	stream.linear.scatter [tilespmem:s10], [sflag:$0x6], $0x80, $0x38;
	[tilespmem:$0x1E000] =	vst v63  }
0x81: {  	s6 =	simm.s32 $0x440;
	s16 =	sadd.s32 $0x30, s7;
	s8 =	simm.s32 $0x10620  }
0x82: {  	[hbm4b:s16+s3] =	stream.linear.scatter [tilespmem:s12], [sflag:$0x6], $0x80, $0x38;
	[tilespmem:$0x1E000] =	vst v63  }
0x83: {  	s9 =	sadd.s32 $0x40, s7;
	s10 =	simm.s32 $0x106A8;
	s11 =	sadd.s32 $0x50, s7  }
0x84: {  	[hbm4b:s9+s3] =	stream.linear.scatter [tilespmem:s8], [sflag:$0x6], $0x80, $0x38;
	[tilespmem:$0x1E000] =	vst v63  }
0x85: {  	s12 =	simm.s32 $0x10730;
	s16 =	sadd.s32 $0x60, s7;
	s8 =	simm.s32 $0x2200  }
0x86: {  	[hbm4b:s11+s3] =	stream.linear.scatter [tilespmem:s10], [sflag:$0x6], $0x80, $0x38;
	[tilespmem:$0x1E000] =	vst v63  }
0x87: {  	s9 =	simm.s32 $0x107B8;
	s11 =	sadd.s32 $0x70, s7;
	s7 =	sadd.s32 $0x1000, s7  }
0x88: {  	[hbm4b:s16+s3] =	stream.linear.scatter [tilespmem:s12], [sflag:$0x6], $0x80, $0x38;
	[tilespmem:$0x1E000] =	vst v63  }
.LBB2_5:
0x89: {  	[hbm4b:s11+s3] =	stream.linear.scatter [tilespmem:s9], [sflag:$0x6], $0x80, $0x38;
	[tilespmem:$0x1E000] =	vst v63  }
0x8a: {  	s9 =	smov.u32 s6;
	s6 =	smov.u32 s8  }
0x8b: {  	s16 =	sadd.s32 $0x1100, s8;
	s6 =	sshra.s32 s6, $0x2;
	s11 =	sadd.s32 $0x10400, s9  }
0x8c: {  	[hbm4b:s7+s3] =	stream.linear.scatter [tilespmem:s11], [sflag:$0x6], $0x80, $0x38;
	[tilespmem:$0x1E000] =	vst v63  }
0x8d: {  	p1 =	sne.s32 s8, $0x7700;
	s8 =	sadd.s32 $0x10488, s9;
	s11 =	sadd.s32 $0x10, s7  }
0x8e: {  	[hbm4b:s11+s3] =	stream.linear.scatter [tilespmem:s8], [sflag:$0x6], $0x80, $0x38;
	[tilespmem:$0x1E000] =	vst v63  }
0x8f: {  	s8 =	sadd.s32 $0x10510, s9;
	s11 =	sadd.s32 $0x20, s7  }
0x90: {  	[hbm4b:s11+s3] =	stream.linear.scatter [tilespmem:s8], [sflag:$0x6], $0x80, $0x38;
	[tilespmem:$0x1E000] =	vst v63  }
0x91: {  	s8 =	sadd.s32 $0x10598, s9;
	s11 =	sadd.s32 $0x30, s7  }
0x92: {  	[hbm4b:s11+s3] =	stream.linear.scatter [tilespmem:s8], [sflag:$0x6], $0x80, $0x38;
	[tilespmem:$0x1E000] =	vst v63  }
0x93: {  	s8 =	sadd.s32 $0x10620, s9;
	s11 =	sadd.s32 $0x40, s7  }
0x94: {  	[hbm4b:s11+s3] =	stream.linear.scatter [tilespmem:s8], [sflag:$0x6], $0x80, $0x38;
	[tilespmem:$0x1E000] =	vst v63  }
.Ltmp1:
0x95: {  	s8 =	sadd.s32 $0x106A8, s9;
	s11 =	sadd.s32 $0x50, s7;
	(pc) =	sbr.rel @p1 .LBB2_5-.Ltmp1, $4  }
0x96: {  	[hbm4b:s11+s3] =	stream.linear.scatter [tilespmem:s8], [sflag:$0x6], $0x80, $0x38;
	[tilespmem:$0x1E000] =	vst v63  }
0x97: {  	s8 =	sadd.s32 $0x10730, s9;
	s11 =	sadd.s32 $0x60, s7;
	s9 =	sadd.s32 $0x107B8, s9  }
0x98: {  	[hbm4b:s11+s3] =	stream.linear.scatter [tilespmem:s8], [sflag:$0x6], $0x80, $0x38;
	[tilespmem:$0x1E000] =	vst v63  }
0x99: {  	s11 =	sadd.s32 $0x70, s7;
	s7 =	sadd.s32 $0x1000, s7;
	s8 =	smov.u32 s16  }
0x9a: {  	[hbm4b:s11+s3] =	stream.linear.scatter [tilespmem:s9], [sflag:$0x6], $0x80, $0x38;
	[tilespmem:$0x1E000] =	vst v63  }
0x9b: {  	s8 =	sadd.s32 $0x10400, s6  }
0x9c: {  	[hbm4b:s7+s3] =	stream.linear.scatter [tilespmem:s8], [sflag:$0x6], $0x80, $0x38;
	[tilespmem:$0x1E000] =	vst v63  }
0x9d: {  	s10 =	sadd.s32 $0x10488, s6;
	s11 =	sadd.s32 $0x10, s7  }
0x9e: {  	[hbm4b:s11+s3] =	stream.linear.scatter [tilespmem:s10], [sflag:$0x6], $0x80, $0x38;
	[tilespmem:$0x1E000] =	vst v63  }
0x9f: {  	s12 =	sadd.s32 $0x10510, s6;
	s16 =	sadd.s32 $0x20, s7  }
0xa0: {  	[hbm4b:s16+s3] =	stream.linear.scatter [tilespmem:s12], [sflag:$0x6], $0x80, $0x38;
	[tilespmem:$0x1E000] =	vst v63  }
0xa1: {  	s10 =	sadd.s32 $0x10598, s6;
	s11 =	sadd.s32 $0x30, s7  }
0xa2: {  	[hbm4b:s11+s3] =	stream.linear.scatter [tilespmem:s10], [sflag:$0x6], $0x80, $0x38;
	[tilespmem:$0x1E000] =	vst v63  }
0xa3: {  	s12 =	sadd.s32 $0x10620, s6;
	s16 =	sadd.s32 $0x40, s7  }
0xa4: {  	[hbm4b:s16+s3] =	stream.linear.scatter [tilespmem:s12], [sflag:$0x6], $0x80, $0x38;
	[tilespmem:$0x1E000] =	vst v63  }
0xa5: {  	s9 =	sadd.s32 $0x106A8, s6;
	s10 =	sadd.s32 $0x50, s7  }
0xa6: {  	[hbm4b:s10+s3] =	stream.linear.scatter [tilespmem:s9], [sflag:$0x6], $0x80, $0x38;
	[tilespmem:$0x1E000] =	vst v63  }
0xa7: {  	s11 =	sadd.s32 $0x10730, s6;
	s12 =	sadd.s32 $0x60, s7  }
0xa8: {  	[hbm4b:s12+s3] =	stream.linear.scatter [tilespmem:s11], [sflag:$0x6], $0x80, $0x38;
	[tilespmem:$0x1E000] =	vst v63  }
0xa9: {  	s8 =	sadd.s32 $0x70, s7;
	s16 =	sadd.s32 $0x107B8, s6;
	s6 =	simm.s32 @!p0 $0xA  }
0xaa: {  	[hbm4b:s8+s3] =	stream.linear.scatter [tilespmem:s16], [sflag:$0x6], $0x80, $0x38;
	[tilespmem:$0x1E000] =	vst v63  }
0xab: {  	s16 =	sadd.s32 $0x4, s17;
	_ =	swait.ge @!p0 [sflag:s6], $0x2000  }
0xac: {  	s9 =	sshll.u32 s16, $0x7;
	[sflag:s6] =	ssyncset.done @!p0 $0x0  }
0xad: {  	s10 =	sand.u32 $0x1FF80, s9;
	[sflag:s6] =	ssyncadd.s32 @!p0 $0xFFFFE000  }
0xae: {  	[tilespmem:s21], [sflag:$0x5] =	stream.indirect.gather [hbm4b:s5+s13], $0x40, s10, s13, $0xb8;
	[tilespmem:$0x1E000] =	vst v63  }
0xaf: {  	s6 =	sadd.s32 $0x1, s17;
	_ =	swait.ge [sflag:s22], $0x2000  }
0xb0: {  	s11 =	sshll.u32 s6, $0x6;
	[sflag:s22] =	ssyncset.done $0x0  }
0xb1: {  	s7 =	sand.u32 $0x3FFFFFC0, s11;
	[sflag:s22] =	ssyncadd.s32 $0xFFFFE000  }
0xb2: {  	s12 =	simm.s32 $0x3;
	s11 =	simm.s32 $0x84F0;
	v9 =	vld [tilespmem:s7+$0x1AE00]  }
0xb3: {  	v4 =	vmov s12;
	v7 =	vld [tilespmem:s11+$0xFFFFFFD0]  }
0xb4: {  	v13 =	vand.u32 $0x7F, v4  }
0xb5: {  	v8 =	vadd.s32 v0, v13;
	s9 =	simm.s32 $0x0;
	v6 =	vld [tilespmem:s7+$0x1AE10]  }
0xb6: {  	s12 =	simm.s32 $0x2;
	v4 =	vmov s9;
	s10 =	simm.s32 $0x1;
	v10 =	vld [tilespmem:s11+$0xFFFFFF10]  }
0xb7: {  	v14 =	vmov s12;
	v12 =	vand.u32 $0x7C, v4;
	v4 =	vmov s10;
	v11 =	vld [tilespmem:s11+$0xFFFFFF50]  }
0xb8: {  	v15 =	vadd.s32 v0, v12;
	v19 =	vand.u32 $0x7D, v4;
	v16 =	vld [tilespmem:s11+$0xFFFFFF90];
	v7 =	vadd.f32 v7, v9  }
0xb9: {  	v20 =	vand.u32 $0x7E, v14;
	v17 =	vadd.s32 v0, v19;
	v5 =	vld [tilespmem:s7+$0x1AE20]  }
0xba: {  	v14 =	vadd.s32 v0, v20;
	v4 =	vld [tilespmem:s7+$0x1AE30];
	[tilespmem:v8+s23+$0x0] =	vst.idx.msk $0xffff, v7  }
0xbb: {  	v7 =	vadd.f32 v10, v9;
	v8 =	vld [tilespmem:s11+$0xFFFFFFE0]  }
0xbc: {  	v10 =	vadd.f32 v11, v9  }
0xbd: {  	v11 =	vadd.s32 v1, v13;
	[tilespmem:v15+s23+$0x0] =	vst.idx.msk $0xffff, v7;
	v7 =	vadd.f32 v16, v9  }
0xbe: {  	[tilespmem:v17+s23+$0x0] =	vst.idx.msk $0xffff, v10;
	v15 =	vld [tilespmem:s11+$0xFFFFFF20]  }
0xbf: {  	v10 =	vld [tilespmem:s11+$0xFFFFFF60];
	[tilespmem:v14+s23+$0x0] =	vst.idx.msk $0xffff, v7  }
0xc0: {  	v14 =	vld [tilespmem:s11+$0xFFFFFFA0];
	v7 =	vadd.f32 v8, v6  }
0xc1: {  	s12 =	simm.s32 $0x7;
	s7 =	simm.s32 $0x85F0;
	v16 =	vadd.s32 v1, v19  }
0xc2: {  	v26 =	vadd.s32 v2, v13;
	s10 =	simm.s32 $0x4;
	v18 =	vld [tilespmem:s7+$0xFFFFFFD0];
	v17 =	vadd.s32 v1, v20;
	[tilespmem:v11+s23+$0x0] =	vst.idx.msk $0xffff, v7;
	v7 =	vmov s12  }
0xc3: {  	v21 =	vadd.s32 v1, v12;
	v8 =	vmov s10;
	v7 =	vand.u32 $0x7F, v7;
	v22 =	vld [tilespmem:s11+$0xFFFFFFF0]  }
0xc4: {  	v23 =	vld [tilespmem:s7+$0xFFFFFF10];
	s10 =	simm.s32 $0x5;
	v8 =	vand.u32 $0x7C, v8;
	v10 =	vadd.f32 v10, v6;
	v24 =	vadd.s32 v0, v7  }
0xc5: {  	v25 =	vld [tilespmem:s7+$0xFFFFFF50];
	v15 =	vadd.f32 v15, v6;
	s12 =	simm.s32 $0x6;
	v11 =	vadd.f32 v14, v6;
	v14 =	vmov s10  }
0xc6: {  	v27 =	vadd.s32 v0, v8;
	[tilespmem:v16+s23+$0x0] =	vst.idx.msk $0xffff, v10;
	v16 =	vmov s12;
	v10 =	vand.u32 $0x7D, v14;
	v14 =	vld [tilespmem:s7+$0xFFFFFF90]  }
0xc7: {  	[tilespmem:v17+s23+$0x0] =	vst.idx.msk $0xffff, v11;
	v17 =	vadd.s32 v0, v10;
	v11 =	vand.u32 $0x7E, v16;
	v16 =	vadd.f32 v18, v9;
	v18 =	vld [tilespmem:s11+$0xFFFFFF70]  }
0xc8: {  	[tilespmem:v21+s23+$0x0] =	vst.idx.msk $0xffff, v15;
	v15 =	vadd.s32 v0, v11;
	v21 =	vld [tilespmem:s11+$0xFFFFFFB0];
	v22 =	vadd.f32 v22, v5  }
0xc9: {  	v23 =	vadd.f32 v23, v9;
	[tilespmem:v24+s23+$0x0] =	vst.idx.msk $0xffff, v16;
	v16 =	vld [tilespmem:s11+$0xFFFFFF30];
	v24 =	vadd.s32 v2, v19  }
0xca: {  	v29 =	vadd.s32 v2, v20;
	v25 =	vadd.f32 v25, v9;
	v28 =	vld [tilespmem:s7+$0xFFFFFFE0];
	[tilespmem:v26+s23+$0x0] =	vst.idx.msk $0xffff, v22  }
0xcb: {  	[tilespmem:v27+s23+$0x0] =	vst.idx.msk $0xffff, v23;
	v23 =	vadd.s32 v2, v12;
	v14 =	vadd.f32 v14, v9;
	v26 =	vld [tilespmem:s11+$0x0]  }
0xcc: {  	v27 =	vld [tilespmem:s7+$0xFFFFFF20];
	[tilespmem:v17+s23+$0x0] =	vst.idx.msk $0xffff, v25;
	v25 =	vadd.s32 v1, v7;
	v18 =	vadd.f32 v18, v5  }
0xcd: {  	v31 =	vadd.s32 v3, v13;
	v30 =	vld [tilespmem:s7+$0xFFFFFF60];
	[tilespmem:v15+s23+$0x0] =	vst.idx.msk $0xffff, v14;
	v14 =	vadd.f32 v21, v5  }
0xce: {  	v22 =	vadd.s32 v1, v8;
	v17 =	vld [tilespmem:s7+$0xFFFFFFA0];
	v13 =	vadd.f32 v16, v5;
	[tilespmem:v24+s23+$0x0] =	vst.idx.msk $0xffff, v18  }
0xcf: {  	s9 =	simm.s32 $0x8;
	v21 =	vadd.s32 v1, v10;
	[tilespmem:v29+s23+$0x0] =	vst.idx.msk $0xffff, v14;
	v18 =	vadd.f32 v28, v6;
	v16 =	vld [tilespmem:s11+$0xFFFFFF80]  }
0xd0: {  	v24 =	vmov s9;
	v14 =	vadd.s32 v1, v11;
	v15 =	vld [tilespmem:s11+$0xFFFFFFC0];
	[tilespmem:v23+s23+$0x0] =	vst.idx.msk $0xffff, v13;
	v63 =	vadd.f32 v26, v4  }
0xd1: {  	s8 =	simm.s32 $0x86F0;
	s10 =	simm.s32 $0xB;
	v19 =	vadd.s32 v3, v19;
	v13 =	vand.u32 $0x7C, v24;
	v24 =	vadd.f32 v27, v6;
	[tilespmem:v25+s23+$0x0] =	vst.idx.msk $0xffff, v18;
	v18 =	vld [tilespmem:s11+$0xFFFFFF40]  }
0xd2: {  	v20 =	vadd.s32 v3, v20;
	v26 =	vmov s10;
	v23 =	vld [tilespmem:s8+$0xFFFFFFD0];
	s11 =	simm.s32 $0xC;
	v25 =	vadd.f32 v30, v6;
	[tilespmem:v31+s23+$0x0] =	vst.idx.msk $0xffff, v63  }
.LBB2_7:
0xd3: {  	p0 =	slt.u32 s11, $0x7C;
	s10 =	sadd.s32 $0x1, s9;
	v26 =	vand.u32 $0x7F, v26;
	[tilespmem:v22+s23+$0x0] =	vst.idx.msk $0xffff, v24;
	v17 =	vadd.f32 v17, v6;
	v22 =	vld [tilespmem:s7+$0xFFFFFFF0];
	v24 =	vadd.s32 v3, v12  }
0xd4: {  	v30 =	vmovc v11;
	v27 =	vld [tilespmem:s8+$0xFFFFFF10];
	v28 =	vmov s10;
	s10 =	sadd.s32 $0x2, s9;
	v29 =	vadd.s32 v0, v26;
	[tilespmem:v21+s23+$0x0] =	vst.idx.msk $0xffff, v25;
	v16 =	vadd.f32 v16, v4;
	s9 =	smov.u32 s11  }
0xd5: {  	v12 =	vmovc v8;
	v21 =	vld [tilespmem:s8+$0xFFFFFF50];
	v11 =	vmov s10;
	[tilespmem:v14+s23+$0x0] =	vst.idx.msk $0xffff, v17;
	v14 =	vadd.s32 v2, v7;
	v15 =	vadd.f32 v15, v4  }
0xd6: {  	v17 =	vadd.s32 v0, v13;
	v28 =	vand.u32 $0x7D, v28;
	v25 =	vld [tilespmem:s8+$0xFFFFFF90];
	v31 =	vadd.f32 v18, v4;
	[tilespmem:v19+s23+$0x0] =	vst.idx.msk $0xffff, v16  }
0xd7: {  	v16 =	vadd.s32 v0, v28;
	v11 =	vand.u32 $0x7E, v11;
	v18 =	vadd.f32 v23, v9;
	v19 =	vld [tilespmem:s7+$0xFFFFFF70];
	[tilespmem:v20+s23+$0x0] =	vst.idx.msk $0xffff, v15  }
0xd8: {  	v8 =	vmov v13;
	v15 =	vadd.s32 v0, v11;
	v20 =	vld [tilespmem:s7+$0xFFFFFFB0];
	v22 =	vadd.f32 v22, v5;
	[tilespmem:v24+s23+$0x0] =	vst.idx.msk $0xffff, v31  }
0xd9: {  	v23 =	vadd.s32 v2, v10;
	v13 =	vadd.f32 v27, v9;
	[tilespmem:v29+s23+$0x0] =	vst.idx.msk $0xffff, v18;
	v18 =	vld [tilespmem:s7+$0xFFFFFF30]  }
0xda: {  	v27 =	vadd.s32 v2, v30;
	v21 =	vadd.f32 v21, v9;
	v24 =	vld [tilespmem:s8+$0xFFFFFFE0];
	[tilespmem:v14+s23+$0x0] =	vst.idx.msk $0xffff, v22  }
0xdb: {  	[tilespmem:v17+s23+$0x0] =	vst.idx.msk $0xffff, v13;
	v13 =	vadd.f32 v25, v9;
	v25 =	vadd.s32 v2, v12;
	v29 =	vld [tilespmem:s7+$0x0]  }
0xdc: {  	v32 =	vadd.s32 v1, v26;
	v31 =	vld [tilespmem:s8+$0xFFFFFF20];
	[tilespmem:v16+s23+$0x0] =	vst.idx.msk $0xffff, v21;
	v14 =	vadd.f32 v19, v5  }
0xdd: {  	v34 =	vadd.s32 v3, v7;
	v7 =	vmov v26;
	v33 =	vld [tilespmem:s8+$0xFFFFFF60];
	[tilespmem:v15+s23+$0x0] =	vst.idx.msk $0xffff, v13;
	v13 =	vadd.f32 v20, v5  }
.Ltmp2:
0xde: {  	v22 =	vadd.s32 v1, v8;
	v17 =	vld [tilespmem:s8+$0xFFFFFFA0];
	v15 =	vadd.f32 v18, v5;
	[tilespmem:v23+s23+$0x0] =	vst.idx.msk $0xffff, v14;
	(pc) =	sbr.rel @p0 .LBB2_7-.Ltmp2, $4  }
0xdf: {  	v21 =	vadd.s32 v1, v28;
	v18 =	vadd.f32 v24, v6;
	v16 =	vld [tilespmem:s7+$0xFFFFFF80];
	[tilespmem:v27+s23+$0x0] =	vst.idx.msk $0xffff, v13  }
0xe0: {  	v14 =	vadd.s32 v1, v11;
	v13 =	vmov s11;
	[tilespmem:v25+s23+$0x0] =	vst.idx.msk $0xffff, v15;
	v15 =	vld [tilespmem:s7+$0xFFFFFFC0];
	v27 =	vadd.f32 v29, v4  }
0xe1: {  	s10 =	sadd.s32 $0x3, s11;
	v19 =	vadd.s32 v3, v10;
	v13 =	vand.u32 $0x7C, v13;
	v24 =	vadd.f32 v31, v6;
	[tilespmem:v32+s23+$0x0] =	vst.idx.msk $0xffff, v18;
	v18 =	vld [tilespmem:s7+$0xFFFFFF40];
	s7 =	smov.u32 s8;
	s8 =	sadd.s32 $0x100, s8  }
0xe2: {  	v26 =	vmov s10;
	v10 =	vmovc v28;
	v20 =	vadd.s32 v3, v30;
	s11 =	sadd.s32 $0x4, s11;
	v23 =	vld [tilespmem:s8+$0xFFFFFFD0];
	v25 =	vadd.f32 v33, v6;
	[tilespmem:v34+s23+$0x0] =	vst.idx.msk $0xffff, v27  }
0xe3: {  	s10 =	sadd.s32 $0x1, s9  }
0xe4: {  	v26 =	vand.u32 $0x7F, v26;
	s12 =	sadd.s32 $0x2, s9;
	v28 =	vld [tilespmem:s8+$0xFFFFFF50];
	v27 =	vmov s10  }
0xe5: {  	v31 =	vld [tilespmem:s8+$0xFFFFFF90];
	v29 =	vadd.s32 v0, v26;
	v30 =	vmov s12;
	v27 =	vand.u32 $0x7D, v27  }
0xe6: {  	v32 =	vld [tilespmem:s8+$0xFFFFFF10];
	v30 =	vand.u32 $0x7E, v30;
	v33 =	vadd.s32 v0, v27  }
0xe7: {  	v34 =	vadd.s32 v0, v30  }
0xe8: {  	[tilespmem:v22+s23+$0x0] =	vst.idx.msk $0xffff, v24;
	v44 =	vadd.s32 v0, v13;
	v23 =	vadd.f32 v23, v9  }
0xe9: {  	[tilespmem:v21+s23+$0x0] =	vst.idx.msk $0xffff, v25;
	v45 =	vadd.f32 v28, v9  }
0xea: {  	v46 =	vadd.f32 v31, v9;
	[tilespmem:v29+s23+$0x0] =	vst.idx.msk $0xffff, v23  }
0xeb: {  	v47 =	vadd.f32 v32, v9;
	v48 =	vld [tilespmem:s8+$0xFFFFFFE0];
	[tilespmem:v33+s23+$0x0] =	vst.idx.msk $0xffff, v45  }
0xec: {  	v17 =	vadd.f32 v17, v6;
	v12 =	vadd.s32 v3, v12;
	[tilespmem:v34+s23+$0x0] =	vst.idx.msk $0xffff, v46;
	v21 =	vld [tilespmem:s8+$0xFFFFFF60]  }
0xed: {  	v16 =	vadd.f32 v16, v4;
	v49 =	vadd.s32 v1, v26;
	[tilespmem:v44+s23+$0x0] =	vst.idx.msk $0xffff, v47;
	v50 =	vld [tilespmem:s8+$0xFFFFFFA0]  }
0xee: {  	[tilespmem:v14+s23+$0x0] =	vst.idx.msk $0xffff, v17;
	v51 =	vadd.f32 v15, v4;
	v53 =	vadd.s32 v1, v27;
	v52 =	vld [tilespmem:s8+$0xFFFFFF20]  }
0xef: {  	v54 =	vld [tilespmem:s7+$0xFFFFFFF0];
	v18 =	vadd.f32 v18, v4;
	[tilespmem:v19+s23+$0x0] =	vst.idx.msk $0xffff, v16;
	v55 =	vadd.s32 v1, v30  }
0xf0: {  	v57 =	vadd.s32 v1, v13;
	v60 =	vld [tilespmem:s7+$0xFFFFFFB0];
	[tilespmem:v20+s23+$0x0] =	vst.idx.msk $0xffff, v51;
	v58 =	vadd.f32 v48, v6  }
0xf1: {  	v59 =	vadd.s32 v2, v7;
	v56 =	vld [tilespmem:s7+$0xFFFFFF70];
	[tilespmem:v12+s23+$0x0] =	vst.idx.msk $0xffff, v18;
	v61 =	vadd.f32 v21, v6  }
0xf2: {  	v62 =	vld [tilespmem:s7+$0xFFFFFF30];
	v29 =	vadd.s32 v2, v11;
	[tilespmem:v49+s23+$0x0] =	vst.idx.msk $0xffff, v58;
	v28 =	vadd.f32 v50, v6  }
0xf3: {  	v63 =	vadd.s32 v2, v10;
	v31 =	vadd.f32 v52, v6;
	v32 =	vld [tilespmem:s8+$0xFFFFFFF0];
	[tilespmem:v53+s23+$0x0] =	vst.idx.msk $0xffff, v61  }
0xf4: {  	v33 =	vadd.f32 v54, v5;
	v34 =	vadd.s32 v2, v8;
	[tilespmem:v55+s23+$0x0] =	vst.idx.msk $0xffff, v28;
	v35 =	vld [tilespmem:s8+$0xFFFFFF70]  }
0xf5: {  	v37 =	vadd.s32 v2, v26;
	v39 =	vadd.f32 v60, v5;
	[tilespmem:v57+s23+$0x0] =	vst.idx.msk $0xffff, v31;
	v38 =	vld [tilespmem:s8+$0xFFFFFFB0]  }
0xf6: {  	v41 =	vadd.s32 v2, v27;
	v36 =	vadd.f32 v56, v5;
	[tilespmem:v59+s23+$0x0] =	vst.idx.msk $0xffff, v33;
	v40 =	vld [tilespmem:s8+$0xFFFFFF30]  }
0xf7: {  	v43 =	vadd.s32 v2, v30;
	v18 =	vadd.f32 v62, v5;
	v42 =	vld [tilespmem:s7+$0x0];
	[tilespmem:v29+s23+$0x0] =	vst.idx.msk $0xffff, v39  }
0xf8: {  	v45 =	vadd.s32 v2, v13;
	[tilespmem:v63+s23+$0x0] =	vst.idx.msk $0xffff, v36;
	v47 =	vld [tilespmem:s7+$0xFFFFFFC0];
	v44 =	vadd.f32 v32, v5  }
0xf9: {  	v46 =	vadd.s32 v3, v7;
	[tilespmem:v34+s23+$0x0] =	vst.idx.msk $0xffff, v18;
	v21 =	vld [tilespmem:s7+$0xFFFFFF80];
	v9 =	vadd.f32 v35, v5  }
0xfa: {  	v18 =	vld [tilespmem:s7+$0xFFFFFF40];
	v50 =	vadd.s32 v3, v11;
	[tilespmem:v37+s23+$0x0] =	vst.idx.msk $0xffff, v44;
	v49 =	vadd.f32 v38, v5  }
0xfb: {  	v48 =	vadd.s32 v3, v10;
	v5 =	vadd.f32 v40, v5;
	v12 =	vld [tilespmem:s8+$0x0];
	[tilespmem:v41+s23+$0x0] =	vst.idx.msk $0xffff, v9  }
0xfc: {  	v52 =	vadd.s32 v3, v8;
	v51 =	vadd.f32 v42, v4;
	[tilespmem:v43+s23+$0x0] =	vst.idx.msk $0xffff, v49;
	v53 =	vld [tilespmem:s8+$0xFFFFFF80]  }
0xfd: {  	v55 =	vadd.s32 v3, v26;
	v56 =	vadd.f32 v47, v4;
	[tilespmem:v45+s23+$0x0] =	vst.idx.msk $0xffff, v5;
	v5 =	vld [tilespmem:s8+$0xFFFFFFC0]  }
0xfe: {  	v58 =	vadd.s32 v3, v27;
	[tilespmem:v46+s23+$0x0] =	vst.idx.msk $0xffff, v51;
	v54 =	vadd.f32 v21, v4;
	v57 =	vld [tilespmem:s8+$0xFFFFFF40]  }
0xff: {  	v60 =	vadd.s32 v3, v30;
	v59 =	vadd.f32 v18, v4;
	[tilespmem:v50+s23+$0x0] =	vst.idx.msk $0xffff, v56  }
0x100: {  	v62 =	vadd.s32 v3, v13;
	[tilespmem:v48+s23+$0x0] =	vst.idx.msk $0xffff, v54;
	v61 =	vadd.f32 v12, v4  }
0x101: {  	[tilespmem:v52+s23+$0x0] =	vst.idx.msk $0xffff, v59;
	v63 =	vadd.f32 v53, v4  }
0x102: {  	s6 =	sshll.u32 s6, $0x12;
	[tilespmem:v55+s23+$0x0] =	vst.idx.msk $0xffff, v61;
	v5 =	vadd.f32 v5, v4  }
0x103: {  	s6 =	sor.u32 s4, s6;
	v4 =	vadd.f32 v57, v4;
	[tilespmem:v58+s23+$0x0] =	vst.idx.msk $0xffff, v63  }
0x104: {  	s6 =	sshrl.u32 s6, $0x3;
	[tilespmem:v60+s23+$0x0] =	vst.idx.msk $0xffff, v5  }
0x105: {  	s7 =	sadd.s32 s1, s6;
	s8 =	simm.s32 $0x12600;
	[tilespmem:v62+s23+$0x0] =	vst.idx.msk $0xffff, v4  }
0x106: {  	[hbm4b:s7+s3] =	stream.linear.scatter [tilespmem:s8], [sflag:$0x7], $0x80, $0x38;
	[tilespmem:$0x1E000] =	vst v63  }
0x107: {  	s9 =	simm.s32 $0x12688;
	s10 =	sadd.s32 $0x10, s7  }
0x108: {  	[hbm4b:s10+s3] =	stream.linear.scatter [tilespmem:s9], [sflag:$0x7], $0x80, $0x38;
	[tilespmem:$0x1E000] =	vst v63  }
0x109: {  	s11 =	simm.s32 $0x12710;
	s12 =	sadd.s32 $0x20, s7  }
0x10a: {  	[hbm4b:s12+s3] =	stream.linear.scatter [tilespmem:s11], [sflag:$0x7], $0x80, $0x38;
	[tilespmem:$0x1E000] =	vst v63  }
0x10b: {  	s9 =	simm.s32 $0x12798;
	s10 =	sadd.s32 $0x30, s7  }
0x10c: {  	[hbm4b:s10+s3] =	stream.linear.scatter [tilespmem:s9], [sflag:$0x7], $0x80, $0x38;
	[tilespmem:$0x1E000] =	vst v63  }
0x10d: {  	s11 =	simm.s32 $0x12820;
	s12 =	sadd.s32 $0x40, s7  }
0x10e: {  	[hbm4b:s12+s3] =	stream.linear.scatter [tilespmem:s11], [sflag:$0x7], $0x80, $0x38;
	[tilespmem:$0x1E000] =	vst v63  }
0x10f: {  	s6 =	simm.s32 $0x440;
	s9 =	simm.s32 $0x128A8;
	s10 =	sadd.s32 $0x50, s7  }
0x110: {  	[hbm4b:s10+s3] =	stream.linear.scatter [tilespmem:s9], [sflag:$0x7], $0x80, $0x38;
	[tilespmem:$0x1E000] =	vst v63  }
0x111: {  	s8 =	simm.s32 $0x2200;
	s11 =	simm.s32 $0x12930;
	s12 =	sadd.s32 $0x60, s7  }
0x112: {  	[hbm4b:s12+s3] =	stream.linear.scatter [tilespmem:s11], [sflag:$0x7], $0x80, $0x38;
	[tilespmem:$0x1E000] =	vst v63  }
0x113: {  	s9 =	simm.s32 $0x129B8;
	s11 =	sadd.s32 $0x70, s7;
	s7 =	sadd.s32 $0x1000, s7  }
.LBB2_9:
0x114: {  	[hbm4b:s11+s3] =	stream.linear.scatter [tilespmem:s9], [sflag:$0x7], $0x80, $0x38;
	[tilespmem:$0x1E000] =	vst v63  }
0x115: {  	s9 =	smov.u32 s6;
	s6 =	smov.u32 s8  }
0x116: {  	s10 =	sadd.s32 $0x1100, s8;
	s6 =	sshra.s32 s6, $0x2;
	s11 =	sadd.s32 $0x12600, s9  }
0x117: {  	[hbm4b:s7+s3] =	stream.linear.scatter [tilespmem:s11], [sflag:$0x7], $0x80, $0x38;
	[tilespmem:$0x1E000] =	vst v63  }
0x118: {  	p0 =	sne.s32 s8, $0x7700;
	s8 =	sadd.s32 $0x12688, s9;
	s11 =	sadd.s32 $0x10, s7  }
0x119: {  	[hbm4b:s11+s3] =	stream.linear.scatter [tilespmem:s8], [sflag:$0x7], $0x80, $0x38;
	[tilespmem:$0x1E000] =	vst v63  }
0x11a: {  	s8 =	sadd.s32 $0x12710, s9;
	s11 =	sadd.s32 $0x20, s7  }
0x11b: {  	[hbm4b:s11+s3] =	stream.linear.scatter [tilespmem:s8], [sflag:$0x7], $0x80, $0x38;
	[tilespmem:$0x1E000] =	vst v63  }
0x11c: {  	s8 =	sadd.s32 $0x12798, s9;
	s11 =	sadd.s32 $0x30, s7  }
0x11d: {  	[hbm4b:s11+s3] =	stream.linear.scatter [tilespmem:s8], [sflag:$0x7], $0x80, $0x38;
	[tilespmem:$0x1E000] =	vst v63  }
0x11e: {  	s8 =	sadd.s32 $0x12820, s9;
	s11 =	sadd.s32 $0x40, s7  }
0x11f: {  	[hbm4b:s11+s3] =	stream.linear.scatter [tilespmem:s8], [sflag:$0x7], $0x80, $0x38;
	[tilespmem:$0x1E000] =	vst v63  }
.Ltmp3:
0x120: {  	s8 =	sadd.s32 $0x128A8, s9;
	s11 =	sadd.s32 $0x50, s7;
	(pc) =	sbr.rel @p0 .LBB2_9-.Ltmp3, $4  }
0x121: {  	[hbm4b:s11+s3] =	stream.linear.scatter [tilespmem:s8], [sflag:$0x7], $0x80, $0x38;
	[tilespmem:$0x1E000] =	vst v63  }
0x122: {  	s8 =	sadd.s32 $0x12930, s9;
	s11 =	sadd.s32 $0x60, s7;
	s9 =	sadd.s32 $0x129B8, s9  }
0x123: {  	[hbm4b:s11+s3] =	stream.linear.scatter [tilespmem:s8], [sflag:$0x7], $0x80, $0x38;
	[tilespmem:$0x1E000] =	vst v63  }
0x124: {  	s11 =	sadd.s32 $0x70, s7;
	s7 =	sadd.s32 $0x1000, s7;
	s8 =	smov.u32 s10  }
0x125: {  	[hbm4b:s11+s3] =	stream.linear.scatter [tilespmem:s9], [sflag:$0x7], $0x80, $0x38;
	[tilespmem:$0x1E000] =	vst v63  }
0x126: {  	s8 =	sadd.s32 $0x12600, s6  }
0x127: {  	[hbm4b:s7+s3] =	stream.linear.scatter [tilespmem:s8], [sflag:$0x7], $0x80, $0x38;
	[tilespmem:$0x1E000] =	vst v63  }
0x128: {  	s9 =	sadd.s32 $0x12688, s6;
	s10 =	sadd.s32 $0x10, s7  }
0x129: {  	[hbm4b:s10+s3] =	stream.linear.scatter [tilespmem:s9], [sflag:$0x7], $0x80, $0x38;
	[tilespmem:$0x1E000] =	vst v63  }
0x12a: {  	s11 =	sadd.s32 $0x12710, s6;
	s12 =	sadd.s32 $0x20, s7  }
0x12b: {  	[hbm4b:s12+s3] =	stream.linear.scatter [tilespmem:s11], [sflag:$0x7], $0x80, $0x38;
	[tilespmem:$0x1E000] =	vst v63  }
0x12c: {  	s9 =	sadd.s32 $0x12798, s6;
	s10 =	sadd.s32 $0x30, s7  }
0x12d: {  	[hbm4b:s10+s3] =	stream.linear.scatter [tilespmem:s9], [sflag:$0x7], $0x80, $0x38;
	[tilespmem:$0x1E000] =	vst v63  }
0x12e: {  	s11 =	sadd.s32 $0x12820, s6;
	s12 =	sadd.s32 $0x40, s7  }
0x12f: {  	[hbm4b:s12+s3] =	stream.linear.scatter [tilespmem:s11], [sflag:$0x7], $0x80, $0x38;
	[tilespmem:$0x1E000] =	vst v63  }
0x130: {  	s9 =	sadd.s32 $0x128A8, s6;
	s10 =	sadd.s32 $0x50, s7  }
0x131: {  	[hbm4b:s10+s3] =	stream.linear.scatter [tilespmem:s9], [sflag:$0x7], $0x80, $0x38;
	[tilespmem:$0x1E000] =	vst v63  }
0x132: {  	s11 =	sadd.s32 $0x12930, s6;
	s12 =	sadd.s32 $0x60, s7  }
0x133: {  	[hbm4b:s12+s3] =	stream.linear.scatter [tilespmem:s11], [sflag:$0x7], $0x80, $0x38;
	[tilespmem:$0x1E000] =	vst v63  }
0x134: {  	p0 =	seq.s32 s14, $0x27;
	s9 =	sadd.s32 $0x129B8, s6;
	s10 =	sadd.s32 $0x70, s7  }
0x135: {  	[hbm4b:s10+s3] =	stream.linear.scatter [tilespmem:s9], [sflag:$0x7], $0x80, $0x38;
	[tilespmem:$0x1E000] =	vst v63  }
0x136: {  	s6 =	sshll.u32 @!p0 s17, $0x7;
	_ =	swait.ge [sflag:s24], $0x2000  }
0x137: {  	s8 =	simm.s32 @!p0 $0x80;
	s7 =	sadd.s32 @!p0 $0x280, s6;
	[sflag:s24] =	ssyncset.done $0x0  }
0x138: {  	s7 =	sand.u32 @!p0 $0x1FF80, s7;
	s9 =	simm.s32 @!p0 $0x6400;
	[sflag:s24] =	ssyncadd.s32 $0xFFFFE000  }
0x139: {  	[tilespmem:s9], [sflag:$0x1] =	stream.indirect.gather @!p0 [hbm4b:s5+s8], $0x40, s7, s8, $0xb8;
	[tilespmem:$0x1E000] =	vst v63  }
0x13a: {  	s17 =	sadd.s32 $0x2, s17;
	_ =	swait.ge [sflag:s25], $0x2000  }
0x13b: {  	s11 =	sshll.u32 s17, $0x6;
	[sflag:s25] =	ssyncset.done $0x0  }
0x13c: {  	s7 =	sand.u32 $0x3FFFFFC0, s11;
	[sflag:s25] =	ssyncadd.s32 $0xFFFFE000  }
0x13d: {  	s12 =	simm.s32 $0x3;
	s11 =	simm.s32 $0xA4F0;
	v9 =	vld [tilespmem:s7+$0x1AE00]  }
0x13e: {  	v4 =	vmov s12;
	v7 =	vld [tilespmem:s11+$0xFFFFFFD0]  }
0x13f: {  	v13 =	vand.u32 $0x7F, v4  }
0x140: {  	v8 =	vadd.s32 v0, v13;
	s9 =	simm.s32 $0x0;
	v6 =	vld [tilespmem:s7+$0x1AE10]  }
0x141: {  	s12 =	simm.s32 $0x2;
	s10 =	simm.s32 $0x1;
	v4 =	vmov s9;
	v10 =	vld [tilespmem:s11+$0xFFFFFF10]  }
0x142: {  	v14 =	vmov s12;
	v12 =	vand.u32 $0x7C, v4;
	v4 =	vmov s10;
	v11 =	vld [tilespmem:s11+$0xFFFFFF50]  }
0x143: {  	v15 =	vadd.s32 v0, v12;
	v19 =	vand.u32 $0x7D, v4;
	v16 =	vld [tilespmem:s11+$0xFFFFFF90];
	v7 =	vadd.f32 v7, v9  }
0x144: {  	v20 =	vand.u32 $0x7E, v14;
	v5 =	vld [tilespmem:s7+$0x1AE20];
	v17 =	vadd.s32 v0, v19  }
0x145: {  	v14 =	vadd.s32 v0, v20;
	v4 =	vld [tilespmem:s7+$0x1AE30];
	[tilespmem:v8+s26+$0x0] =	vst.idx.msk $0xffff, v7  }
0x146: {  	v7 =	vadd.f32 v10, v9;
	v8 =	vld [tilespmem:s11+$0xFFFFFFE0]  }
0x147: {  	v10 =	vadd.f32 v11, v9  }
0x148: {  	v11 =	vadd.s32 v1, v13;
	[tilespmem:v15+s26+$0x0] =	vst.idx.msk $0xffff, v7;
	v7 =	vadd.f32 v16, v9  }
0x149: {  	[tilespmem:v17+s26+$0x0] =	vst.idx.msk $0xffff, v10;
	v15 =	vld [tilespmem:s11+$0xFFFFFF20]  }
0x14a: {  	v10 =	vld [tilespmem:s11+$0xFFFFFF60];
	[tilespmem:v14+s26+$0x0] =	vst.idx.msk $0xffff, v7  }
0x14b: {  	v14 =	vld [tilespmem:s11+$0xFFFFFFA0];
	v7 =	vadd.f32 v8, v6  }
0x14c: {  	s12 =	simm.s32 $0x7;
	s7 =	simm.s32 $0xA5F0;
	v16 =	vadd.s32 v1, v19  }
0x14d: {  	v26 =	vadd.s32 v2, v13;
	s10 =	simm.s32 $0x4;
	v18 =	vld [tilespmem:s7+$0xFFFFFFD0];
	v17 =	vadd.s32 v1, v20;
	[tilespmem:v11+s26+$0x0] =	vst.idx.msk $0xffff, v7;
	v7 =	vmov s12  }
0x14e: {  	v21 =	vadd.s32 v1, v12;
	v8 =	vmov s10;
	v7 =	vand.u32 $0x7F, v7;
	v22 =	vld [tilespmem:s11+$0xFFFFFFF0]  }
0x14f: {  	v23 =	vld [tilespmem:s7+$0xFFFFFF10];
	s10 =	simm.s32 $0x5;
	v8 =	vand.u32 $0x7C, v8;
	v10 =	vadd.f32 v10, v6;
	v24 =	vadd.s32 v0, v7  }
0x150: {  	v25 =	vld [tilespmem:s7+$0xFFFFFF50];
	v15 =	vadd.f32 v15, v6;
	s12 =	simm.s32 $0x6;
	v11 =	vadd.f32 v14, v6;
	v14 =	vmov s10  }
0x151: {  	v27 =	vadd.s32 v0, v8;
	[tilespmem:v16+s26+$0x0] =	vst.idx.msk $0xffff, v10;
	v16 =	vmov s12;
	v10 =	vand.u32 $0x7D, v14;
	v14 =	vld [tilespmem:s7+$0xFFFFFF90]  }
0x152: {  	[tilespmem:v17+s26+$0x0] =	vst.idx.msk $0xffff, v11;
	v17 =	vadd.s32 v0, v10;
	v11 =	vand.u32 $0x7E, v16;
	v16 =	vadd.f32 v18, v9;
	v18 =	vld [tilespmem:s11+$0xFFFFFF70]  }
0x153: {  	[tilespmem:v21+s26+$0x0] =	vst.idx.msk $0xffff, v15;
	v15 =	vadd.s32 v0, v11;
	v21 =	vld [tilespmem:s11+$0xFFFFFFB0];
	v22 =	vadd.f32 v22, v5  }
0x154: {  	v23 =	vadd.f32 v23, v9;
	[tilespmem:v24+s26+$0x0] =	vst.idx.msk $0xffff, v16;
	v16 =	vld [tilespmem:s11+$0xFFFFFF30];
	v24 =	vadd.s32 v2, v19  }
0x155: {  	v29 =	vadd.s32 v2, v20;
	v25 =	vadd.f32 v25, v9;
	v28 =	vld [tilespmem:s7+$0xFFFFFFE0];
	[tilespmem:v26+s26+$0x0] =	vst.idx.msk $0xffff, v22  }
0x156: {  	[tilespmem:v27+s26+$0x0] =	vst.idx.msk $0xffff, v23;
	v23 =	vadd.s32 v2, v12;
	v14 =	vadd.f32 v14, v9;
	v26 =	vld [tilespmem:s11+$0x0]  }
0x157: {  	v27 =	vld [tilespmem:s7+$0xFFFFFF20];
	[tilespmem:v17+s26+$0x0] =	vst.idx.msk $0xffff, v25;
	v25 =	vadd.s32 v1, v7;
	v18 =	vadd.f32 v18, v5  }
0x158: {  	v31 =	vadd.s32 v3, v13;
	v30 =	vld [tilespmem:s7+$0xFFFFFF60];
	[tilespmem:v15+s26+$0x0] =	vst.idx.msk $0xffff, v14;
	v14 =	vadd.f32 v21, v5  }
0x159: {  	v22 =	vadd.s32 v1, v8;
	v17 =	vld [tilespmem:s7+$0xFFFFFFA0];
	v13 =	vadd.f32 v16, v5;
	[tilespmem:v24+s26+$0x0] =	vst.idx.msk $0xffff, v18  }
0x15a: {  	s9 =	simm.s32 $0x8;
	v21 =	vadd.s32 v1, v10;
	[tilespmem:v29+s26+$0x0] =	vst.idx.msk $0xffff, v14;
	v18 =	vadd.f32 v28, v6;
	v16 =	vld [tilespmem:s11+$0xFFFFFF80]  }
0x15b: {  	v24 =	vmov s9;
	v14 =	vadd.s32 v1, v11;
	v15 =	vld [tilespmem:s11+$0xFFFFFFC0];
	[tilespmem:v23+s26+$0x0] =	vst.idx.msk $0xffff, v13;
	v63 =	vadd.f32 v26, v4  }
0x15c: {  	s8 =	simm.s32 $0xA6F0;
	s10 =	simm.s32 $0xB;
	v19 =	vadd.s32 v3, v19;
	v13 =	vand.u32 $0x7C, v24;
	v24 =	vadd.f32 v27, v6;
	[tilespmem:v25+s26+$0x0] =	vst.idx.msk $0xffff, v18;
	v18 =	vld [tilespmem:s11+$0xFFFFFF40]  }
0x15d: {  	v20 =	vadd.s32 v3, v20;
	v26 =	vmov s10;
	v23 =	vld [tilespmem:s8+$0xFFFFFFD0];
	s11 =	simm.s32 $0xC;
	v25 =	vadd.f32 v30, v6;
	[tilespmem:v31+s26+$0x0] =	vst.idx.msk $0xffff, v63  }
.LBB2_11:
0x15e: {  	p1 =	slt.u32 s11, $0x7C;
	s10 =	sadd.s32 $0x1, s9;
	v26 =	vand.u32 $0x7F, v26;
	[tilespmem:v22+s26+$0x0] =	vst.idx.msk $0xffff, v24;
	v17 =	vadd.f32 v17, v6;
	v22 =	vld [tilespmem:s7+$0xFFFFFFF0];
	v24 =	vadd.s32 v3, v12  }
0x15f: {  	v30 =	vmovc v11;
	v27 =	vld [tilespmem:s8+$0xFFFFFF10];
	v28 =	vmov s10;
	s10 =	sadd.s32 $0x2, s9;
	v29 =	vadd.s32 v0, v26;
	[tilespmem:v21+s26+$0x0] =	vst.idx.msk $0xffff, v25;
	v16 =	vadd.f32 v16, v4;
	s9 =	smov.u32 s11  }
0x160: {  	v12 =	vmovc v8;
	v21 =	vld [tilespmem:s8+$0xFFFFFF50];
	v11 =	vmov s10;
	[tilespmem:v14+s26+$0x0] =	vst.idx.msk $0xffff, v17;
	v14 =	vadd.s32 v2, v7;
	v15 =	vadd.f32 v15, v4  }
0x161: {  	v17 =	vadd.s32 v0, v13;
	v28 =	vand.u32 $0x7D, v28;
	v25 =	vld [tilespmem:s8+$0xFFFFFF90];
	v31 =	vadd.f32 v18, v4;
	[tilespmem:v19+s26+$0x0] =	vst.idx.msk $0xffff, v16  }
0x162: {  	v16 =	vadd.s32 v0, v28;
	v11 =	vand.u32 $0x7E, v11;
	v18 =	vadd.f32 v23, v9;
	v19 =	vld [tilespmem:s7+$0xFFFFFF70];
	[tilespmem:v20+s26+$0x0] =	vst.idx.msk $0xffff, v15  }
0x163: {  	v8 =	vmov v13;
	v15 =	vadd.s32 v0, v11;
	v20 =	vld [tilespmem:s7+$0xFFFFFFB0];
	v22 =	vadd.f32 v22, v5;
	[tilespmem:v24+s26+$0x0] =	vst.idx.msk $0xffff, v31  }
0x164: {  	v23 =	vadd.s32 v2, v10;
	v13 =	vadd.f32 v27, v9;
	[tilespmem:v29+s26+$0x0] =	vst.idx.msk $0xffff, v18;
	v18 =	vld [tilespmem:s7+$0xFFFFFF30]  }
0x165: {  	v27 =	vadd.s32 v2, v30;
	v21 =	vadd.f32 v21, v9;
	v24 =	vld [tilespmem:s8+$0xFFFFFFE0];
	[tilespmem:v14+s26+$0x0] =	vst.idx.msk $0xffff, v22  }
0x166: {  	[tilespmem:v17+s26+$0x0] =	vst.idx.msk $0xffff, v13;
	v13 =	vadd.f32 v25, v9;
	v25 =	vadd.s32 v2, v12;
	v29 =	vld [tilespmem:s7+$0x0]  }
0x167: {  	v32 =	vadd.s32 v1, v26;
	v31 =	vld [tilespmem:s8+$0xFFFFFF20];
	[tilespmem:v16+s26+$0x0] =	vst.idx.msk $0xffff, v21;
	v14 =	vadd.f32 v19, v5  }
0x168: {  	v34 =	vadd.s32 v3, v7;
	v7 =	vmov v26;
	v33 =	vld [tilespmem:s8+$0xFFFFFF60];
	[tilespmem:v15+s26+$0x0] =	vst.idx.msk $0xffff, v13;
	v13 =	vadd.f32 v20, v5  }
.Ltmp4:
0x169: {  	v22 =	vadd.s32 v1, v8;
	v17 =	vld [tilespmem:s8+$0xFFFFFFA0];
	v15 =	vadd.f32 v18, v5;
	[tilespmem:v23+s26+$0x0] =	vst.idx.msk $0xffff, v14;
	(pc) =	sbr.rel @p1 .LBB2_11-.Ltmp4, $4  }
0x16a: {  	v21 =	vadd.s32 v1, v28;
	v18 =	vadd.f32 v24, v6;
	v16 =	vld [tilespmem:s7+$0xFFFFFF80];
	[tilespmem:v27+s26+$0x0] =	vst.idx.msk $0xffff, v13  }
0x16b: {  	v14 =	vadd.s32 v1, v11;
	v13 =	vmov s11;
	[tilespmem:v25+s26+$0x0] =	vst.idx.msk $0xffff, v15;
	v15 =	vld [tilespmem:s7+$0xFFFFFFC0];
	v27 =	vadd.f32 v29, v4  }
0x16c: {  	s10 =	sadd.s32 $0x3, s11;
	v19 =	vadd.s32 v3, v10;
	v13 =	vand.u32 $0x7C, v13;
	v24 =	vadd.f32 v31, v6;
	[tilespmem:v32+s26+$0x0] =	vst.idx.msk $0xffff, v18;
	v18 =	vld [tilespmem:s7+$0xFFFFFF40];
	s7 =	smov.u32 s8;
	s8 =	sadd.s32 $0x100, s8  }
0x16d: {  	v26 =	vmov s10;
	v10 =	vmovc v28;
	v20 =	vadd.s32 v3, v30;
	s11 =	sadd.s32 $0x4, s11;
	v23 =	vld [tilespmem:s8+$0xFFFFFFD0];
	v25 =	vadd.f32 v33, v6;
	[tilespmem:v34+s26+$0x0] =	vst.idx.msk $0xffff, v27  }
0x16e: {  	s10 =	sadd.s32 $0x1, s9  }
0x16f: {  	v26 =	vand.u32 $0x7F, v26;
	s12 =	sadd.s32 $0x2, s9;
	v28 =	vld [tilespmem:s8+$0xFFFFFF50];
	v27 =	vmov s10  }
0x170: {  	v31 =	vld [tilespmem:s8+$0xFFFFFF90];
	v29 =	vadd.s32 v0, v26;
	v30 =	vmov s12;
	v27 =	vand.u32 $0x7D, v27  }
0x171: {  	v32 =	vld [tilespmem:s8+$0xFFFFFF10];
	v30 =	vand.u32 $0x7E, v30;
	v33 =	vadd.s32 v0, v27  }
0x172: {  	v34 =	vadd.s32 v0, v30  }
0x173: {  	[tilespmem:v22+s26+$0x0] =	vst.idx.msk $0xffff, v24;
	v44 =	vadd.s32 v0, v13;
	v23 =	vadd.f32 v23, v9  }
0x174: {  	[tilespmem:v21+s26+$0x0] =	vst.idx.msk $0xffff, v25;
	v45 =	vadd.f32 v28, v9  }
0x175: {  	v46 =	vadd.f32 v31, v9;
	[tilespmem:v29+s26+$0x0] =	vst.idx.msk $0xffff, v23  }
0x176: {  	v47 =	vadd.f32 v32, v9;
	v48 =	vld [tilespmem:s8+$0xFFFFFFE0];
	[tilespmem:v33+s26+$0x0] =	vst.idx.msk $0xffff, v45  }
0x177: {  	v17 =	vadd.f32 v17, v6;
	v12 =	vadd.s32 v3, v12;
	[tilespmem:v34+s26+$0x0] =	vst.idx.msk $0xffff, v46;
	v21 =	vld [tilespmem:s8+$0xFFFFFF60]  }
0x178: {  	v16 =	vadd.f32 v16, v4;
	v49 =	vadd.s32 v1, v26;
	[tilespmem:v44+s26+$0x0] =	vst.idx.msk $0xffff, v47;
	v50 =	vld [tilespmem:s8+$0xFFFFFFA0]  }
0x179: {  	[tilespmem:v14+s26+$0x0] =	vst.idx.msk $0xffff, v17;
	v51 =	vadd.f32 v15, v4;
	v53 =	vadd.s32 v1, v27;
	v52 =	vld [tilespmem:s8+$0xFFFFFF20]  }
0x17a: {  	v54 =	vld [tilespmem:s7+$0xFFFFFFF0];
	v18 =	vadd.f32 v18, v4;
	[tilespmem:v19+s26+$0x0] =	vst.idx.msk $0xffff, v16;
	v55 =	vadd.s32 v1, v30  }
0x17b: {  	v57 =	vadd.s32 v1, v13;
	v60 =	vld [tilespmem:s7+$0xFFFFFFB0];
	[tilespmem:v20+s26+$0x0] =	vst.idx.msk $0xffff, v51;
	v58 =	vadd.f32 v48, v6  }
0x17c: {  	v59 =	vadd.s32 v2, v7;
	v56 =	vld [tilespmem:s7+$0xFFFFFF70];
	[tilespmem:v12+s26+$0x0] =	vst.idx.msk $0xffff, v18;
	v61 =	vadd.f32 v21, v6  }
0x17d: {  	v62 =	vld [tilespmem:s7+$0xFFFFFF30];
	v29 =	vadd.s32 v2, v11;
	[tilespmem:v49+s26+$0x0] =	vst.idx.msk $0xffff, v58;
	v28 =	vadd.f32 v50, v6  }
0x17e: {  	v63 =	vadd.s32 v2, v10;
	v31 =	vadd.f32 v52, v6;
	v32 =	vld [tilespmem:s8+$0xFFFFFFF0];
	[tilespmem:v53+s26+$0x0] =	vst.idx.msk $0xffff, v61  }
0x17f: {  	v33 =	vadd.f32 v54, v5;
	v34 =	vadd.s32 v2, v8;
	[tilespmem:v55+s26+$0x0] =	vst.idx.msk $0xffff, v28;
	v35 =	vld [tilespmem:s8+$0xFFFFFF70]  }
0x180: {  	v37 =	vadd.s32 v2, v26;
	v39 =	vadd.f32 v60, v5;
	[tilespmem:v57+s26+$0x0] =	vst.idx.msk $0xffff, v31;
	v38 =	vld [tilespmem:s8+$0xFFFFFFB0]  }
0x181: {  	v41 =	vadd.s32 v2, v27;
	v36 =	vadd.f32 v56, v5;
	[tilespmem:v59+s26+$0x0] =	vst.idx.msk $0xffff, v33;
	v40 =	vld [tilespmem:s8+$0xFFFFFF30]  }
0x182: {  	v43 =	vadd.s32 v2, v30;
	v18 =	vadd.f32 v62, v5;
	v42 =	vld [tilespmem:s7+$0x0];
	[tilespmem:v29+s26+$0x0] =	vst.idx.msk $0xffff, v39  }
0x183: {  	v45 =	vadd.s32 v2, v13;
	[tilespmem:v63+s26+$0x0] =	vst.idx.msk $0xffff, v36;
	v47 =	vld [tilespmem:s7+$0xFFFFFFC0];
	v44 =	vadd.f32 v32, v5  }
0x184: {  	v46 =	vadd.s32 v3, v7;
	[tilespmem:v34+s26+$0x0] =	vst.idx.msk $0xffff, v18;
	v21 =	vld [tilespmem:s7+$0xFFFFFF80];
	v9 =	vadd.f32 v35, v5  }
0x185: {  	v18 =	vld [tilespmem:s7+$0xFFFFFF40];
	v50 =	vadd.s32 v3, v11;
	[tilespmem:v37+s26+$0x0] =	vst.idx.msk $0xffff, v44;
	v49 =	vadd.f32 v38, v5  }
0x186: {  	v48 =	vadd.s32 v3, v10;
	v5 =	vadd.f32 v40, v5;
	v12 =	vld [tilespmem:s8+$0x0];
	[tilespmem:v41+s26+$0x0] =	vst.idx.msk $0xffff, v9  }
0x187: {  	v52 =	vadd.s32 v3, v8;
	v51 =	vadd.f32 v42, v4;
	[tilespmem:v43+s26+$0x0] =	vst.idx.msk $0xffff, v49;
	v53 =	vld [tilespmem:s8+$0xFFFFFF80]  }
0x188: {  	v55 =	vadd.s32 v3, v26;
	v56 =	vadd.f32 v47, v4;
	[tilespmem:v45+s26+$0x0] =	vst.idx.msk $0xffff, v5;
	v5 =	vld [tilespmem:s8+$0xFFFFFFC0]  }
0x189: {  	v58 =	vadd.s32 v3, v27;
	[tilespmem:v46+s26+$0x0] =	vst.idx.msk $0xffff, v51;
	v54 =	vadd.f32 v21, v4;
	v57 =	vld [tilespmem:s8+$0xFFFFFF40]  }
0x18a: {  	v60 =	vadd.s32 v3, v30;
	v59 =	vadd.f32 v18, v4;
	[tilespmem:v50+s26+$0x0] =	vst.idx.msk $0xffff, v56  }
0x18b: {  	v62 =	vadd.s32 v3, v13;
	[tilespmem:v48+s26+$0x0] =	vst.idx.msk $0xffff, v54;
	v61 =	vadd.f32 v12, v4  }
0x18c: {  	[tilespmem:v52+s26+$0x0] =	vst.idx.msk $0xffff, v59;
	v63 =	vadd.f32 v53, v4  }
0x18d: {  	s8 =	sshll.u32 s17, $0x12;
	[tilespmem:v55+s26+$0x0] =	vst.idx.msk $0xffff, v61;
	v5 =	vadd.f32 v5, v4  }
0x18e: {  	s7 =	sor.u32 s4, s8;
	v4 =	vadd.f32 v57, v4;
	[tilespmem:v58+s26+$0x0] =	vst.idx.msk $0xffff, v63  }
0x18f: {  	s7 =	sshrl.u32 s7, $0x3;
	[tilespmem:v60+s26+$0x0] =	vst.idx.msk $0xffff, v5  }
0x190: {  	s9 =	simm.s32 $0x14800;
	s8 =	sadd.s32 s1, s7;
	[tilespmem:v62+s26+$0x0] =	vst.idx.msk $0xffff, v4  }
0x191: {  	[hbm4b:s8+s3] =	stream.linear.scatter [tilespmem:s9], [sflag:$0x8], $0x80, $0x38;
	[tilespmem:$0x1E000] =	vst v63  }
0x192: {  	s10 =	simm.s32 $0x14888;
	s11 =	sadd.s32 $0x10, s8  }
0x193: {  	[hbm4b:s11+s3] =	stream.linear.scatter [tilespmem:s10], [sflag:$0x8], $0x80, $0x38;
	[tilespmem:$0x1E000] =	vst v63  }
0x194: {  	s12 =	simm.s32 $0x14910;
	s17 =	sadd.s32 $0x20, s8  }
0x195: {  	[hbm4b:s17+s3] =	stream.linear.scatter [tilespmem:s12], [sflag:$0x8], $0x80, $0x38;
	[tilespmem:$0x1E000] =	vst v63  }
0x196: {  	s10 =	simm.s32 $0x14998;
	s11 =	sadd.s32 $0x30, s8  }
0x197: {  	[hbm4b:s11+s3] =	stream.linear.scatter [tilespmem:s10], [sflag:$0x8], $0x80, $0x38;
	[tilespmem:$0x1E000] =	vst v63  }
0x198: {  	s12 =	simm.s32 $0x14A20;
	s17 =	sadd.s32 $0x40, s8  }
0x199: {  	[hbm4b:s17+s3] =	stream.linear.scatter [tilespmem:s12], [sflag:$0x8], $0x80, $0x38;
	[tilespmem:$0x1E000] =	vst v63  }
0x19a: {  	s7 =	simm.s32 $0x440;
	s10 =	simm.s32 $0x14AA8;
	s11 =	sadd.s32 $0x50, s8  }
0x19b: {  	[hbm4b:s11+s3] =	stream.linear.scatter [tilespmem:s10], [sflag:$0x8], $0x80, $0x38;
	[tilespmem:$0x1E000] =	vst v63  }
0x19c: {  	s9 =	simm.s32 $0x2200;
	s12 =	simm.s32 $0x14B30;
	s17 =	sadd.s32 $0x60, s8  }
0x19d: {  	[hbm4b:s17+s3] =	stream.linear.scatter [tilespmem:s12], [sflag:$0x8], $0x80, $0x38;
	[tilespmem:$0x1E000] =	vst v63  }
0x19e: {  	s11 =	simm.s32 $0x14BB8;
	s17 =	sadd.s32 $0x70, s8;
	s8 =	sadd.s32 $0x1000, s8  }
.LBB2_13:
0x19f: {  	[hbm4b:s17+s3] =	stream.linear.scatter [tilespmem:s11], [sflag:$0x8], $0x80, $0x38;
	[tilespmem:$0x1E000] =	vst v63  }
0x1a0: {  	s10 =	smov.u32 s7;
	s7 =	smov.u32 s9  }
0x1a1: {  	s12 =	sadd.s32 $0x1100, s9;
	s7 =	sshra.s32 s7, $0x2;
	s11 =	sadd.s32 $0x14800, s10  }
0x1a2: {  	[hbm4b:s8+s3] =	stream.linear.scatter [tilespmem:s11], [sflag:$0x8], $0x80, $0x38;
	[tilespmem:$0x1E000] =	vst v63  }
0x1a3: {  	p1 =	sne.s32 s9, $0x7700;
	s9 =	sadd.s32 $0x14888, s10;
	s11 =	sadd.s32 $0x10, s8  }
0x1a4: {  	[hbm4b:s11+s3] =	stream.linear.scatter [tilespmem:s9], [sflag:$0x8], $0x80, $0x38;
	[tilespmem:$0x1E000] =	vst v63  }
0x1a5: {  	s9 =	sadd.s32 $0x14910, s10;
	s11 =	sadd.s32 $0x20, s8  }
0x1a6: {  	[hbm4b:s11+s3] =	stream.linear.scatter [tilespmem:s9], [sflag:$0x8], $0x80, $0x38;
	[tilespmem:$0x1E000] =	vst v63  }
0x1a7: {  	s9 =	sadd.s32 $0x14998, s10;
	s11 =	sadd.s32 $0x30, s8  }
0x1a8: {  	[hbm4b:s11+s3] =	stream.linear.scatter [tilespmem:s9], [sflag:$0x8], $0x80, $0x38;
	[tilespmem:$0x1E000] =	vst v63  }
0x1a9: {  	s9 =	sadd.s32 $0x14A20, s10;
	s11 =	sadd.s32 $0x40, s8  }
0x1aa: {  	[hbm4b:s11+s3] =	stream.linear.scatter [tilespmem:s9], [sflag:$0x8], $0x80, $0x38;
	[tilespmem:$0x1E000] =	vst v63  }
.Ltmp5:
0x1ab: {  	s9 =	sadd.s32 $0x14AA8, s10;
	s11 =	sadd.s32 $0x50, s8;
	(pc) =	sbr.rel @p1 .LBB2_13-.Ltmp5, $4  }
0x1ac: {  	[hbm4b:s11+s3] =	stream.linear.scatter [tilespmem:s9], [sflag:$0x8], $0x80, $0x38;
	[tilespmem:$0x1E000] =	vst v63  }
0x1ad: {  	s17 =	sadd.s32 $0x70, s8;
	s9 =	sadd.s32 $0x14B30, s10;
	s11 =	sadd.s32 $0x60, s8  }
0x1ae: {  	[hbm4b:s11+s3] =	stream.linear.scatter [tilespmem:s9], [sflag:$0x8], $0x80, $0x38;
	[tilespmem:$0x1E000] =	vst v63  }
0x1af: {  	s8 =	sadd.s32 $0x1000, s8;
	s11 =	sadd.s32 $0x14BB8, s10;
	s9 =	smov.u32 s12  }
0x1b0: {  	[hbm4b:s17+s3] =	stream.linear.scatter [tilespmem:s11], [sflag:$0x8], $0x80, $0x38;
	[tilespmem:$0x1E000] =	vst v63  }
0x1b1: {  	s9 =	sadd.s32 $0x14800, s7  }
0x1b2: {  	[hbm4b:s8+s3] =	stream.linear.scatter [tilespmem:s9], [sflag:$0x8], $0x80, $0x38;
	[tilespmem:$0x1E000] =	vst v63  }
0x1b3: {  	s11 =	sadd.s32 $0x14888, s7;
	s10 =	sadd.s32 $0x10, s8  }
0x1b4: {  	[hbm4b:s10+s3] =	stream.linear.scatter [tilespmem:s11], [sflag:$0x8], $0x80, $0x38;
	[tilespmem:$0x1E000] =	vst v63  }
0x1b5: {  	s12 =	sadd.s32 $0x14910, s7;
	s17 =	sadd.s32 $0x20, s8  }
0x1b6: {  	[hbm4b:s17+s3] =	stream.linear.scatter [tilespmem:s12], [sflag:$0x8], $0x80, $0x38;
	[tilespmem:$0x1E000] =	vst v63  }
0x1b7: {  	s10 =	sadd.s32 $0x14998, s7;
	s11 =	sadd.s32 $0x30, s8  }
0x1b8: {  	[hbm4b:s11+s3] =	stream.linear.scatter [tilespmem:s10], [sflag:$0x8], $0x80, $0x38;
	[tilespmem:$0x1E000] =	vst v63  }
0x1b9: {  	s12 =	sadd.s32 $0x14A20, s7;
	s17 =	sadd.s32 $0x40, s8  }
0x1ba: {  	[hbm4b:s17+s3] =	stream.linear.scatter [tilespmem:s12], [sflag:$0x8], $0x80, $0x38;
	[tilespmem:$0x1E000] =	vst v63  }
0x1bb: {  	s10 =	sadd.s32 $0x14AA8, s7;
	s11 =	sadd.s32 $0x50, s8  }
0x1bc: {  	[hbm4b:s11+s3] =	stream.linear.scatter [tilespmem:s10], [sflag:$0x8], $0x80, $0x38;
	[tilespmem:$0x1E000] =	vst v63  }
0x1bd: {  	s12 =	sadd.s32 $0x14B30, s7;
	s17 =	sadd.s32 $0x60, s8  }
0x1be: {  	[hbm4b:s17+s3] =	stream.linear.scatter [tilespmem:s12], [sflag:$0x8], $0x80, $0x38;
	[tilespmem:$0x1E000] =	vst v63  }
0x1bf: {  	s9 =	sadd.s32 $0x14BB8, s7;
	s10 =	sadd.s32 $0x70, s8  }
0x1c0: {  	[hbm4b:s10+s3] =	stream.linear.scatter [tilespmem:s9], [sflag:$0x8], $0x80, $0x38;
	[tilespmem:$0x1E000] =	vst v63  }
0x1c1: {  	s7 =	sadd.s32 @!p0 $0x300, s6;
	_ =	swait.ge [sflag:s28], $0x2000  }
0x1c2: {  	s7 =	sand.u32 @!p0 $0x1FF80, s7;
	[sflag:s28] =	ssyncset.done $0x0  }
0x1c3: {  	s8 =	simm.s32 @!p0 $0x80;
	s9 =	simm.s32 @!p0 $0x8400;
	[sflag:s28] =	ssyncadd.s32 $0xFFFFE000  }
0x1c4: {  	[tilespmem:s9], [sflag:$0x2] =	stream.indirect.gather @!p0 [hbm4b:s5+s8], $0x40, s7, s8, $0xb8;
	[tilespmem:$0x1E000] =	vst v63  }
0x1c5: {  	_ =	swait.ge [sflag:s29], $0x2000  }
0x1c6: {  	s11 =	sshll.u32 s15, $0x6;
	[sflag:s29] =	ssyncset.done $0x0  }
0x1c7: {  	s7 =	sand.u32 $0x3FFFFFC0, s11;
	[sflag:s29] =	ssyncadd.s32 $0xFFFFE000  }
0x1c8: {  	s12 =	simm.s32 $0x3;
	s11 =	simm.s32 $0xC4F0;
	v9 =	vld [tilespmem:s7+$0x1AE00]  }
0x1c9: {  	v4 =	vmov s12;
	v7 =	vld [tilespmem:s11+$0xFFFFFFD0]  }
0x1ca: {  	v13 =	vand.u32 $0x7F, v4  }
0x1cb: {  	s17 =	simm.s32 $0x0;
	v8 =	vadd.s32 v0, v13;
	v6 =	vld [tilespmem:s7+$0x1AE10]  }
0x1cc: {  	v4 =	vmov s17;
	s10 =	simm.s32 $0x2;
	s9 =	simm.s32 $0x1;
	v10 =	vld [tilespmem:s11+$0xFFFFFF10]  }
0x1cd: {  	v12 =	vand.u32 $0x7C, v4;
	v14 =	vmov s10;
	v4 =	vmov s9;
	v11 =	vld [tilespmem:s11+$0xFFFFFF50]  }
0x1ce: {  	v15 =	vadd.s32 v0, v12;
	v19 =	vand.u32 $0x7D, v4;
	v16 =	vld [tilespmem:s11+$0xFFFFFF90];
	v7 =	vadd.f32 v7, v9  }
0x1cf: {  	v20 =	vand.u32 $0x7E, v14;
	v17 =	vadd.s32 v0, v19;
	v5 =	vld [tilespmem:s7+$0x1AE20]  }
0x1d0: {  	v14 =	vadd.s32 v0, v20;
	v4 =	vld [tilespmem:s7+$0x1AE30];
	[tilespmem:v8+s30+$0x0] =	vst.idx.msk $0xffff, v7  }
0x1d1: {  	v7 =	vadd.f32 v10, v9;
	v8 =	vld [tilespmem:s11+$0xFFFFFFE0]  }
0x1d2: {  	v10 =	vadd.f32 v11, v9  }
0x1d3: {  	v11 =	vadd.s32 v1, v13;
	[tilespmem:v15+s30+$0x0] =	vst.idx.msk $0xffff, v7;
	v7 =	vadd.f32 v16, v9  }
0x1d4: {  	[tilespmem:v17+s30+$0x0] =	vst.idx.msk $0xffff, v10;
	v15 =	vld [tilespmem:s11+$0xFFFFFF20]  }
0x1d5: {  	v10 =	vld [tilespmem:s11+$0xFFFFFF60];
	[tilespmem:v14+s30+$0x0] =	vst.idx.msk $0xffff, v7  }
0x1d6: {  	v14 =	vld [tilespmem:s11+$0xFFFFFFA0];
	v7 =	vadd.f32 v8, v6  }
0x1d7: {  	s17 =	simm.s32 $0x7;
	s7 =	simm.s32 $0xC5F0;
	v16 =	vadd.s32 v1, v19  }
0x1d8: {  	s12 =	simm.s32 $0x4;
	v26 =	vadd.s32 v2, v13;
	v18 =	vld [tilespmem:s7+$0xFFFFFFD0];
	v17 =	vadd.s32 v1, v20;
	[tilespmem:v11+s30+$0x0] =	vst.idx.msk $0xffff, v7;
	v7 =	vmov s17  }
0x1d9: {  	v21 =	vadd.s32 v1, v12;
	v8 =	vmov s12;
	v7 =	vand.u32 $0x7F, v7;
	v22 =	vld [tilespmem:s11+$0xFFFFFFF0]  }
0x1da: {  	s10 =	simm.s32 $0x5;
	v23 =	vld [tilespmem:s7+$0xFFFFFF10];
	v8 =	vand.u32 $0x7C, v8;
	v10 =	vadd.f32 v10, v6;
	v24 =	vadd.s32 v0, v7  }
0x1db: {  	v25 =	vld [tilespmem:s7+$0xFFFFFF50];
	s12 =	simm.s32 $0x6;
	v15 =	vadd.f32 v15, v6;
	v11 =	vadd.f32 v14, v6;
	v14 =	vmov s10  }
0x1dc: {  	v27 =	vadd.s32 v0, v8;
	[tilespmem:v16+s30+$0x0] =	vst.idx.msk $0xffff, v10;
	v16 =	vmov s12;
	v10 =	vand.u32 $0x7D, v14;
	v14 =	vld [tilespmem:s7+$0xFFFFFF90]  }
0x1dd: {  	[tilespmem:v17+s30+$0x0] =	vst.idx.msk $0xffff, v11;
	v17 =	vadd.s32 v0, v10;
	v11 =	vand.u32 $0x7E, v16;
	v16 =	vadd.f32 v18, v9;
	v18 =	vld [tilespmem:s11+$0xFFFFFF70]  }
0x1de: {  	[tilespmem:v21+s30+$0x0] =	vst.idx.msk $0xffff, v15;
	v15 =	vadd.s32 v0, v11;
	v21 =	vld [tilespmem:s11+$0xFFFFFFB0];
	v22 =	vadd.f32 v22, v5  }
0x1df: {  	v23 =	vadd.f32 v23, v9;
	[tilespmem:v24+s30+$0x0] =	vst.idx.msk $0xffff, v16;
	v16 =	vld [tilespmem:s11+$0xFFFFFF30];
	v24 =	vadd.s32 v2, v19  }
0x1e0: {  	v29 =	vadd.s32 v2, v20;
	v25 =	vadd.f32 v25, v9;
	v28 =	vld [tilespmem:s7+$0xFFFFFFE0];
	[tilespmem:v26+s30+$0x0] =	vst.idx.msk $0xffff, v22  }
0x1e1: {  	[tilespmem:v27+s30+$0x0] =	vst.idx.msk $0xffff, v23;
	v23 =	vadd.s32 v2, v12;
	v14 =	vadd.f32 v14, v9;
	v26 =	vld [tilespmem:s11+$0x0]  }
0x1e2: {  	v27 =	vld [tilespmem:s7+$0xFFFFFF20];
	[tilespmem:v17+s30+$0x0] =	vst.idx.msk $0xffff, v25;
	v25 =	vadd.s32 v1, v7;
	v18 =	vadd.f32 v18, v5  }
0x1e3: {  	v31 =	vadd.s32 v3, v13;
	v30 =	vld [tilespmem:s7+$0xFFFFFF60];
	[tilespmem:v15+s30+$0x0] =	vst.idx.msk $0xffff, v14;
	v14 =	vadd.f32 v21, v5  }
0x1e4: {  	v22 =	vadd.s32 v1, v8;
	v17 =	vld [tilespmem:s7+$0xFFFFFFA0];
	v13 =	vadd.f32 v16, v5;
	[tilespmem:v24+s30+$0x0] =	vst.idx.msk $0xffff, v18  }
0x1e5: {  	s9 =	simm.s32 $0x8;
	v21 =	vadd.s32 v1, v10;
	[tilespmem:v29+s30+$0x0] =	vst.idx.msk $0xffff, v14;
	v18 =	vadd.f32 v28, v6;
	v16 =	vld [tilespmem:s11+$0xFFFFFF80]  }
0x1e6: {  	v24 =	vmov s9;
	v14 =	vadd.s32 v1, v11;
	v15 =	vld [tilespmem:s11+$0xFFFFFFC0];
	[tilespmem:v23+s30+$0x0] =	vst.idx.msk $0xffff, v13;
	v63 =	vadd.f32 v26, v4  }
0x1e7: {  	s8 =	simm.s32 $0xC6F0;
	s17 =	simm.s32 $0xB;
	v19 =	vadd.s32 v3, v19;
	v13 =	vand.u32 $0x7C, v24;
	v24 =	vadd.f32 v27, v6;
	[tilespmem:v25+s30+$0x0] =	vst.idx.msk $0xffff, v18;
	v18 =	vld [tilespmem:s11+$0xFFFFFF40]  }
0x1e8: {  	v20 =	vadd.s32 v3, v20;
	v26 =	vmov s17;
	v23 =	vld [tilespmem:s8+$0xFFFFFFD0];
	s11 =	simm.s32 $0xC;
	v25 =	vadd.f32 v30, v6;
	[tilespmem:v31+s30+$0x0] =	vst.idx.msk $0xffff, v63  }
.LBB2_15:
0x1e9: {  	p1 =	slt.u32 s11, $0x7C;
	s10 =	sadd.s32 $0x1, s9;
	v26 =	vand.u32 $0x7F, v26;
	[tilespmem:v22+s30+$0x0] =	vst.idx.msk $0xffff, v24;
	v17 =	vadd.f32 v17, v6;
	v22 =	vld [tilespmem:s7+$0xFFFFFFF0];
	v24 =	vadd.s32 v3, v12  }
0x1ea: {  	v30 =	vmovc v11;
	v27 =	vld [tilespmem:s8+$0xFFFFFF10];
	v28 =	vmov s10;
	s10 =	sadd.s32 $0x2, s9;
	v29 =	vadd.s32 v0, v26;
	[tilespmem:v21+s30+$0x0] =	vst.idx.msk $0xffff, v25;
	v16 =	vadd.f32 v16, v4;
	s9 =	smov.u32 s11  }
0x1eb: {  	v12 =	vmovc v8;
	v21 =	vld [tilespmem:s8+$0xFFFFFF50];
	v11 =	vmov s10;
	[tilespmem:v14+s30+$0x0] =	vst.idx.msk $0xffff, v17;
	v14 =	vadd.s32 v2, v7;
	v15 =	vadd.f32 v15, v4  }
0x1ec: {  	v17 =	vadd.s32 v0, v13;
	v28 =	vand.u32 $0x7D, v28;
	v25 =	vld [tilespmem:s8+$0xFFFFFF90];
	v31 =	vadd.f32 v18, v4;
	[tilespmem:v19+s30+$0x0] =	vst.idx.msk $0xffff, v16  }
0x1ed: {  	v16 =	vadd.s32 v0, v28;
	v11 =	vand.u32 $0x7E, v11;
	v18 =	vadd.f32 v23, v9;
	v19 =	vld [tilespmem:s7+$0xFFFFFF70];
	[tilespmem:v20+s30+$0x0] =	vst.idx.msk $0xffff, v15  }
0x1ee: {  	v8 =	vmov v13;
	v15 =	vadd.s32 v0, v11;
	v20 =	vld [tilespmem:s7+$0xFFFFFFB0];
	v22 =	vadd.f32 v22, v5;
	[tilespmem:v24+s30+$0x0] =	vst.idx.msk $0xffff, v31  }
0x1ef: {  	v23 =	vadd.s32 v2, v10;
	v13 =	vadd.f32 v27, v9;
	[tilespmem:v29+s30+$0x0] =	vst.idx.msk $0xffff, v18;
	v18 =	vld [tilespmem:s7+$0xFFFFFF30]  }
0x1f0: {  	v27 =	vadd.s32 v2, v30;
	v21 =	vadd.f32 v21, v9;
	v24 =	vld [tilespmem:s8+$0xFFFFFFE0];
	[tilespmem:v14+s30+$0x0] =	vst.idx.msk $0xffff, v22  }
0x1f1: {  	[tilespmem:v17+s30+$0x0] =	vst.idx.msk $0xffff, v13;
	v13 =	vadd.f32 v25, v9;
	v25 =	vadd.s32 v2, v12;
	v29 =	vld [tilespmem:s7+$0x0]  }
0x1f2: {  	v32 =	vadd.s32 v1, v26;
	v31 =	vld [tilespmem:s8+$0xFFFFFF20];
	[tilespmem:v16+s30+$0x0] =	vst.idx.msk $0xffff, v21;
	v14 =	vadd.f32 v19, v5  }
0x1f3: {  	v34 =	vadd.s32 v3, v7;
	v7 =	vmov v26;
	v33 =	vld [tilespmem:s8+$0xFFFFFF60];
	[tilespmem:v15+s30+$0x0] =	vst.idx.msk $0xffff, v13;
	v13 =	vadd.f32 v20, v5  }
.Ltmp6:
0x1f4: {  	v22 =	vadd.s32 v1, v8;
	v17 =	vld [tilespmem:s8+$0xFFFFFFA0];
	v15 =	vadd.f32 v18, v5;
	[tilespmem:v23+s30+$0x0] =	vst.idx.msk $0xffff, v14;
	(pc) =	sbr.rel @p1 .LBB2_15-.Ltmp6, $4  }
0x1f5: {  	v21 =	vadd.s32 v1, v28;
	v18 =	vadd.f32 v24, v6;
	v16 =	vld [tilespmem:s7+$0xFFFFFF80];
	[tilespmem:v27+s30+$0x0] =	vst.idx.msk $0xffff, v13  }
0x1f6: {  	v14 =	vadd.s32 v1, v11;
	v13 =	vmov s11;
	[tilespmem:v25+s30+$0x0] =	vst.idx.msk $0xffff, v15;
	v15 =	vld [tilespmem:s7+$0xFFFFFFC0];
	v27 =	vadd.f32 v29, v4  }
0x1f7: {  	s10 =	sadd.s32 $0x3, s11;
	v19 =	vadd.s32 v3, v10;
	v13 =	vand.u32 $0x7C, v13;
	v24 =	vadd.f32 v31, v6;
	[tilespmem:v32+s30+$0x0] =	vst.idx.msk $0xffff, v18;
	v18 =	vld [tilespmem:s7+$0xFFFFFF40];
	s7 =	smov.u32 s8;
	s8 =	sadd.s32 $0x100, s8  }
0x1f8: {  	v26 =	vmov s10;
	v10 =	vmovc v28;
	v20 =	vadd.s32 v3, v30;
	s11 =	sadd.s32 $0x4, s11;
	v23 =	vld [tilespmem:s8+$0xFFFFFFD0];
	v25 =	vadd.f32 v33, v6;
	[tilespmem:v34+s30+$0x0] =	vst.idx.msk $0xffff, v27  }
0x1f9: {  	s10 =	sadd.s32 $0x1, s9  }
0x1fa: {  	v26 =	vand.u32 $0x7F, v26;
	s12 =	sadd.s32 $0x2, s9;
	v28 =	vld [tilespmem:s8+$0xFFFFFF50];
	v27 =	vmov s10  }
0x1fb: {  	v31 =	vld [tilespmem:s8+$0xFFFFFF90];
	v29 =	vadd.s32 v0, v26;
	v30 =	vmov s12;
	v27 =	vand.u32 $0x7D, v27  }
0x1fc: {  	v32 =	vld [tilespmem:s8+$0xFFFFFF10];
	v30 =	vand.u32 $0x7E, v30;
	v33 =	vadd.s32 v0, v27  }
0x1fd: {  	v34 =	vadd.s32 v0, v30  }
0x1fe: {  	[tilespmem:v22+s30+$0x0] =	vst.idx.msk $0xffff, v24;
	v44 =	vadd.s32 v0, v13;
	v23 =	vadd.f32 v23, v9  }
0x1ff: {  	[tilespmem:v21+s30+$0x0] =	vst.idx.msk $0xffff, v25;
	v45 =	vadd.f32 v28, v9  }
0x200: {  	v46 =	vadd.f32 v31, v9;
	[tilespmem:v29+s30+$0x0] =	vst.idx.msk $0xffff, v23  }
0x201: {  	v47 =	vadd.f32 v32, v9;
	v48 =	vld [tilespmem:s8+$0xFFFFFFE0];
	[tilespmem:v33+s30+$0x0] =	vst.idx.msk $0xffff, v45  }
0x202: {  	v17 =	vadd.f32 v17, v6;
	v12 =	vadd.s32 v3, v12;
	[tilespmem:v34+s30+$0x0] =	vst.idx.msk $0xffff, v46;
	v21 =	vld [tilespmem:s8+$0xFFFFFF60]  }
0x203: {  	v16 =	vadd.f32 v16, v4;
	v49 =	vadd.s32 v1, v26;
	[tilespmem:v44+s30+$0x0] =	vst.idx.msk $0xffff, v47;
	v50 =	vld [tilespmem:s8+$0xFFFFFFA0]  }
0x204: {  	[tilespmem:v14+s30+$0x0] =	vst.idx.msk $0xffff, v17;
	v51 =	vadd.f32 v15, v4;
	v53 =	vadd.s32 v1, v27;
	v52 =	vld [tilespmem:s8+$0xFFFFFF20]  }
0x205: {  	v54 =	vld [tilespmem:s7+$0xFFFFFFF0];
	v18 =	vadd.f32 v18, v4;
	[tilespmem:v19+s30+$0x0] =	vst.idx.msk $0xffff, v16;
	v55 =	vadd.s32 v1, v30  }
0x206: {  	v57 =	vadd.s32 v1, v13;
	v60 =	vld [tilespmem:s7+$0xFFFFFFB0];
	[tilespmem:v20+s30+$0x0] =	vst.idx.msk $0xffff, v51;
	v58 =	vadd.f32 v48, v6  }
0x207: {  	v59 =	vadd.s32 v2, v7;
	v56 =	vld [tilespmem:s7+$0xFFFFFF70];
	[tilespmem:v12+s30+$0x0] =	vst.idx.msk $0xffff, v18;
	v61 =	vadd.f32 v21, v6  }
0x208: {  	v62 =	vld [tilespmem:s7+$0xFFFFFF30];
	v29 =	vadd.s32 v2, v11;
	[tilespmem:v49+s30+$0x0] =	vst.idx.msk $0xffff, v58;
	v28 =	vadd.f32 v50, v6  }
0x209: {  	v63 =	vadd.s32 v2, v10;
	v31 =	vadd.f32 v52, v6;
	v32 =	vld [tilespmem:s8+$0xFFFFFFF0];
	[tilespmem:v53+s30+$0x0] =	vst.idx.msk $0xffff, v61  }
0x20a: {  	v33 =	vadd.f32 v54, v5;
	v34 =	vadd.s32 v2, v8;
	[tilespmem:v55+s30+$0x0] =	vst.idx.msk $0xffff, v28;
	v35 =	vld [tilespmem:s8+$0xFFFFFF70]  }
0x20b: {  	v37 =	vadd.s32 v2, v26;
	v39 =	vadd.f32 v60, v5;
	[tilespmem:v57+s30+$0x0] =	vst.idx.msk $0xffff, v31;
	v38 =	vld [tilespmem:s8+$0xFFFFFFB0]  }
0x20c: {  	v41 =	vadd.s32 v2, v27;
	v36 =	vadd.f32 v56, v5;
	[tilespmem:v59+s30+$0x0] =	vst.idx.msk $0xffff, v33;
	v40 =	vld [tilespmem:s8+$0xFFFFFF30]  }
0x20d: {  	v43 =	vadd.s32 v2, v30;
	v18 =	vadd.f32 v62, v5;
	v42 =	vld [tilespmem:s7+$0x0];
	[tilespmem:v29+s30+$0x0] =	vst.idx.msk $0xffff, v39  }
0x20e: {  	v45 =	vadd.s32 v2, v13;
	[tilespmem:v63+s30+$0x0] =	vst.idx.msk $0xffff, v36;
	v47 =	vld [tilespmem:s7+$0xFFFFFFC0];
	v44 =	vadd.f32 v32, v5  }
0x20f: {  	v46 =	vadd.s32 v3, v7;
	[tilespmem:v34+s30+$0x0] =	vst.idx.msk $0xffff, v18;
	v21 =	vld [tilespmem:s7+$0xFFFFFF80];
	v9 =	vadd.f32 v35, v5  }
0x210: {  	v18 =	vld [tilespmem:s7+$0xFFFFFF40];
	v50 =	vadd.s32 v3, v11;
	[tilespmem:v37+s30+$0x0] =	vst.idx.msk $0xffff, v44;
	v49 =	vadd.f32 v38, v5  }
0x211: {  	v48 =	vadd.s32 v3, v10;
	v5 =	vadd.f32 v40, v5;
	v12 =	vld [tilespmem:s8+$0x0];
	[tilespmem:v41+s30+$0x0] =	vst.idx.msk $0xffff, v9  }
0x212: {  	v52 =	vadd.s32 v3, v8;
	v51 =	vadd.f32 v42, v4;
	[tilespmem:v43+s30+$0x0] =	vst.idx.msk $0xffff, v49;
	v53 =	vld [tilespmem:s8+$0xFFFFFF80]  }
0x213: {  	v55 =	vadd.s32 v3, v26;
	v56 =	vadd.f32 v47, v4;
	[tilespmem:v45+s30+$0x0] =	vst.idx.msk $0xffff, v5;
	v5 =	vld [tilespmem:s8+$0xFFFFFFC0]  }
0x214: {  	v58 =	vadd.s32 v3, v27;
	[tilespmem:v46+s30+$0x0] =	vst.idx.msk $0xffff, v51;
	v54 =	vadd.f32 v21, v4;
	v57 =	vld [tilespmem:s8+$0xFFFFFF40]  }
0x215: {  	v60 =	vadd.s32 v3, v30;
	v59 =	vadd.f32 v18, v4;
	[tilespmem:v50+s30+$0x0] =	vst.idx.msk $0xffff, v56  }
0x216: {  	v62 =	vadd.s32 v3, v13;
	[tilespmem:v48+s30+$0x0] =	vst.idx.msk $0xffff, v54;
	v61 =	vadd.f32 v12, v4  }
0x217: {  	[tilespmem:v52+s30+$0x0] =	vst.idx.msk $0xffff, v59;
	v63 =	vadd.f32 v53, v4  }
0x218: {  	s15 =	sshll.u32 s15, $0x12;
	[tilespmem:v55+s30+$0x0] =	vst.idx.msk $0xffff, v61;
	v5 =	vadd.f32 v5, v4  }
0x219: {  	s7 =	sor.u32 s4, s15;
	v4 =	vadd.f32 v57, v4;
	[tilespmem:v58+s30+$0x0] =	vst.idx.msk $0xffff, v63  }
0x21a: {  	s7 =	sshrl.u32 s7, $0x3;
	[tilespmem:v60+s30+$0x0] =	vst.idx.msk $0xffff, v5  }
0x21b: {  	s17 =	simm.s32 $0x16A00;
	s8 =	sadd.s32 s1, s7;
	[tilespmem:v62+s30+$0x0] =	vst.idx.msk $0xffff, v4  }
0x21c: {  	[hbm4b:s8+s3] =	stream.linear.scatter [tilespmem:s17], [sflag:$0x9], $0x80, $0x38;
	[tilespmem:$0x1E000] =	vst v63  }
0x21d: {  	s9 =	simm.s32 $0x16A88;
	s10 =	sadd.s32 $0x10, s8  }
0x21e: {  	[hbm4b:s10+s3] =	stream.linear.scatter [tilespmem:s9], [sflag:$0x9], $0x80, $0x38;
	[tilespmem:$0x1E000] =	vst v63  }
0x21f: {  	s11 =	simm.s32 $0x16B10;
	s12 =	sadd.s32 $0x20, s8  }
0x220: {  	[hbm4b:s12+s3] =	stream.linear.scatter [tilespmem:s11], [sflag:$0x9], $0x80, $0x38;
	[tilespmem:$0x1E000] =	vst v63  }
0x221: {  	s15 =	simm.s32 $0x16B98;
	s17 =	sadd.s32 $0x30, s8  }
0x222: {  	[hbm4b:s17+s3] =	stream.linear.scatter [tilespmem:s15], [sflag:$0x9], $0x80, $0x38;
	[tilespmem:$0x1E000] =	vst v63  }
0x223: {  	s9 =	simm.s32 $0x16C20;
	s10 =	sadd.s32 $0x40, s8  }
0x224: {  	[hbm4b:s10+s3] =	stream.linear.scatter [tilespmem:s9], [sflag:$0x9], $0x80, $0x38;
	[tilespmem:$0x1E000] =	vst v63  }
0x225: {  	s7 =	simm.s32 $0x440;
	s11 =	simm.s32 $0x16CA8;
	s12 =	sadd.s32 $0x50, s8  }
0x226: {  	[hbm4b:s12+s3] =	stream.linear.scatter [tilespmem:s11], [sflag:$0x9], $0x80, $0x38;
	[tilespmem:$0x1E000] =	vst v63  }
0x227: {  	s15 =	simm.s32 $0x16D30;
	s17 =	sadd.s32 $0x60, s8;
	s9 =	simm.s32 $0x2200  }
0x228: {  	[hbm4b:s17+s3] =	stream.linear.scatter [tilespmem:s15], [sflag:$0x9], $0x80, $0x38;
	[tilespmem:$0x1E000] =	vst v63  }
0x229: {  	s11 =	simm.s32 $0x16DB8;
	s15 =	sadd.s32 $0x70, s8;
	s8 =	sadd.s32 $0x1000, s8  }
.LBB2_17:
0x22a: {  	[hbm4b:s15+s3] =	stream.linear.scatter [tilespmem:s11], [sflag:$0x9], $0x80, $0x38;
	[tilespmem:$0x1E000] =	vst v63  }
0x22b: {  	s10 =	smov.u32 s7;
	s7 =	smov.u32 s9  }
0x22c: {  	s12 =	sadd.s32 $0x1100, s9;
	s7 =	sshra.s32 s7, $0x2;
	s11 =	sadd.s32 $0x16A00, s10  }
0x22d: {  	[hbm4b:s8+s3] =	stream.linear.scatter [tilespmem:s11], [sflag:$0x9], $0x80, $0x38;
	[tilespmem:$0x1E000] =	vst v63  }
0x22e: {  	p1 =	sne.s32 s9, $0x7700;
	s9 =	sadd.s32 $0x16A88, s10;
	s11 =	sadd.s32 $0x10, s8  }
0x22f: {  	[hbm4b:s11+s3] =	stream.linear.scatter [tilespmem:s9], [sflag:$0x9], $0x80, $0x38;
	[tilespmem:$0x1E000] =	vst v63  }
0x230: {  	s9 =	sadd.s32 $0x16B10, s10;
	s11 =	sadd.s32 $0x20, s8  }
0x231: {  	[hbm4b:s11+s3] =	stream.linear.scatter [tilespmem:s9], [sflag:$0x9], $0x80, $0x38;
	[tilespmem:$0x1E000] =	vst v63  }
0x232: {  	s9 =	sadd.s32 $0x16B98, s10;
	s11 =	sadd.s32 $0x30, s8  }
0x233: {  	[hbm4b:s11+s3] =	stream.linear.scatter [tilespmem:s9], [sflag:$0x9], $0x80, $0x38;
	[tilespmem:$0x1E000] =	vst v63  }
0x234: {  	s9 =	sadd.s32 $0x16C20, s10;
	s11 =	sadd.s32 $0x40, s8  }
0x235: {  	[hbm4b:s11+s3] =	stream.linear.scatter [tilespmem:s9], [sflag:$0x9], $0x80, $0x38;
	[tilespmem:$0x1E000] =	vst v63  }
.Ltmp7:
0x236: {  	s9 =	sadd.s32 $0x16CA8, s10;
	s11 =	sadd.s32 $0x50, s8;
	(pc) =	sbr.rel @p1 .LBB2_17-.Ltmp7, $4  }
0x237: {  	[hbm4b:s11+s3] =	stream.linear.scatter [tilespmem:s9], [sflag:$0x9], $0x80, $0x38;
	[tilespmem:$0x1E000] =	vst v63  }
0x238: {  	s15 =	sadd.s32 $0x70, s8;
	s9 =	sadd.s32 $0x16D30, s10;
	s11 =	sadd.s32 $0x60, s8  }
0x239: {  	[hbm4b:s11+s3] =	stream.linear.scatter [tilespmem:s9], [sflag:$0x9], $0x80, $0x38;
	[tilespmem:$0x1E000] =	vst v63  }
0x23a: {  	s8 =	sadd.s32 $0x1000, s8;
	s11 =	sadd.s32 $0x16DB8, s10;
	s9 =	smov.u32 s12  }
0x23b: {  	[hbm4b:s15+s3] =	stream.linear.scatter [tilespmem:s11], [sflag:$0x9], $0x80, $0x38;
	[tilespmem:$0x1E000] =	vst v63  }
0x23c: {  	s9 =	sadd.s32 $0x16A00, s7  }
0x23d: {  	[hbm4b:s8+s3] =	stream.linear.scatter [tilespmem:s9], [sflag:$0x9], $0x80, $0x38;
	[tilespmem:$0x1E000] =	vst v63  }
0x23e: {  	s12 =	sadd.s32 $0x16A88, s7;
	s10 =	sadd.s32 $0x10, s8  }
0x23f: {  	[hbm4b:s10+s3] =	stream.linear.scatter [tilespmem:s12], [sflag:$0x9], $0x80, $0x38;
	[tilespmem:$0x1E000] =	vst v63  }
0x240: {  	s15 =	sadd.s32 $0x16B10, s7;
	s17 =	sadd.s32 $0x20, s8  }
0x241: {  	[hbm4b:s17+s3] =	stream.linear.scatter [tilespmem:s15], [sflag:$0x9], $0x80, $0x38;
	[tilespmem:$0x1E000] =	vst v63  }
0x242: {  	s11 =	sadd.s32 $0x16B98, s7;
	s12 =	sadd.s32 $0x30, s8  }
0x243: {  	[hbm4b:s12+s3] =	stream.linear.scatter [tilespmem:s11], [sflag:$0x9], $0x80, $0x38;
	[tilespmem:$0x1E000] =	vst v63  }
0x244: {  	s15 =	sadd.s32 $0x16C20, s7;
	s17 =	sadd.s32 $0x40, s8  }
0x245: {  	[hbm4b:s17+s3] =	stream.linear.scatter [tilespmem:s15], [sflag:$0x9], $0x80, $0x38;
	[tilespmem:$0x1E000] =	vst v63  }
0x246: {  	s10 =	sadd.s32 $0x16CA8, s7;
	s11 =	sadd.s32 $0x50, s8  }
0x247: {  	[hbm4b:s11+s3] =	stream.linear.scatter [tilespmem:s10], [sflag:$0x9], $0x80, $0x38;
	[tilespmem:$0x1E000] =	vst v63  }
0x248: {  	s12 =	sadd.s32 $0x16D30, s7;
	s15 =	sadd.s32 $0x60, s8  }
0x249: {  	[hbm4b:s15+s3] =	stream.linear.scatter [tilespmem:s12], [sflag:$0x9], $0x80, $0x38;
	[tilespmem:$0x1E000] =	vst v63  }
0x24a: {  	s9 =	sadd.s32 $0x70, s8;
	s17 =	sadd.s32 $0x16DB8, s7  }
0x24b: {  	[hbm4b:s9+s3] =	stream.linear.scatter [tilespmem:s17], [sflag:$0x9], $0x80, $0x38;
	[tilespmem:$0x1E000] =	vst v63  }
0x24c: {  	s6 =	sadd.s32 @!p0 $0x380, s6;
	_ =	swait.ge [sflag:s31], $0x2000  }
0x24d: {  	s6 =	sand.u32 @!p0 $0x1FF80, s6;
	[sflag:s31] =	ssyncset.done $0x0  }
0x24e: {  	s7 =	simm.s32 @!p0 $0x80;
	s8 =	simm.s32 @!p0 $0xA400;
	[sflag:s31] =	ssyncadd.s32 $0xFFFFE000  }
0x24f: {  	[tilespmem:s8], [sflag:$0x3] =	stream.indirect.gather @!p0 [hbm4b:s5+s7], $0x40, s6, s7, $0xb8;
	[tilespmem:$0x1E000] =	vst v63  }
0x250: {  	_ =	swait.ge [sflag:s0], $0x2000  }
0x251: {  	s10 =	sshll.u32 s16, $0x6;
	[sflag:s0] =	ssyncset.done $0x0  }
0x252: {  	s6 =	sand.u32 $0x3FFFFFC0, s10;
	[sflag:s0] =	ssyncadd.s32 $0xFFFFE000  }
0x253: {  	s11 =	simm.s32 $0x3;
	s9 =	simm.s32 $0xE4F0;
	v9 =	vld [tilespmem:s6+$0x1AE00]  }
0x254: {  	v4 =	vmov s11;
	v7 =	vld [tilespmem:s9+$0xFFFFFFD0]  }
0x255: {  	v13 =	vand.u32 $0x7F, v4  }
0x256: {  	s12 =	simm.s32 $0x0;
	v8 =	vadd.s32 v0, v13;
	v6 =	vld [tilespmem:s6+$0x1AE10]  }
0x257: {  	s15 =	simm.s32 $0x1;
	v4 =	vmov s12;
	s17 =	simm.s32 $0x2;
	v10 =	vld [tilespmem:s9+$0xFFFFFF10]  }
0x258: {  	v12 =	vand.u32 $0x7C, v4;
	v4 =	vmov s15;
	v14 =	vmov s17;
	v11 =	vld [tilespmem:s9+$0xFFFFFF50]  }
0x259: {  	v15 =	vadd.s32 v0, v12;
	v19 =	vand.u32 $0x7D, v4;
	v16 =	vld [tilespmem:s9+$0xFFFFFF90];
	v7 =	vadd.f32 v7, v9  }
0x25a: {  	v17 =	vadd.s32 v0, v19;
	v20 =	vand.u32 $0x7E, v14;
	v5 =	vld [tilespmem:s6+$0x1AE20]  }
0x25b: {  	v14 =	vadd.s32 v0, v20;
	v4 =	vld [tilespmem:s6+$0x1AE30];
	[tilespmem:v8+s2+$0x0] =	vst.idx.msk $0xffff, v7  }
0x25c: {  	v7 =	vadd.f32 v10, v9;
	v8 =	vld [tilespmem:s9+$0xFFFFFFE0]  }
0x25d: {  	v10 =	vadd.f32 v11, v9  }
0x25e: {  	v11 =	vadd.s32 v1, v13;
	[tilespmem:v15+s2+$0x0] =	vst.idx.msk $0xffff, v7;
	v7 =	vadd.f32 v16, v9  }
0x25f: {  	[tilespmem:v17+s2+$0x0] =	vst.idx.msk $0xffff, v10;
	v15 =	vld [tilespmem:s9+$0xFFFFFF20]  }
0x260: {  	v10 =	vld [tilespmem:s9+$0xFFFFFF60];
	[tilespmem:v14+s2+$0x0] =	vst.idx.msk $0xffff, v7  }
0x261: {  	v14 =	vld [tilespmem:s9+$0xFFFFFFA0];
	v7 =	vadd.f32 v8, v6  }
0x262: {  	s11 =	simm.s32 $0x7;
	s6 =	simm.s32 $0xE5F0;
	v16 =	vadd.s32 v1, v19  }
0x263: {  	v26 =	vadd.s32 v2, v13;
	s10 =	simm.s32 $0x4;
	v18 =	vld [tilespmem:s6+$0xFFFFFFD0];
	v17 =	vadd.s32 v1, v20;
	[tilespmem:v11+s2+$0x0] =	vst.idx.msk $0xffff, v7;
	v7 =	vmov s11  }
0x264: {  	v21 =	vadd.s32 v1, v12;
	v8 =	vmov s10;
	v7 =	vand.u32 $0x7F, v7;
	v22 =	vld [tilespmem:s9+$0xFFFFFFF0]  }
0x265: {  	s12 =	simm.s32 $0x5;
	v23 =	vld [tilespmem:s6+$0xFFFFFF10];
	v8 =	vand.u32 $0x7C, v8;
	v10 =	vadd.f32 v10, v6;
	v24 =	vadd.s32 v0, v7  }
0x266: {  	s15 =	simm.s32 $0x6;
	v25 =	vld [tilespmem:s6+$0xFFFFFF50];
	v15 =	vadd.f32 v15, v6;
	v11 =	vadd.f32 v14, v6;
	v14 =	vmov s12  }
0x267: {  	v27 =	vadd.s32 v0, v8;
	[tilespmem:v16+s2+$0x0] =	vst.idx.msk $0xffff, v10;
	v16 =	vmov s15;
	v10 =	vand.u32 $0x7D, v14;
	v14 =	vld [tilespmem:s6+$0xFFFFFF90]  }
0x268: {  	[tilespmem:v17+s2+$0x0] =	vst.idx.msk $0xffff, v11;
	v17 =	vadd.s32 v0, v10;
	v11 =	vand.u32 $0x7E, v16;
	v16 =	vadd.f32 v18, v9;
	v18 =	vld [tilespmem:s9+$0xFFFFFF70]  }
0x269: {  	[tilespmem:v21+s2+$0x0] =	vst.idx.msk $0xffff, v15;
	v15 =	vadd.s32 v0, v11;
	v21 =	vld [tilespmem:s9+$0xFFFFFFB0];
	v22 =	vadd.f32 v22, v5  }
0x26a: {  	v23 =	vadd.f32 v23, v9;
	[tilespmem:v24+s2+$0x0] =	vst.idx.msk $0xffff, v16;
	v16 =	vld [tilespmem:s9+$0xFFFFFF30];
	v24 =	vadd.s32 v2, v19  }
0x26b: {  	v29 =	vadd.s32 v2, v20;
	v25 =	vadd.f32 v25, v9;
	v28 =	vld [tilespmem:s6+$0xFFFFFFE0];
	[tilespmem:v26+s2+$0x0] =	vst.idx.msk $0xffff, v22  }
0x26c: {  	[tilespmem:v27+s2+$0x0] =	vst.idx.msk $0xffff, v23;
	v23 =	vadd.s32 v2, v12;
	v14 =	vadd.f32 v14, v9;
	v26 =	vld [tilespmem:s9+$0x0]  }
0x26d: {  	v27 =	vld [tilespmem:s6+$0xFFFFFF20];
	[tilespmem:v17+s2+$0x0] =	vst.idx.msk $0xffff, v25;
	v25 =	vadd.s32 v1, v7;
	v18 =	vadd.f32 v18, v5  }
0x26e: {  	v31 =	vadd.s32 v3, v13;
	v30 =	vld [tilespmem:s6+$0xFFFFFF60];
	[tilespmem:v15+s2+$0x0] =	vst.idx.msk $0xffff, v14;
	v14 =	vadd.f32 v21, v5  }
0x26f: {  	v22 =	vadd.s32 v1, v8;
	v17 =	vld [tilespmem:s6+$0xFFFFFFA0];
	v13 =	vadd.f32 v16, v5;
	[tilespmem:v24+s2+$0x0] =	vst.idx.msk $0xffff, v18  }
0x270: {  	s8 =	simm.s32 $0x8;
	v21 =	vadd.s32 v1, v10;
	[tilespmem:v29+s2+$0x0] =	vst.idx.msk $0xffff, v14;
	v18 =	vadd.f32 v28, v6;
	v16 =	vld [tilespmem:s9+$0xFFFFFF80]  }
0x271: {  	v24 =	vmov s8;
	v14 =	vadd.s32 v1, v11;
	v15 =	vld [tilespmem:s9+$0xFFFFFFC0];
	[tilespmem:v23+s2+$0x0] =	vst.idx.msk $0xffff, v13;
	v63 =	vadd.f32 v26, v4  }
0x272: {  	s17 =	simm.s32 $0xB;
	s7 =	simm.s32 $0xE6F0;
	v19 =	vadd.s32 v3, v19;
	v13 =	vand.u32 $0x7C, v24;
	v24 =	vadd.f32 v27, v6;
	[tilespmem:v25+s2+$0x0] =	vst.idx.msk $0xffff, v18;
	v18 =	vld [tilespmem:s9+$0xFFFFFF40]  }
0x273: {  	v20 =	vadd.s32 v3, v20;
	v26 =	vmov s17;
	v23 =	vld [tilespmem:s7+$0xFFFFFFD0];
	s9 =	simm.s32 $0xC;
	v25 =	vadd.f32 v30, v6;
	[tilespmem:v31+s2+$0x0] =	vst.idx.msk $0xffff, v63  }
.LBB2_19:
0x274: {  	p0 =	slt.u32 s9, $0x7C;
	s10 =	sadd.s32 $0x1, s8;
	v26 =	vand.u32 $0x7F, v26;
	[tilespmem:v22+s2+$0x0] =	vst.idx.msk $0xffff, v24;
	v17 =	vadd.f32 v17, v6;
	v22 =	vld [tilespmem:s6+$0xFFFFFFF0];
	v24 =	vadd.s32 v3, v12  }
0x275: {  	v30 =	vmovc v11;
	v27 =	vld [tilespmem:s7+$0xFFFFFF10];
	v28 =	vmov s10;
	s10 =	sadd.s32 $0x2, s8;
	v29 =	vadd.s32 v0, v26;
	[tilespmem:v21+s2+$0x0] =	vst.idx.msk $0xffff, v25;
	v16 =	vadd.f32 v16, v4;
	s8 =	smov.u32 s9  }
0x276: {  	v12 =	vmovc v8;
	v21 =	vld [tilespmem:s7+$0xFFFFFF50];
	v11 =	vmov s10;
	[tilespmem:v14+s2+$0x0] =	vst.idx.msk $0xffff, v17;
	v14 =	vadd.s32 v2, v7;
	v15 =	vadd.f32 v15, v4  }
0x277: {  	v17 =	vadd.s32 v0, v13;
	v28 =	vand.u32 $0x7D, v28;
	v25 =	vld [tilespmem:s7+$0xFFFFFF90];
	v31 =	vadd.f32 v18, v4;
	[tilespmem:v19+s2+$0x0] =	vst.idx.msk $0xffff, v16  }
0x278: {  	v16 =	vadd.s32 v0, v28;
	v11 =	vand.u32 $0x7E, v11;
	v18 =	vadd.f32 v23, v9;
	v19 =	vld [tilespmem:s6+$0xFFFFFF70];
	[tilespmem:v20+s2+$0x0] =	vst.idx.msk $0xffff, v15  }
0x279: {  	v8 =	vmov v13;
	v15 =	vadd.s32 v0, v11;
	v20 =	vld [tilespmem:s6+$0xFFFFFFB0];
	v22 =	vadd.f32 v22, v5;
	[tilespmem:v24+s2+$0x0] =	vst.idx.msk $0xffff, v31  }
0x27a: {  	v23 =	vadd.s32 v2, v10;
	v13 =	vadd.f32 v27, v9;
	[tilespmem:v29+s2+$0x0] =	vst.idx.msk $0xffff, v18;
	v18 =	vld [tilespmem:s6+$0xFFFFFF30]  }
0x27b: {  	v27 =	vadd.s32 v2, v30;
	v21 =	vadd.f32 v21, v9;
	v24 =	vld [tilespmem:s7+$0xFFFFFFE0];
	[tilespmem:v14+s2+$0x0] =	vst.idx.msk $0xffff, v22  }
0x27c: {  	[tilespmem:v17+s2+$0x0] =	vst.idx.msk $0xffff, v13;
	v13 =	vadd.f32 v25, v9;
	v25 =	vadd.s32 v2, v12;
	v29 =	vld [tilespmem:s6+$0x0]  }
0x27d: {  	v32 =	vadd.s32 v1, v26;
	v31 =	vld [tilespmem:s7+$0xFFFFFF20];
	[tilespmem:v16+s2+$0x0] =	vst.idx.msk $0xffff, v21;
	v14 =	vadd.f32 v19, v5  }
0x27e: {  	v34 =	vadd.s32 v3, v7;
	v7 =	vmov v26;
	v33 =	vld [tilespmem:s7+$0xFFFFFF60];
	[tilespmem:v15+s2+$0x0] =	vst.idx.msk $0xffff, v13;
	v13 =	vadd.f32 v20, v5  }
.Ltmp8:
0x27f: {  	v22 =	vadd.s32 v1, v8;
	v17 =	vld [tilespmem:s7+$0xFFFFFFA0];
	v15 =	vadd.f32 v18, v5;
	[tilespmem:v23+s2+$0x0] =	vst.idx.msk $0xffff, v14;
	(pc) =	sbr.rel @p0 .LBB2_19-.Ltmp8, $4  }
0x280: {  	v21 =	vadd.s32 v1, v28;
	v18 =	vadd.f32 v24, v6;
	v16 =	vld [tilespmem:s6+$0xFFFFFF80];
	[tilespmem:v27+s2+$0x0] =	vst.idx.msk $0xffff, v13  }
0x281: {  	v14 =	vadd.s32 v1, v11;
	v13 =	vmov s9;
	[tilespmem:v25+s2+$0x0] =	vst.idx.msk $0xffff, v15;
	v15 =	vld [tilespmem:s6+$0xFFFFFFC0];
	v27 =	vadd.f32 v29, v4  }
0x282: {  	s10 =	sadd.s32 $0x3, s9;
	v19 =	vadd.s32 v3, v10;
	v13 =	vand.u32 $0x7C, v13;
	v24 =	vadd.f32 v31, v6;
	[tilespmem:v32+s2+$0x0] =	vst.idx.msk $0xffff, v18;
	v18 =	vld [tilespmem:s6+$0xFFFFFF40];
	s6 =	smov.u32 s7;
	s7 =	sadd.s32 $0x100, s7  }
0x283: {  	v26 =	vmov s10;
	v10 =	vmovc v28;
	v20 =	vadd.s32 v3, v30;
	s9 =	sadd.s32 $0x4, s9;
	v23 =	vld [tilespmem:s7+$0xFFFFFFD0];
	v25 =	vadd.f32 v33, v6;
	[tilespmem:v34+s2+$0x0] =	vst.idx.msk $0xffff, v27  }
0x284: {  	s9 =	sadd.s32 $0x1, s8  }
0x285: {  	v26 =	vand.u32 $0x7F, v26;
	v28 =	vld [tilespmem:s7+$0xFFFFFF50];
	v27 =	vmov s9;
	s9 =	sadd.s32 $0x2, s8  }
0x286: {  	v31 =	vld [tilespmem:s7+$0xFFFFFF90];
	v29 =	vadd.s32 v0, v26;
	v30 =	vmov s9;
	v27 =	vand.u32 $0x7D, v27  }
0x287: {  	v32 =	vld [tilespmem:s7+$0xFFFFFF10];
	v33 =	vadd.s32 v0, v27;
	v30 =	vand.u32 $0x7E, v30  }
0x288: {  	v34 =	vadd.s32 v0, v30  }
0x289: {  	[tilespmem:v22+s2+$0x0] =	vst.idx.msk $0xffff, v24;
	v44 =	vadd.s32 v0, v13;
	v23 =	vadd.f32 v23, v9  }
0x28a: {  	[tilespmem:v21+s2+$0x0] =	vst.idx.msk $0xffff, v25;
	v45 =	vadd.f32 v28, v9  }
0x28b: {  	v46 =	vadd.f32 v31, v9;
	[tilespmem:v29+s2+$0x0] =	vst.idx.msk $0xffff, v23  }
0x28c: {  	v47 =	vadd.f32 v32, v9;
	v48 =	vld [tilespmem:s7+$0xFFFFFFE0];
	[tilespmem:v33+s2+$0x0] =	vst.idx.msk $0xffff, v45  }
0x28d: {  	v17 =	vadd.f32 v17, v6;
	v12 =	vadd.s32 v3, v12;
	v21 =	vld [tilespmem:s7+$0xFFFFFF60];
	[tilespmem:v34+s2+$0x0] =	vst.idx.msk $0xffff, v46  }
0x28e: {  	v16 =	vadd.f32 v16, v4;
	v49 =	vadd.s32 v1, v26;
	[tilespmem:v44+s2+$0x0] =	vst.idx.msk $0xffff, v47;
	v50 =	vld [tilespmem:s7+$0xFFFFFFA0]  }
0x28f: {  	[tilespmem:v14+s2+$0x0] =	vst.idx.msk $0xffff, v17;
	v51 =	vadd.f32 v15, v4;
	v53 =	vadd.s32 v1, v27;
	v52 =	vld [tilespmem:s7+$0xFFFFFF20]  }
0x290: {  	v54 =	vld [tilespmem:s6+$0xFFFFFFF0];
	v18 =	vadd.f32 v18, v4;
	[tilespmem:v19+s2+$0x0] =	vst.idx.msk $0xffff, v16;
	v55 =	vadd.s32 v1, v30  }
0x291: {  	v57 =	vadd.s32 v1, v13;
	v60 =	vld [tilespmem:s6+$0xFFFFFFB0];
	[tilespmem:v20+s2+$0x0] =	vst.idx.msk $0xffff, v51;
	v58 =	vadd.f32 v48, v6  }
0x292: {  	v59 =	vadd.s32 v2, v7;
	v56 =	vld [tilespmem:s6+$0xFFFFFF70];
	[tilespmem:v12+s2+$0x0] =	vst.idx.msk $0xffff, v18;
	v61 =	vadd.f32 v21, v6  }
0x293: {  	v62 =	vld [tilespmem:s6+$0xFFFFFF30];
	v29 =	vadd.s32 v2, v11;
	[tilespmem:v49+s2+$0x0] =	vst.idx.msk $0xffff, v58;
	v28 =	vadd.f32 v50, v6  }
0x294: {  	v63 =	vadd.s32 v2, v10;
	v31 =	vadd.f32 v52, v6;
	v32 =	vld [tilespmem:s7+$0xFFFFFFF0];
	[tilespmem:v53+s2+$0x0] =	vst.idx.msk $0xffff, v61  }
0x295: {  	v33 =	vadd.f32 v54, v5;
	v34 =	vadd.s32 v2, v8;
	[tilespmem:v55+s2+$0x0] =	vst.idx.msk $0xffff, v28;
	v35 =	vld [tilespmem:s7+$0xFFFFFF70]  }
0x296: {  	v37 =	vadd.s32 v2, v26;
	v39 =	vadd.f32 v60, v5;
	[tilespmem:v57+s2+$0x0] =	vst.idx.msk $0xffff, v31;
	v38 =	vld [tilespmem:s7+$0xFFFFFFB0]  }
0x297: {  	v41 =	vadd.s32 v2, v27;
	v36 =	vadd.f32 v56, v5;
	[tilespmem:v59+s2+$0x0] =	vst.idx.msk $0xffff, v33;
	v40 =	vld [tilespmem:s7+$0xFFFFFF30]  }
0x298: {  	v43 =	vadd.s32 v2, v30;
	v18 =	vadd.f32 v62, v5;
	v42 =	vld [tilespmem:s6+$0x0];
	[tilespmem:v29+s2+$0x0] =	vst.idx.msk $0xffff, v39  }
0x299: {  	v45 =	vadd.s32 v2, v13;
	[tilespmem:v63+s2+$0x0] =	vst.idx.msk $0xffff, v36;
	v47 =	vld [tilespmem:s6+$0xFFFFFFC0];
	v44 =	vadd.f32 v32, v5  }
0x29a: {  	v46 =	vadd.s32 v3, v7;
	v21 =	vld [tilespmem:s6+$0xFFFFFF80];
	[tilespmem:v34+s2+$0x0] =	vst.idx.msk $0xffff, v18;
	v9 =	vadd.f32 v35, v5  }
0x29b: {  	v18 =	vld [tilespmem:s6+$0xFFFFFF40];
	v50 =	vadd.s32 v3, v11;
	[tilespmem:v37+s2+$0x0] =	vst.idx.msk $0xffff, v44;
	v49 =	vadd.f32 v38, v5  }
0x29c: {  	v48 =	vadd.s32 v3, v10;
	v12 =	vld [tilespmem:s7+$0x0];
	v5 =	vadd.f32 v40, v5;
	[tilespmem:v41+s2+$0x0] =	vst.idx.msk $0xffff, v9  }
0x29d: {  	v52 =	vadd.s32 v3, v8;
	v51 =	vadd.f32 v42, v4;
	v53 =	vld [tilespmem:s7+$0xFFFFFF80];
	[tilespmem:v43+s2+$0x0] =	vst.idx.msk $0xffff, v49  }
0x29e: {  	v55 =	vadd.s32 v3, v26;
	v56 =	vadd.f32 v47, v4;
	[tilespmem:v45+s2+$0x0] =	vst.idx.msk $0xffff, v5;
	v5 =	vld [tilespmem:s7+$0xFFFFFFC0]  }
0x29f: {  	v58 =	vadd.s32 v3, v27;
	[tilespmem:v46+s2+$0x0] =	vst.idx.msk $0xffff, v51;
	v54 =	vadd.f32 v21, v4;
	v57 =	vld [tilespmem:s7+$0xFFFFFF40]  }
0x2a0: {  	v60 =	vadd.s32 v3, v30;
	v59 =	vadd.f32 v18, v4;
	[tilespmem:v50+s2+$0x0] =	vst.idx.msk $0xffff, v56  }
0x2a1: {  	v62 =	vadd.s32 v3, v13;
	[tilespmem:v48+s2+$0x0] =	vst.idx.msk $0xffff, v54;
	v61 =	vadd.f32 v12, v4  }
0x2a2: {  	[tilespmem:v52+s2+$0x0] =	vst.idx.msk $0xffff, v59;
	v63 =	vadd.f32 v53, v4  }
0x2a3: {  	s10 =	sshll.u32 s16, $0x12;
	[tilespmem:v55+s2+$0x0] =	vst.idx.msk $0xffff, v61;
	v5 =	vadd.f32 v5, v4  }
0x2a4: {  	s6 =	sor.u32 s4, s10;
	v4 =	vadd.f32 v57, v4;
	[tilespmem:v58+s2+$0x0] =	vst.idx.msk $0xffff, v63  }
0x2a5: {  	s6 =	sshrl.u32 s6, $0x3;
	[tilespmem:v60+s2+$0x0] =	vst.idx.msk $0xffff, v5  }
0x2a6: {  	s11 =	simm.s32 $0x18C00;
	s7 =	sadd.s32 s1, s6;
	[tilespmem:v62+s2+$0x0] =	vst.idx.msk $0xffff, v4  }
0x2a7: {  	[hbm4b:s7+s3] =	stream.linear.scatter [tilespmem:s11], [sflag:$0xA], $0x80, $0x38;
	[tilespmem:$0x1E000] =	vst v63  }
0x2a8: {  	s12 =	simm.s32 $0x18C88;
	s15 =	sadd.s32 $0x10, s7  }
0x2a9: {  	[hbm4b:s15+s3] =	stream.linear.scatter [tilespmem:s12], [sflag:$0xA], $0x80, $0x38;
	[tilespmem:$0x1E000] =	vst v63  }
0x2aa: {  	s16 =	simm.s32 $0x18D10;
	s8 =	simm.s32 $0x18D98;
	s17 =	sadd.s32 $0x20, s7  }
0x2ab: {  	[hbm4b:s17+s3] =	stream.linear.scatter [tilespmem:s16], [sflag:$0xA], $0x80, $0x38;
	[tilespmem:$0x1E000] =	vst v63  }
0x2ac: {  	s10 =	simm.s32 $0x18E20;
	s6 =	simm.s32 $0x440;
	s9 =	sadd.s32 $0x30, s7  }
0x2ad: {  	[hbm4b:s9+s3] =	stream.linear.scatter [tilespmem:s8], [sflag:$0xA], $0x80, $0x38;
	[tilespmem:$0x1E000] =	vst v63  }
0x2ae: {  	s11 =	sadd.s32 $0x40, s7;
	s12 =	simm.s32 $0x18EA8;
	s15 =	sadd.s32 $0x50, s7  }
0x2af: {  	[hbm4b:s11+s3] =	stream.linear.scatter [tilespmem:s10], [sflag:$0xA], $0x80, $0x38;
	[tilespmem:$0x1E000] =	vst v63  }
0x2b0: {  	s16 =	simm.s32 $0x18F30;
	s17 =	sadd.s32 $0x60, s7;
	s8 =	simm.s32 $0x2200  }
0x2b1: {  	[hbm4b:s15+s3] =	stream.linear.scatter [tilespmem:s12], [sflag:$0xA], $0x80, $0x38;
	[tilespmem:$0x1E000] =	vst v63  }
0x2b2: {  	s9 =	simm.s32 $0x18FB8;
	s11 =	sadd.s32 $0x70, s7;
	s7 =	sadd.s32 $0x1000, s7  }
0x2b3: {  	[hbm4b:s17+s3] =	stream.linear.scatter [tilespmem:s16], [sflag:$0xA], $0x80, $0x38;
	[tilespmem:$0x1E000] =	vst v63  }
.LBB2_21:
0x2b4: {  	[hbm4b:s11+s3] =	stream.linear.scatter [tilespmem:s9], [sflag:$0xA], $0x80, $0x38;
	[tilespmem:$0x1E000] =	vst v63  }
0x2b5: {  	s9 =	smov.u32 s6;
	s6 =	smov.u32 s8  }
0x2b6: {  	s10 =	sadd.s32 $0x1100, s8;
	s6 =	sshra.s32 s6, $0x2;
	s11 =	sadd.s32 $0x18C00, s9  }
0x2b7: {  	[hbm4b:s7+s3] =	stream.linear.scatter [tilespmem:s11], [sflag:$0xA], $0x80, $0x38;
	[tilespmem:$0x1E000] =	vst v63  }
0x2b8: {  	p0 =	sne.s32 s8, $0x7700;
	s8 =	sadd.s32 $0x18C88, s9;
	s11 =	sadd.s32 $0x10, s7  }
0x2b9: {  	[hbm4b:s11+s3] =	stream.linear.scatter [tilespmem:s8], [sflag:$0xA], $0x80, $0x38;
	[tilespmem:$0x1E000] =	vst v63  }
0x2ba: {  	s8 =	sadd.s32 $0x18D10, s9;
	s11 =	sadd.s32 $0x20, s7  }
0x2bb: {  	[hbm4b:s11+s3] =	stream.linear.scatter [tilespmem:s8], [sflag:$0xA], $0x80, $0x38;
	[tilespmem:$0x1E000] =	vst v63  }
0x2bc: {  	s8 =	sadd.s32 $0x18D98, s9;
	s11 =	sadd.s32 $0x30, s7  }
0x2bd: {  	[hbm4b:s11+s3] =	stream.linear.scatter [tilespmem:s8], [sflag:$0xA], $0x80, $0x38;
	[tilespmem:$0x1E000] =	vst v63  }
0x2be: {  	s8 =	sadd.s32 $0x18E20, s9;
	s11 =	sadd.s32 $0x40, s7  }
0x2bf: {  	[hbm4b:s11+s3] =	stream.linear.scatter [tilespmem:s8], [sflag:$0xA], $0x80, $0x38;
	[tilespmem:$0x1E000] =	vst v63  }
.Ltmp9:
0x2c0: {  	s8 =	sadd.s32 $0x18EA8, s9;
	s11 =	sadd.s32 $0x50, s7;
	(pc) =	sbr.rel @p0 .LBB2_21-.Ltmp9, $4  }
0x2c1: {  	[hbm4b:s11+s3] =	stream.linear.scatter [tilespmem:s8], [sflag:$0xA], $0x80, $0x38;
	[tilespmem:$0x1E000] =	vst v63  }
0x2c2: {  	s8 =	sadd.s32 $0x18F30, s9;
	s11 =	sadd.s32 $0x60, s7;
	s9 =	sadd.s32 $0x18FB8, s9  }
0x2c3: {  	[hbm4b:s11+s3] =	stream.linear.scatter [tilespmem:s8], [sflag:$0xA], $0x80, $0x38;
	[tilespmem:$0x1E000] =	vst v63  }
0x2c4: {  	s11 =	sadd.s32 $0x70, s7;
	s7 =	sadd.s32 $0x1000, s7;
	s8 =	smov.u32 s10  }
0x2c5: {  	[hbm4b:s11+s3] =	stream.linear.scatter [tilespmem:s9], [sflag:$0xA], $0x80, $0x38;
	[tilespmem:$0x1E000] =	vst v63  }
0x2c6: {  	s8 =	sadd.s32 $0x18C00, s6  }
0x2c7: {  	[hbm4b:s7+s3] =	stream.linear.scatter [tilespmem:s8], [sflag:$0xA], $0x80, $0x38;
	[tilespmem:$0x1E000] =	vst v63  }
0x2c8: {  	s16 =	sadd.s32 $0x18C88, s6;
	s17 =	sadd.s32 $0x10, s7  }
0x2c9: {  	[hbm4b:s17+s3] =	stream.linear.scatter [tilespmem:s16], [sflag:$0xA], $0x80, $0x38;
	[tilespmem:$0x1E000] =	vst v63  }
0x2ca: {  	s10 =	sadd.s32 $0x18D10, s6;
	s11 =	sadd.s32 $0x20, s7  }
0x2cb: {  	[hbm4b:s11+s3] =	stream.linear.scatter [tilespmem:s10], [sflag:$0xA], $0x80, $0x38;
	[tilespmem:$0x1E000] =	vst v63  }
0x2cc: {  	s12 =	sadd.s32 $0x18D98, s6;
	s15 =	sadd.s32 $0x30, s7  }
0x2cd: {  	[hbm4b:s15+s3] =	stream.linear.scatter [tilespmem:s12], [sflag:$0xA], $0x80, $0x38;
	[tilespmem:$0x1E000] =	vst v63  }
0x2ce: {  	s14 =	sadd.s32 $0x1, s14;
	s16 =	sadd.s32 $0x18E20, s6;
	s17 =	sadd.s32 $0x40, s7  }
0x2cf: {  	[hbm4b:s17+s3] =	stream.linear.scatter [tilespmem:s16], [sflag:$0xA], $0x80, $0x38;
	[tilespmem:$0x1E000] =	vst v63  }
0x2d0: {  	p0 =	sne.s32 s14, $0x28;
	s10 =	sadd.s32 $0x18EA8, s6;
	s11 =	sadd.s32 $0x50, s7  }
0x2d1: {  	[hbm4b:s11+s3] =	stream.linear.scatter [tilespmem:s10], [sflag:$0xA], $0x80, $0x38;
	[tilespmem:$0x1E000] =	vst v63  }
.Ltmp10:
0x2d2: {  	_ = 	snop;
	(pc) =	sbr.rel @p0 .LBB2_2-.Ltmp10, $4  }
0x2d3: {  	s12 =	sadd.s32 $0x18F30, s6;
	s15 =	sadd.s32 $0x60, s7  }
0x2d4: {  	[hbm4b:s15+s3] =	stream.linear.scatter [tilespmem:s12], [sflag:$0xA], $0x80, $0x38;
	[tilespmem:$0x1E000] =	vst v63  }
0x2d5: {  	s16 =	sadd.s32 $0x18FB8, s6;
	s17 =	sadd.s32 $0x70, s7  }
0x2d6: {  	[hbm4b:s17+s3] =	stream.linear.scatter [tilespmem:s16], [sflag:$0xA], $0x80, $0x38;
	[tilespmem:$0x1E000] =	vst v63  }
0x2d7: {  	s6 =	simm.s32 $0x9  }
0x2d8: {  	_ =	swait.ge [sflag:s6], $0x2000  }
0x2d9: {  	[sflag:s6] =	ssyncset.done $0x0  }
0x2da: {  	s7 =	simm.s32 $0xA;
	[sflag:s6] =	ssyncadd.s32 $0xFFFFE000  }
0x2db: {  	_ =	swait.ge [sflag:s7], $0x2000  }
0x2dc: {  	s8 =	rddreg [dreg:$0x7]  }
0x2dd: {  	s17 =	rddreg [dreg:$0x6];
	s8 =	sadd.s32 $0x1, s8  }
0x2de: {  	p0 =	sne.s32 s8, s17  }
.Ltmp11:
0x2df: {  	_ = 	snop;
	(pc) =	sbr.rel @p0 .LBB2_1-.Ltmp11, $3  }
0x2e0: {  	_ =	sdelay $0x1  }
0x2e1: {  	[sflag:s7] =	ssyncset.done $0x0  }
0x2e2: {  	[sflag:s7] =	ssyncadd.s32 $0xFFFFE000  }
0x2e3: {  	_ =	sfence.sel $0x180000  }
0x2e4: {  	[bflag:$0x0] =	sbarrier.arrive $0xFFFF  }
0x2e5: {  	_ =	strace $0x90000047  }
0x2e6: {  	s0 =	stileid.u32;
	[bflag:$0x2] =	sbarrier.arrive $0xFFFF  }
0x2e7: {  	p0 =	sne.s32 s0, $0x0;
	s0 =	rddreg [dreg:$0x3]  }
0x2e8: {  	s0 =	sadd.s32 @!p0 $0x100000, s0  }
0x2e9: {  	[sflag:s0] =	ssyncadd.tile.s32 @!p0 $0x1;
	_ =	shalt  }
.Lfunc_end2:
_tile_overlayer_lowered:
.L_overlay_start_2:
0x2ea: {  	(tag) =	ssettag $0x2  }
0x2eb: {  	s0 =	rddreg [dreg:$0x0];
	s2 =	stileid.u32  }
0x2ec: {  	s1 =	rddreg [dreg:$0x1];
	p0 =	sne.s32 s2, $0x0  }
0x2ed: {  	s3 =	rddreg [dreg:$0x2];
	[bflag:$0x3] =	sbarrier.arrive $0xFFFF;
	s2 =	simm.s32 @!p0 $0x1C0B  }
0x2ee: {  	[timem:s3], [sflag:s2] =	dma.local @!p0 [hbm:s0], s1  }
0x2ef: {  	s0 =	simm.s32 @!p0 $0xB  }
0x2f0: {  	_ =	swait.ge @!p0 [sflag:s0], s1  }
0x2f1: {  	s1 =	ssub.s32 @!p0 $0x0, s1;
	[sflag:s0] =	ssyncset.done @!p0 $0x0  }
0x2f2: {  	[sflag:s0] =	ssyncadd.s32 @!p0 s1  }
0x2f3: {  	[bflag:$0x3] =	sbarrier.arrive $0xFFFF  }
0x2f4: {  	_ =	shalt  }

</sc_bundles>
